<compile_context>
chip_gen: v7x
topology: tpu7x:2x2x1
jax: 0.10.2.dev20260603
libtpu: 0.0.44.dev20260713+nightly
codegen_flags: <defaults>
</compile_context>

<pallas_src>
import functools

import jax
import jax.numpy as jnp
from jax import lax
from jax.experimental import pallas as pl
from jax.experimental.pallas import tpu as pltpu
from jax.experimental.pallas import tpu_sc as plsc

N = 10000
E = 320000
D_IN = 128
D_HID = 256
D_OUT = 128

NC = 2
NS = 16
ACC_ROWS = 10240
ROWS_PER_TILE = ACC_ROWS // NS
CH = 80
CHD = 80
ZROWS = 40


def _mesh():
    return plsc.VectorSubcoreMesh(core_axis_name="c", subcore_axis_name="s")


@functools.partial(
    pl.kernel,
    mesh=_mesh(),
    out_type=jax.ShapeDtypeStruct((NC * ACC_ROWS,), jnp.float32),
    scratch_types=[
        pltpu.VMEM((CHD,), jnp.int32),
        pltpu.VMEM((CHD,), jnp.int32),
        pltpu.VMEM((CHD,), jnp.float32),
        pltpu.VMEM((ROWS_PER_TILE,), jnp.float32),
        pltpu.VMEM_SHARED((ACC_ROWS,), jnp.float32),
        pltpu.SemaphoreType.DMA,
        pltpu.SemaphoreType.DMA,
    ],
)
def _deg_sc(dst_hbm, out_hbm, dv0, dv1, ones, zflat, dacc, si0, si1):
    c = lax.axis_index("c")
    s = lax.axis_index("s")
    one16 = jnp.ones((16,), jnp.float32)
    zero16 = jnp.zeros((16,), jnp.float32)
    for j in range(CHD // 16):
        ones[pl.ds(j * 16, 16)] = one16

    def zinit(i, _):
        zflat[pl.ds(i * 16, 16)] = zero16
        return 0

    lax.fori_loop(0, ROWS_PER_TILE // 16, zinit, 0)
    pltpu.sync_copy(zflat, dacc.at[pl.ds(s * ROWS_PER_TILE, ROWS_PER_TILE)])
    plsc.subcore_barrier()

    epc = E // NC
    ept = epc // NS
    nch = ept // CHD
    first = nch % 2
    ebase = c * epc + s * ept

    def istart(g, dv, sem):
        b = ebase + jnp.minimum(g, nch - 1) * CHD
        pltpu.async_copy(dst_hbm.at[pl.ds(b, CHD)], dv, sem)

    def iwait(dv, sem):
        pltpu.make_async_copy(dst_hbm.at[pl.ds(0, CHD)], dv, sem).wait()

    if first:
        pltpu.sync_copy(dst_hbm.at[pl.ds(ebase, CHD)], dv0)
        pltpu.sync_copy(ones, dacc.at[dv0], add=True)
    istart(first, dv0, si0)
    istart(first + 1, dv1, si1)

    def pair(k, _):
        a = first + 2 * k
        iwait(dv0, si0)
        pltpu.sync_copy(ones, dacc.at[dv0], add=True)
        istart(a + 2, dv0, si0)
        iwait(dv1, si1)
        pltpu.sync_copy(ones, dacc.at[dv1], add=True)
        istart(a + 3, dv1, si1)
        return 0

    lax.fori_loop(0, (nch - first) // 2, pair, 0)
    iwait(dv0, si0)
    iwait(dv1, si1)
    plsc.subcore_barrier()
    pltpu.sync_copy(
        dacc.at[pl.ds(s * ROWS_PER_TILE, ROWS_PER_TILE)],
        out_hbm.at[pl.ds(c * ACC_ROWS + s * ROWS_PER_TILE, ROWS_PER_TILE)],
    )


def _make_agg(n_tbl_rows, d, edges_per_tile, core_edge_stride, core_tbl_stride,
              ch):
    n_chunks = edges_per_tile // ch
    tail = edges_per_tile - n_chunks * ch
    assert ch <= 128 and ch % 16 == 0
    assert tail % 16 == 0

    @functools.partial(
        pl.kernel,
        mesh=_mesh(),
        out_type=jax.ShapeDtypeStruct((NC * ACC_ROWS, d), jnp.float32),
        scratch_types=[
            pltpu.VMEM((ch,), jnp.int32),
            pltpu.VMEM((ch,), jnp.int32),
            pltpu.VMEM((ch,), jnp.int32),
            pltpu.VMEM((ch,), jnp.int32),
            pltpu.VMEM((ch,), jnp.int32),
            pltpu.VMEM((ch,), jnp.int32),
            pltpu.VMEM((max(tail, 16),), jnp.int32),
            pltpu.VMEM((max(tail, 16),), jnp.int32),
            pltpu.VMEM((max(tail, 16),), jnp.int32),
            pltpu.VMEM((max(tail, 16), d), jnp.float32),
            pltpu.VMEM((ch, d), jnp.float32),
            pltpu.VMEM((ch, d), jnp.float32),
            pltpu.VMEM((ZROWS, d), jnp.float32),
            pltpu.VMEM_SHARED((ACC_ROWS, d), jnp.float32),
            pltpu.SemaphoreType.DMA,
            pltpu.SemaphoreType.DMA,
            pltpu.SemaphoreType.DMA,
            pltpu.SemaphoreType.DMA,
        ],
    )
    def agg(src_hbm, dst_hbm, tbl_hbm, out_hbm, sv0, sv1, gv0, gv1, dv0, dv1,
            svt, gvt, dvt, rowst, rows0, rows1, zbuf, acc, si0, si1, sg0, sg1):
        c = lax.axis_index("c")
        s = lax.axis_index("s")
        zero16 = jnp.zeros((16,), jnp.float32)
        vecs_per_row = d // 16

        def zinit(i, _):
            zbuf[i // vecs_per_row, pl.ds((i % vecs_per_row) * 16, 16)] = zero16
            return 0

        lax.fori_loop(0, ZROWS * vecs_per_row, zinit, 0)

        def zcopy(j, _):
            pltpu.sync_copy(
                zbuf, acc.at[pl.ds(s * ROWS_PER_TILE + j * ZROWS, ZROWS)])
            return 0

        lax.fori_loop(0, ROWS_PER_TILE // ZROWS, zcopy, 0)
        plsc.subcore_barrier()

        ebase = c * core_edge_stride + s * edges_per_tile
        toff = jnp.broadcast_to((c * core_tbl_stride).astype(jnp.int32), (16,))

        def idx_start(g, sv, dv, sem):
            b = ebase + jnp.minimum(g, n_chunks - 1) * ch
            pltpu.async_copy(src_hbm.at[pl.ds(b, ch)], sv, sem)
            pltpu.async_copy(dst_hbm.at[pl.ds(b, ch)], dv, sem)

        def idx_wait(sv, dv, sem):
            pltpu.make_async_copy(src_hbm.at[pl.ds(0, ch)], sv, sem).wait()
            pltpu.make_async_copy(dst_hbm.at[pl.ds(0, ch)], dv, sem).wait()

        def adjust(sv, gv):
            if core_tbl_stride:
                for j in range(ch // 16):
                    gv[pl.ds(j * 16, 16)] = sv[pl.ds(j * 16, 16)] + toff

        def _idxref(sv, gv):
            return gv if core_tbl_stride else sv

        def gather_start(sv, gv, rows, sem):
            pltpu.async_copy(tbl_hbm.at[_idxref(sv, gv)], rows, sem)

        def gather_wait(sv, gv, rows, sem):
            pltpu.make_async_copy(
                tbl_hbm.at[_idxref(sv, gv)], rows, sem).wait()

        def scatter(dv, rows):
            pltpu.sync_copy(rows, acc.at[dv], add=True)

        if tail:
            tb = ebase + n_chunks * ch
            pltpu.sync_copy(src_hbm.at[pl.ds(tb, tail)], svt)
            pltpu.sync_copy(dst_hbm.at[pl.ds(tb, tail)], dvt)
            if core_tbl_stride:
                for j in range(tail // 16):
                    gvt[pl.ds(j * 16, 16)] = svt[pl.ds(j * 16, 16)] + toff
            tref = gvt if core_tbl_stride else svt
            pltpu.async_copy(tbl_hbm.at[tref], rowst, sg0).wait()
            pltpu.sync_copy(rowst, acc.at[dvt], add=True)

        first = n_chunks % 2
        if first:
            pltpu.sync_copy(src_hbm.at[pl.ds(ebase, ch)], sv0)
            pltpu.sync_copy(dst_hbm.at[pl.ds(ebase, ch)], dv0)
            adjust(sv0, gv0)
            gather_start(sv0, gv0, rows0, sg0)
            gather_wait(sv0, gv0, rows0, sg0)
            scatter(dv0, rows0)
        pltpu.sync_copy(src_hbm.at[pl.ds(ebase + first * ch, ch)], sv0)
        pltpu.sync_copy(dst_hbm.at[pl.ds(ebase + first * ch, ch)], dv0)
        adjust(sv0, gv0)
        gather_start(sv0, gv0, rows0, sg0)
        idx_start(first + 1, sv1, dv1, si1)

        def pair(k, _):
            a = first + 2 * k
            gather_wait(sv0, gv0, rows0, sg0)
            idx_wait(sv1, dv1, si1)
            adjust(sv1, gv1)
            gather_start(sv1, gv1, rows1, sg1)
            scatter(dv0, rows0)
            idx_start(a + 2, sv0, dv0, si0)
            gather_wait(sv1, gv1, rows1, sg1)
            idx_wait(sv0, dv0, si0)
            adjust(sv0, gv0)
            gather_start(sv0, gv0, rows0, sg0)
            scatter(dv1, rows1)
            idx_start(a + 3, sv1, dv1, si1)
            return 0

        lax.fori_loop(0, (n_chunks - first) // 2, pair, 0)
        idx_wait(sv1, dv1, si1)
        gather_wait(sv0, gv0, rows0, sg0)
        plsc.subcore_barrier()
        pltpu.sync_copy(
            acc.at[pl.ds(s * ROWS_PER_TILE, ROWS_PER_TILE)],
            out_hbm.at[pl.ds(c * ACC_ROWS + s * ROWS_PER_TILE, ROWS_PER_TILE)],
        )

    return agg


_agg1 = _make_agg(2 * N, D_HID // 2, E // NS, 0, N, 128)
_agg2 = _make_agg(N, D_OUT, E // (NC * NS), E // NC, 0, 128)


_RB = 1000


def _dis_from(deg_ref):
    deg = deg_ref[:, 0] + deg_ref[:, 1]
    return jnp.where(deg > 0, lax.rsqrt(jnp.maximum(deg, 1e-12)), 0.0)


def _tc0_body(x_ref, w1_ref, out_ref):
    out_ref[...] = jnp.dot(
        x_ref[...], w1_ref[...], preferred_element_type=jnp.float32)


_tc0 = pl.pallas_call(
    _tc0_body,
    grid=(N // _RB,),
    in_specs=[
        pl.BlockSpec((_RB, D_IN), lambda i: (i, 0)),
        pl.BlockSpec((D_IN, D_HID), lambda i: (0, 0)),
    ],
    out_specs=pl.BlockSpec((_RB, D_HID), lambda i: (i, 0)),
    out_shape=jax.ShapeDtypeStruct((N, D_HID), jnp.float32),
)


def _tc1_body(h_ref, deg_ref, out_ref):
    dis = _dis_from(deg_ref)
    hs = h_ref[...] * dis[:, None]
    out_ref[0] = hs[:, : D_HID // 2]
    out_ref[1] = hs[:, D_HID // 2:]


_tc1 = pl.pallas_call(
    _tc1_body,
    grid=(N // _RB,),
    in_specs=[
        pl.BlockSpec((_RB, D_HID), lambda i: (i, 0)),
        pl.BlockSpec((_RB, 2), lambda i: (i, 0)),
    ],
    out_specs=pl.BlockSpec((2, _RB, D_HID // 2), lambda i: (0, i, 0)),
    out_shape=jax.ShapeDtypeStruct((2, N, D_HID // 2), jnp.float32),
)


def _tc2_body(raw_ref, deg_ref, b1_ref, w2_ref, out_ref):
    dis = _dis_from(deg_ref)
    raw = raw_ref[...]
    h = jnp.concatenate([raw[0], raw[1]], axis=1) * dis[:, None] + b1_ref[...]
    h = jnp.maximum(h, 0.0)
    h2 = jnp.dot(h, w2_ref[...], preferred_element_type=jnp.float32)
    out_ref[...] = h2 * dis[:, None]


_tc2 = pl.pallas_call(
    _tc2_body,
    grid=(N // _RB,),
    in_specs=[
        pl.BlockSpec((2, _RB, D_HID // 2), lambda i: (0, i, 0)),
        pl.BlockSpec((_RB, 2), lambda i: (i, 0)),
        pl.BlockSpec((1, D_HID), lambda i: (0, 0)),
        pl.BlockSpec((D_HID, D_OUT), lambda i: (0, 0)),
    ],
    out_specs=pl.BlockSpec((_RB, D_OUT), lambda i: (i, 0)),
    out_shape=jax.ShapeDtypeStruct((N, D_OUT), jnp.float32),
)


def _tc3_body(raw_ref, deg_ref, b2_ref, out_ref):
    dis = _dis_from(deg_ref)
    raw = raw_ref[...]
    out_ref[...] = (raw[0] + raw[1]) * dis[:, None] + b2_ref[...]


_tc3 = pl.pallas_call(
    _tc3_body,
    grid=(N // _RB,),
    in_specs=[
        pl.BlockSpec((2, _RB, D_OUT), lambda i: (0, i, 0)),
        pl.BlockSpec((_RB, 2), lambda i: (i, 0)),
        pl.BlockSpec((1, D_OUT), lambda i: (0, 0)),
    ],
    out_specs=pl.BlockSpec((_RB, D_OUT), lambda i: (i, 0)),
    out_shape=jax.ShapeDtypeStruct((N, D_OUT), jnp.float32),
)


def kernel(x, edge_index, W1, b1, W2, b2):
    ei = edge_index.astype(jnp.int32)
    src = ei[0]
    dst = ei[1]

    h1 = _tc0(x, W1)
    deg_pad = _deg_sc(dst)
    deg2 = deg_pad.reshape(NC, ACC_ROWS)[:, :N].T
    h1s_split = _tc1(h1, deg2)
    table1 = h1s_split.reshape(2 * N, D_HID // 2)
    raw1_pad = _agg1(src, dst, table1)
    raw1 = raw1_pad.reshape(NC, ACC_ROWS, D_HID // 2)[:, :N]

    h2s = _tc2(raw1, deg2, b1.reshape(1, D_HID), W2)
    raw2_pad = _agg2(src, dst, h2s)
    raw2 = raw2_pad.reshape(NC, ACC_ROWS, D_OUT)[:, :N]

    return _tc3(raw2, deg2, b2.reshape(1, D_OUT))

# --- scband reference (transcript-rebuilt; emitter-appended) ---
"""Pipeline reference for scband-encoder-72971494359297 (READ-ONLY COPY).

The authoritative reference and input builder live on the scoring server;
editing this copy changes nothing except your own understanding.
"""

import jax, jax.numpy as jnp
import numpy as np

N_NODES = 10000
N_EDGES = 320000
D_IN = 128
D_HID = 256  # 2 * out_channels
D_OUT = 128


def _gcn_conv(x, edge_index, W, b):
    # GCNConv (sym norm, add_self_loops=False per Encoder init):
    # out = D^{-1/2} A D^{-1/2} (X W) + b
    src = edge_index[0]
    dst = edge_index[1]
    n = x.shape[0]
    h = x @ W
    ones = jnp.ones((src.shape[0],), dtype=h.dtype)
    deg = jax.ops.segment_sum(ones, dst, num_segments=n)
    d_inv_sqrt = jnp.where(deg > 0, jax.lax.rsqrt(jnp.maximum(deg, 1e-12)), 0.0)
    norm = d_inv_sqrt[src] * d_inv_sqrt[dst]
    msg = h[src] * norm[:, None]
    out = jax.ops.segment_sum(msg, dst, num_segments=n)
    return out + b


def setup_inputs(seed: int = 0) -> dict:
    key = jax.random.key(seed)
    k_x, k_e, k_w1, k_b1, k_w2, k_b2 = jax.random.split(key, 6)
    x = jax.random.normal(k_x, (N_NODES, D_IN), dtype=jnp.float32)
    edge_index = jax.random.randint(k_e, (2, N_EDGES), 0, N_NODES, dtype=jnp.int64)
    # Glorot-style init for GCN weights
    W1 = jax.random.normal(k_w1, (D_IN, D_HID), dtype=jnp.float32) * (1.0 / np.sqrt(D_IN))
    b1 = jnp.zeros((D_HID,), dtype=jnp.float32)
    W2 = jax.random.normal(k_w2, (D_HID, D_OUT), dtype=jnp.float32) * (1.0 / np.sqrt(D_HID))
    b2 = jnp.zeros((D_OUT,), dtype=jnp.float32)
    return {"x": x, "edge_index": edge_index, "W1": W1, "b1": b1, "W2": W2, "b2": b2}


def reference(x, edge_index, W1, b1, W2, b2):
    h = jax.nn.relu(_gcn_conv(x, edge_index, W1, b1))
    out = _gcn_conv(h, edge_index, W2, b2)
    return out

if __name__ == "__main__":
    import jax
    _d = setup_inputs()
    print(jax.jit(kernel)(*tuple(_d.values())))

</pallas_src>

<mosaic_0001>
#map = affine_map<(d0, d1) -> (0)>
#map1 = affine_map<(d0, d1) -> (0, 0)>
module attributes {stable_mosaic.version = 14 : i64} {
  func.func @agg(%arg0: i32, %arg1: i32, %arg2: memref<320000xi32, #tpu.memory_space<hbm>>, %arg3: memref<320000xi32, #tpu.memory_space<hbm>>, %arg4: memref<10000x128xf32, #tpu.memory_space<hbm>>, %arg5: memref<20480x128xf32, #tpu.memory_space<hbm>>, %arg6: memref<128xi32, #tpu.memory_space<vmem>>, %arg7: memref<128xi32, #tpu.memory_space<vmem>>, %arg8: memref<128xi32, #tpu.memory_space<vmem>>, %arg9: memref<128xi32, #tpu.memory_space<vmem>>, %arg10: memref<128xi32, #tpu.memory_space<vmem>>, %arg11: memref<128xi32, #tpu.memory_space<vmem>>, %arg12: memref<16xi32, #tpu.memory_space<vmem>>, %arg13: memref<16xi32, #tpu.memory_space<vmem>>, %arg14: memref<16xi32, #tpu.memory_space<vmem>>, %arg15: memref<16x128xf32, #tpu.memory_space<vmem>>, %arg16: memref<128x128xf32, #tpu.memory_space<vmem>>, %arg17: memref<128x128xf32, #tpu.memory_space<vmem>>, %arg18: memref<40x128xf32, #tpu.memory_space<vmem>>, %arg19: memref<10240x128xf32, #tpu.memory_space<vmem_shared>>, %arg20: memref<!tpu.dma_semaphore, #tpu.memory_space<semaphore_mem>>, %arg21: memref<!tpu.dma_semaphore, #tpu.memory_space<semaphore_mem>>, %arg22: memref<!tpu.dma_semaphore, #tpu.memory_space<semaphore_mem>>, %arg23: memref<!tpu.dma_semaphore, #tpu.memory_space<semaphore_mem>>) attributes {dimension_semantics = [#tpu.dimension_semantics<core_parallel>, #tpu.dimension_semantics<subcore_parallel>], iteration_bounds = array<i64: 2, 16>, scalar_prefetch = 0 : i64, scratch_operands = 18 : i64, tpu.core_type = #tpu.core_type<sc_vector_subcore>, window_params = [{transform_indices = #map}, {transform_indices = #map}, {transform_indices = #map1}, {transform_indices = #map1}]} {
    %broadcast_in_dim3A = arith.constant 0.000000e+00 : f32
    %broadcast_in_dim3A_0 = vector.broadcast %broadcast_in_dim3A : f32 to vector<16xf32>
    %scan3A = arith.constant 0 : i32
    %scan3A_1 = arith.constant 0 : i32
    %scan3A_2 = arith.constant 320 : i32
    %scan3A_3 = arith.addi %scan3A_1, %scan3A_2 : i32
    %scan3A_4 = arith.constant 1 : i32
    %scan3A_5 = scf.for %scan3A_68 = %scan3A_1 to %scan3A_3 step %scan3A_4 iter_args(%scan3A_69 = %scan3A) -> (i32)  : i32 {
      %jit3A = arith.constant 8 : i32
      %div3A = arith.divsi %scan3A_68, %jit3A : i32
      %sign3A = arith.constant 0 : i32
      %sign3A_70 = arith.cmpi sgt, %scan3A_68, %sign3A : i32
      %sign3A_71 = arith.extui %sign3A_70 : i1 to i32
      %sign3A_72 = arith.constant 0 : i32
      %sign3A_73 = arith.cmpi slt, %scan3A_68, %sign3A_72 : i32
      %sign3A_74 = arith.extui %sign3A_73 : i1 to i32
      %sign3A_75 = arith.subi %sign3A_71, %sign3A_74 : i32
      %sign3A_76 = arith.constant 0 : i32
      %sign3A_77 = arith.cmpi sgt, %jit3A, %sign3A_76 : i32
      %sign3A_78 = arith.extui %sign3A_77 : i1 to i32
      %sign3A_79 = arith.constant 0 : i32
      %sign3A_80 = arith.cmpi slt, %jit3A, %sign3A_79 : i32
      %sign3A_81 = arith.extui %sign3A_80 : i1 to i32
      %sign3A_82 = arith.subi %sign3A_78, %sign3A_81 : i32
      %ne3A = arith.cmpi ne, %sign3A_75, %sign3A_82 : i32
      %rem3A = arith.remsi %scan3A_68, %jit3A : i32
      %ne3A_83 = arith.constant 0 : i32
      %ne3A_84 = arith.cmpi ne, %rem3A, %ne3A_83 : i32
      %and3A = arith.andi %ne3A, %ne3A_84 : i1
      %sub3A = arith.constant 1 : i32
      %sub3A_85 = arith.subi %div3A, %sub3A : i32
      %select_n3A = arith.select %and3A, %sub3A_85, %div3A : i32
      %jit3A_86 = arith.constant 8 : i32
      %eq3A = arith.constant 0 : i32
      %eq3A_87 = arith.cmpi eq, %jit3A_86, %eq3A : i32
      %jit3A_88 = arith.constant 1 : i32
      %select_n3A_89 = arith.select %eq3A_87, %jit3A_88, %jit3A_86 : i32
      %rem3A_90 = arith.remsi %scan3A_68, %select_n3A_89 : i32
      %ne3A_91 = arith.constant 0 : i32
      %ne3A_92 = arith.cmpi ne, %rem3A_90, %ne3A_91 : i32
      %lt3A = arith.constant 0 : i32
      %lt3A_93 = arith.cmpi slt, %rem3A_90, %lt3A : i32
      %lt3A_94 = arith.constant 0 : i32
      %lt3A_95 = arith.cmpi slt, %select_n3A_89, %lt3A_94 : i32
      %ne3A_96 = arith.xori %lt3A_93, %lt3A_95 : i1
      %and3A_97 = arith.andi %ne3A_96, %ne3A_92 : i1
      %add3A_98 = arith.addi %rem3A_90, %select_n3A_89 : i32
      %select_n3A_99 = arith.select %and3A_97, %add3A_98, %rem3A_90 : i32
      %mul3A_100 = arith.constant 16 : i32
      %mul3A_101 = arith.muli %select_n3A_99, %mul3A_100 : i32
      %swap3A = arith.index_cast %select_n3A : i32 to index
      %swap3A_102 = arith.index_cast %mul3A_101 : i32 to index
      %swap3A_103 = tpu.vector_load %arg18[%swap3A, %swap3A_102] {strides = array<i32>} : memref<40x128xf32, #tpu.memory_space<vmem>>, vector<1x16xf32>,
      %swap3A_104 = vector.shape_cast %swap3A_103 : vector<1x16xf32> to vector<16xf32>
      %swap3A_105 = vector.shape_cast %broadcast_in_dim3A_0 : vector<16xf32> to vector<1x16xf32>
      tpu.vector_store %arg18[%swap3A, %swap3A_102], %swap3A_105 {strides = array<i32>} : memref<40x128xf32, #tpu.memory_space<vmem>>, vector<1x16xf32>,
      %scan3A_106 = arith.constant 0 : i32
      scf.yield %scan3A_106 : i32
    }
    %scan3A_6 = arith.constant 320 : i32
    %scan3A_7 = arith.constant 0 : i32
    %scan3A_8 = arith.constant 0 : i32
    %scan3A_9 = arith.constant 16 : i32
    %scan3A_10 = arith.addi %scan3A_8, %scan3A_9 : i32
    %scan3A_11 = arith.constant 1 : i32
    %scan3A_12 = scf.for %scan3A_68 = %scan3A_8 to %scan3A_10 step %scan3A_11 iter_args(%scan3A_69 = %scan3A_7) -> (i32)  : i32 {
      %mul3A_70 = arith.constant 640 : i32
      %mul3A_71 = arith.muli %arg1, %mul3A_70 : i32
      %mul3A_72 = arith.constant 40 : i32
      %mul3A_73 = arith.muli %scan3A_68, %mul3A_72 : i32
      %add3A_74 = arith.addi %mul3A_71, %mul3A_73 : i32
      "tpu.region"() ({
        %run_scoped3A = tpu.sem_alloc : memref<!tpu.dma_semaphore, #tpu.memory_space<semaphore_mem>>
        %dma_start3A_76 = arith.constant 0 : i32
        %dma_start3A_77 = tpu.memref_slice %arg19[%add3A_74, %dma_start3A_76] : memref<10240x128xf32, #tpu.memory_space<vmem_shared>> -> memref<40x128xf32, #tpu.memory_space<vmem_shared>>
        %dma_start3A_78 = arith.constant 0 : i32
        %dma_start3A_79 = tpu.memref_slice %arg19[%add3A_74, %dma_start3A_78] : memref<10240x128xf32, #tpu.memory_space<vmem_shared>> -> memref<40x128xf32, #tpu.memory_space<vmem_shared>>
        tpu.enqueue_dma source(%arg18 : memref<40x128xf32, #tpu.memory_space<vmem>>) target(%dma_start3A_79 : memref<40x128xf32, #tpu.memory_space<vmem_shared>>) target_semaphore(%run_scoped3A : memref<!tpu.dma_semaphore, #tpu.memory_space<semaphore_mem>>)
        %dma_wait3A_80 = arith.constant 0 : i32
        %dma_wait3A_81 = tpu.memref_slice %arg19[%add3A_74, %dma_wait3A_80] : memref<10240x128xf32, #tpu.memory_space<vmem_shared>> -> memref<40x128xf32, #tpu.memory_space<vmem_shared>>
        %dma_wait3A_82 = arith.constant 0 : i32
        %dma_wait3A_83 = tpu.memref_slice %arg19[%add3A_74, %dma_wait3A_82] : memref<10240x128xf32, #tpu.memory_space<vmem_shared>> -> memref<40x128xf32, #tpu.memory_space<vmem_shared>>
        tpu.wait_dma2 semaphore(%run_scoped3A : memref<!tpu.dma_semaphore, #tpu.memory_space<semaphore_mem>>) src(%arg18 : memref<40x128xf32, #tpu.memory_space<vmem>>) dst(%dma_wait3A_83 : memref<40x128xf32, #tpu.memory_space<vmem_shared>>)
        tpu.yield
      }) : () -> ()
      %scan3A_75 = arith.constant 0 : i32
      scf.yield %scan3A_75 : i32
    }
    %scan3A_13 = arith.constant 16 : i32
    %barrier3A = arith.constant 0 : index
    tpu.barrier barrier_id(%barrier3A)
    %mul3A = arith.constant 160000 : i32
    %mul3A_14 = arith.muli %arg0, %mul3A : i32
    %mul3A_15 = arith.constant 10000 : i32
    %mul3A_16 = arith.muli %arg1, %mul3A_15 : i32
    %add3A = arith.addi %mul3A_14, %mul3A_16 : i32
    %mul3A_17 = arith.constant 0 : i32
    %mul3A_18 = arith.muli %arg0, %mul3A_17 : i32
    %broadcast_in_dim3A_19 = vector.broadcast %mul3A_18 : i32 to vector<16xi32>
    %add3A_20 = arith.constant 9984 : i32
    %add3A_21 = arith.addi %add3A, %add3A_20 : i32
    "tpu.region"() ({
      %run_scoped3A = tpu.sem_alloc : memref<!tpu.dma_semaphore, #tpu.memory_space<semaphore_mem>>
      %dma_start3A_68 = tpu.memref_slice %arg2[%add3A_21] : memref<320000xi32, #tpu.memory_space<hbm>> -> memref<16xi32, #tpu.memory_space<hbm>>
      %dma_start3A_69 = tpu.memref_slice %arg2[%add3A_21] : memref<320000xi32, #tpu.memory_space<hbm>> -> memref<16xi32, #tpu.memory_space<hbm>>
      tpu.enqueue_dma source(%dma_start3A_69 : memref<16xi32, #tpu.memory_space<hbm>>) target(%arg12 : memref<16xi32, #tpu.memory_space<vmem>>) target_semaphore(%run_scoped3A : memref<!tpu.dma_semaphore, #tpu.memory_space<semaphore_mem>>)
      %dma_wait3A_70 = tpu.memref_slice %arg2[%add3A_21] : memref<320000xi32, #tpu.memory_space<hbm>> -> memref<16xi32, #tpu.memory_space<hbm>>
      %dma_wait3A_71 = tpu.memref_slice %arg2[%add3A_21] : memref<320000xi32, #tpu.memory_space<hbm>> -> memref<16xi32, #tpu.memory_space<hbm>>
      tpu.wait_dma2 semaphore(%run_scoped3A : memref<!tpu.dma_semaphore, #tpu.memory_space<semaphore_mem>>) src(%dma_wait3A_71 : memref<16xi32, #tpu.memory_space<hbm>>) dst(%arg12 : memref<16xi32, #tpu.memory_space<vmem>>)
      tpu.yield
    }) : () -> ()
    "tpu.region"() ({
      %run_scoped3A = tpu.sem_alloc : memref<!tpu.dma_semaphore, #tpu.memory_space<semaphore_mem>>
      %dma_start3A_68 = tpu.memref_slice %arg3[%add3A_21] : memref<320000xi32, #tpu.memory_space<hbm>> -> memref<16xi32, #tpu.memory_space<hbm>>
      %dma_start3A_69 = tpu.memref_slice %arg3[%add3A_21] : memref<320000xi32, #tpu.memory_space<hbm>> -> memref<16xi32, #tpu.memory_space<hbm>>
      tpu.enqueue_dma source(%dma_start3A_69 : memref<16xi32, #tpu.memory_space<hbm>>) target(%arg14 : memref<16xi32, #tpu.memory_space<vmem>>) target_semaphore(%run_scoped3A : memref<!tpu.dma_semaphore, #tpu.memory_space<semaphore_mem>>)
      %dma_wait3A_70 = tpu.memref_slice %arg3[%add3A_21] : memref<320000xi32, #tpu.memory_space<hbm>> -> memref<16xi32, #tpu.memory_space<hbm>>
      %dma_wait3A_71 = tpu.memref_slice %arg3[%add3A_21] : memref<320000xi32, #tpu.memory_space<hbm>> -> memref<16xi32, #tpu.memory_space<hbm>>
      tpu.wait_dma2 semaphore(%run_scoped3A : memref<!tpu.dma_semaphore, #tpu.memory_space<semaphore_mem>>) src(%dma_wait3A_71 : memref<16xi32, #tpu.memory_space<hbm>>) dst(%arg14 : memref<16xi32, #tpu.memory_space<vmem>>)
      tpu.yield
    }) : () -> ()
    %dma_start3A = arith.constant 0 : i32
    %dma_start3A_22 = arith.constant 0 : i32
    %dma_start3A_23 = tpu.memref_slice %arg4[%dma_start3A, %dma_start3A_22] : memref<10000x128xf32, #tpu.memory_space<hbm>> -> memref<10000x128xf32, #tpu.memory_space<hbm>>
    tpu.enqueue_indirect_dma source(%dma_start3A_23 : memref<10000x128xf32, #tpu.memory_space<hbm>>) target(%arg15 : memref<16x128xf32, #tpu.memory_space<vmem>>) offsets(%arg12 : memref<16xi32, #tpu.memory_space<vmem>>) semaphore(%arg22 : memref<!tpu.dma_semaphore, #tpu.memory_space<semaphore_mem>>)
    %dma_wait3A = arith.constant 0 : i32
    %dma_wait3A_24 = arith.constant 0 : i32
    %dma_wait3A_25 = tpu.memref_slice %arg4[%dma_wait3A, %dma_wait3A_24] : memref<10000x128xf32, #tpu.memory_space<hbm>> -> memref<10000x128xf32, #tpu.memory_space<hbm>>
    tpu.wait_indirect_dma semaphore(%arg22 : memref<!tpu.dma_semaphore, #tpu.memory_space<semaphore_mem>>) src(%dma_wait3A_25 : memref<10000x128xf32, #tpu.memory_space<hbm>>) dst(%arg15 : memref<16x128xf32, #tpu.memory_space<vmem>>)
    "tpu.region"() ({
      %run_scoped3A = tpu.sem_alloc : memref<!tpu.dma_semaphore, #tpu.memory_space<semaphore_mem>>
      %dma_start3A_68 = arith.constant 0 : i32
      %dma_start3A_69 = arith.constant 0 : i32
      %dma_start3A_70 = tpu.memref_slice %arg19[%dma_start3A_68, %dma_start3A_69] : memref<10240x128xf32, #tpu.memory_space<vmem_shared>> -> memref<10240x128xf32, #tpu.memory_space<vmem_shared>>
      tpu.enqueue_indirect_dma source(%arg15 : memref<16x128xf32, #tpu.memory_space<vmem>>) target(%dma_start3A_70 : memref<10240x128xf32, #tpu.memory_space<vmem_shared>>) offsets(%arg14 : memref<16xi32, #tpu.memory_space<vmem>>) semaphore(%run_scoped3A : memref<!tpu.dma_semaphore, #tpu.memory_space<semaphore_mem>>) {add = true}
      %dma_wait3A_71 = arith.constant 0 : i32
      %dma_wait3A_72 = arith.constant 0 : i32
      %dma_wait3A_73 = tpu.memref_slice %arg19[%dma_wait3A_71, %dma_wait3A_72] : memref<10240x128xf32, #tpu.memory_space<vmem_shared>> -> memref<10240x128xf32, #tpu.memory_space<vmem_shared>>
      tpu.wait_indirect_dma semaphore(%run_scoped3A : memref<!tpu.dma_semaphore, #tpu.memory_space<semaphore_mem>>) src(%arg15 : memref<16x128xf32, #tpu.memory_space<vmem>>) dst(%dma_wait3A_73 : memref<10240x128xf32, #tpu.memory_space<vmem_shared>>)
      tpu.yield
    }) : () -> ()
    %add3A_26 = arith.constant 0 : i32
    %add3A_27 = arith.addi %add3A, %add3A_26 : i32
    "tpu.region"() ({
      %run_scoped3A = tpu.sem_alloc : memref<!tpu.dma_semaphore, #tpu.memory_space<semaphore_mem>>
      %dma_start3A_68 = tpu.memref_slice %arg2[%add3A_27] : memref<320000xi32, #tpu.memory_space<hbm>> -> memref<128xi32, #tpu.memory_space<hbm>>
      %dma_start3A_69 = tpu.memref_slice %arg2[%add3A_27] : memref<320000xi32, #tpu.memory_space<hbm>> -> memref<128xi32, #tpu.memory_space<hbm>>
      tpu.enqueue_dma source(%dma_start3A_69 : memref<128xi32, #tpu.memory_space<hbm>>) target(%arg6 : memref<128xi32, #tpu.memory_space<vmem>>) target_semaphore(%run_scoped3A : memref<!tpu.dma_semaphore, #tpu.memory_space<semaphore_mem>>)
      %dma_wait3A_70 = tpu.memref_slice %arg2[%add3A_27] : memref<320000xi32, #tpu.memory_space<hbm>> -> memref<128xi32, #tpu.memory_space<hbm>>
      %dma_wait3A_71 = tpu.memref_slice %arg2[%add3A_27] : memref<320000xi32, #tpu.memory_space<hbm>> -> memref<128xi32, #tpu.memory_space<hbm>>
      tpu.wait_dma2 semaphore(%run_scoped3A : memref<!tpu.dma_semaphore, #tpu.memory_space<semaphore_mem>>) src(%dma_wait3A_71 : memref<128xi32, #tpu.memory_space<hbm>>) dst(%arg6 : memref<128xi32, #tpu.memory_space<vmem>>)
      tpu.yield
    }) : () -> ()
    %add3A_28 = arith.constant 0 : i32
    %add3A_29 = arith.addi %add3A, %add3A_28 : i32
    "tpu.region"() ({
      %run_scoped3A = tpu.sem_alloc : memref<!tpu.dma_semaphore, #tpu.memory_space<semaphore_mem>>
      %dma_start3A_68 = tpu.memref_slice %arg3[%add3A_29] : memref<320000xi32, #tpu.memory_space<hbm>> -> memref<128xi32, #tpu.memory_space<hbm>>
      %dma_start3A_69 = tpu.memref_slice %arg3[%add3A_29] : memref<320000xi32, #tpu.memory_space<hbm>> -> memref<128xi32, #tpu.memory_space<hbm>>
      tpu.enqueue_dma source(%dma_start3A_69 : memref<128xi32, #tpu.memory_space<hbm>>) target(%arg10 : memref<128xi32, #tpu.memory_space<vmem>>) target_semaphore(%run_scoped3A : memref<!tpu.dma_semaphore, #tpu.memory_space<semaphore_mem>>)
      %dma_wait3A_70 = tpu.memref_slice %arg3[%add3A_29] : memref<320000xi32, #tpu.memory_space<hbm>> -> memref<128xi32, #tpu.memory_space<hbm>>
      %dma_wait3A_71 = tpu.memref_slice %arg3[%add3A_29] : memref<320000xi32, #tpu.memory_space<hbm>> -> memref<128xi32, #tpu.memory_space<hbm>>
      tpu.wait_dma2 semaphore(%run_scoped3A : memref<!tpu.dma_semaphore, #tpu.memory_space<semaphore_mem>>) src(%dma_wait3A_71 : memref<128xi32, #tpu.memory_space<hbm>>) dst(%arg10 : memref<128xi32, #tpu.memory_space<vmem>>)
      tpu.yield
    }) : () -> ()
    %dma_start3A_30 = arith.constant 0 : i32
    %dma_start3A_31 = arith.constant 0 : i32
    %dma_start3A_32 = tpu.memref_slice %arg4[%dma_start3A_30, %dma_start3A_31] : memref<10000x128xf32, #tpu.memory_space<hbm>> -> memref<10000x128xf32, #tpu.memory_space<hbm>>
    tpu.enqueue_indirect_dma source(%dma_start3A_32 : memref<10000x128xf32, #tpu.memory_space<hbm>>) target(%arg16 : memref<128x128xf32, #tpu.memory_space<vmem>>) offsets(%arg6 : memref<128xi32, #tpu.memory_space<vmem>>) semaphore(%arg22 : memref<!tpu.dma_semaphore, #tpu.memory_space<semaphore_mem>>)
    %min3A = arith.constant 1 : i32
    %min3A_33 = arith.constant 77 : i32
    %min3A_34 = arith.minsi %min3A, %min3A_33 : i32
    %mul3A_35 = arith.constant 128 : i32
    %mul3A_36 = arith.muli %min3A_34, %mul3A_35 : i32
    %add3A_37 = arith.addi %add3A, %mul3A_36 : i32
    %dma_start3A_38 = tpu.memref_slice %arg2[%add3A_37] : memref<320000xi32, #tpu.memory_space<hbm>> -> memref<128xi32, #tpu.memory_space<hbm>>
    %dma_start3A_39 = tpu.memref_slice %arg2[%add3A_37] : memref<320000xi32, #tpu.memory_space<hbm>> -> memref<128xi32, #tpu.memory_space<hbm>>
    tpu.enqueue_dma source(%dma_start3A_39 : memref<128xi32, #tpu.memory_space<hbm>>) target(%arg7 : memref<128xi32, #tpu.memory_space<vmem>>) target_semaphore(%arg21 : memref<!tpu.dma_semaphore, #tpu.memory_space<semaphore_mem>>)
    %dma_start3A_40 = tpu.memref_slice %arg3[%add3A_37] : memref<320000xi32, #tpu.memory_space<hbm>> -> memref<128xi32, #tpu.memory_space<hbm>>
    %dma_start3A_41 = tpu.memref_slice %arg3[%add3A_37] : memref<320000xi32, #tpu.memory_space<hbm>> -> memref<128xi32, #tpu.memory_space<hbm>>
    tpu.enqueue_dma source(%dma_start3A_41 : memref<128xi32, #tpu.memory_space<hbm>>) target(%arg11 : memref<128xi32, #tpu.memory_space<vmem>>) target_semaphore(%arg21 : memref<!tpu.dma_semaphore, #tpu.memory_space<semaphore_mem>>)
    %scan3A_42 = arith.constant 0 : i32
    %scan3A_43 = arith.constant 0 : i32
    %scan3A_44 = arith.constant 39 : i32
    %scan3A_45 = arith.addi %scan3A_43, %scan3A_44 : i32
    %scan3A_46 = arith.constant 1 : i32
    %scan3A_47 = scf.for %scan3A_68 = %scan3A_43 to %scan3A_45 step %scan3A_46 iter_args(%scan3A_69 = %scan3A_42) -> (i32)  : i32 {
      %mul3A_70 = arith.constant 2 : i32
      %mul3A_71 = arith.muli %mul3A_70, %scan3A_68 : i32
      %add3A_72 = arith.constant 0 : i32
      %add3A_73 = arith.addi %add3A_72, %mul3A_71 : i32
      %dma_wait3A_74 = arith.constant 0 : i32
      %dma_wait3A_75 = arith.constant 0 : i32
      %dma_wait3A_76 = tpu.memref_slice %arg4[%dma_wait3A_74, %dma_wait3A_75] : memref<10000x128xf32, #tpu.memory_space<hbm>> -> memref<10000x128xf32, #tpu.memory_space<hbm>>
      tpu.wait_indirect_dma semaphore(%arg22 : memref<!tpu.dma_semaphore, #tpu.memory_space<semaphore_mem>>) src(%dma_wait3A_76 : memref<10000x128xf32, #tpu.memory_space<hbm>>) dst(%arg16 : memref<128x128xf32, #tpu.memory_space<vmem>>)
      %dma_wait3A_77 = arith.constant 0 : i32
      %dma_wait3A_78 = tpu.memref_slice %arg2[%dma_wait3A_77] : memref<320000xi32, #tpu.memory_space<hbm>> -> memref<128xi32, #tpu.memory_space<hbm>>
      %dma_wait3A_79 = arith.constant 0 : i32
      %dma_wait3A_80 = tpu.memref_slice %arg2[%dma_wait3A_79] : memref<320000xi32, #tpu.memory_space<hbm>> -> memref<128xi32, #tpu.memory_space<hbm>>
      tpu.wait_dma2 semaphore(%arg21 : memref<!tpu.dma_semaphore, #tpu.memory_space<semaphore_mem>>) src(%dma_wait3A_80 : memref<128xi32, #tpu.memory_space<hbm>>) dst(%arg7 : memref<128xi32, #tpu.memory_space<vmem>>)
      %dma_wait3A_81 = arith.constant 0 : i32
      %dma_wait3A_82 = tpu.memref_slice %arg3[%dma_wait3A_81] : memref<320000xi32, #tpu.memory_space<hbm>> -> memref<128xi32, #tpu.memory_space<hbm>>
      %dma_wait3A_83 = arith.constant 0 : i32
      %dma_wait3A_84 = tpu.memref_slice %arg3[%dma_wait3A_83] : memref<320000xi32, #tpu.memory_space<hbm>> -> memref<128xi32, #tpu.memory_space<hbm>>
      tpu.wait_dma2 semaphore(%arg21 : memref<!tpu.dma_semaphore, #tpu.memory_space<semaphore_mem>>) src(%dma_wait3A_84 : memref<128xi32, #tpu.memory_space<hbm>>) dst(%arg11 : memref<128xi32, #tpu.memory_space<vmem>>)
      %dma_start3A_85 = arith.constant 0 : i32
      %dma_start3A_86 = arith.constant 0 : i32
      %dma_start3A_87 = tpu.memref_slice %arg4[%dma_start3A_85, %dma_start3A_86] : memref<10000x128xf32, #tpu.memory_space<hbm>> -> memref<10000x128xf32, #tpu.memory_space<hbm>>
      tpu.enqueue_indirect_dma source(%dma_start3A_87 : memref<10000x128xf32, #tpu.memory_space<hbm>>) target(%arg17 : memref<128x128xf32, #tpu.memory_space<vmem>>) offsets(%arg7 : memref<128xi32, #tpu.memory_space<vmem>>) semaphore(%arg23 : memref<!tpu.dma_semaphore, #tpu.memory_space<semaphore_mem>>)
      "tpu.region"() ({
        %run_scoped3A = tpu.sem_alloc : memref<!tpu.dma_semaphore, #tpu.memory_space<semaphore_mem>>
        %dma_start3A_125 = arith.constant 0 : i32
        %dma_start3A_126 = arith.constant 0 : i32
        %dma_start3A_127 = tpu.memref_slice %arg19[%dma_start3A_125, %dma_start3A_126] : memref<10240x128xf32, #tpu.memory_space<vmem_shared>> -> memref<10240x128xf32, #tpu.memory_space<vmem_shared>>
        tpu.enqueue_indirect_dma source(%arg16 : memref<128x128xf32, #tpu.memory_space<vmem>>) target(%dma_start3A_127 : memref<10240x128xf32, #tpu.memory_space<vmem_shared>>) offsets(%arg10 : memref<128xi32, #tpu.memory_space<vmem>>) semaphore(%run_scoped3A : memref<!tpu.dma_semaphore, #tpu.memory_space<semaphore_mem>>) {add = true}
        %dma_wait3A_128 = arith.constant 0 : i32
        %dma_wait3A_129 = arith.constant 0 : i32
        %dma_wait3A_130 = tpu.memref_slice %arg19[%dma_wait3A_128, %dma_wait3A_129] : memref<10240x128xf32, #tpu.memory_space<vmem_shared>> -> memref<10240x128xf32, #tpu.memory_space<vmem_shared>>
        tpu.wait_indirect_dma semaphore(%run_scoped3A : memref<!tpu.dma_semaphore, #tpu.memory_space<semaphore_mem>>) src(%arg16 : memref<128x128xf32, #tpu.memory_space<vmem>>) dst(%dma_wait3A_130 : memref<10240x128xf32, #tpu.memory_space<vmem_shared>>)
        tpu.yield
      }) : () -> ()
      %add3A_88 = arith.constant 2 : i32
      %add3A_89 = arith.addi %add3A_73, %add3A_88 : i32
      %min3A_90 = arith.constant 77 : i32
      %min3A_91 = arith.minsi %add3A_89, %min3A_90 : i32
      %mul3A_92 = arith.constant 128 : i32
      %mul3A_93 = arith.muli %min3A_91, %mul3A_92 : i32
      %add3A_94 = arith.addi %add3A, %mul3A_93 : i32
      %dma_start3A_95 = tpu.memref_slice %arg2[%add3A_94] : memref<320000xi32, #tpu.memory_space<hbm>> -> memref<128xi32, #tpu.memory_space<hbm>>
      %dma_start3A_96 = tpu.memref_slice %arg2[%add3A_94] : memref<320000xi32, #tpu.memory_space<hbm>> -> memref<128xi32, #tpu.memory_space<hbm>>
      tpu.enqueue_dma source(%dma_start3A_96 : memref<128xi32, #tpu.memory_space<hbm>>) target(%arg6 : memref<128xi32, #tpu.memory_space<vmem>>) target_semaphore(%arg20 : memref<!tpu.dma_semaphore, #tpu.memory_space<semaphore_mem>>)
      %dma_start3A_97 = tpu.memref_slice %arg3[%add3A_94] : memref<320000xi32, #tpu.memory_space<hbm>> -> memref<128xi32, #tpu.memory_space<hbm>>
      %dma_start3A_98 = tpu.memref_slice %arg3[%add3A_94] : memref<320000xi32, #tpu.memory_space<hbm>> -> memref<128xi32, #tpu.memory_space<hbm>>
      tpu.enqueue_dma source(%dma_start3A_98 : memref<128xi32, #tpu.memory_space<hbm>>) target(%arg10 : memref<128xi32, #tpu.memory_space<vmem>>) target_semaphore(%arg20 : memref<!tpu.dma_semaphore, #tpu.memory_space<semaphore_mem>>)
      %dma_wait3A_99 = arith.constant 0 : i32
      %dma_wait3A_100 = arith.constant 0 : i32
      %dma_wait3A_101 = tpu.memref_slice %arg4[%dma_wait3A_99, %dma_wait3A_100] : memref<10000x128xf32, #tpu.memory_space<hbm>> -> memref<10000x128xf32, #tpu.memory_space<hbm>>
      tpu.wait_indirect_dma semaphore(%arg23 : memref<!tpu.dma_semaphore, #tpu.memory_space<semaphore_mem>>) src(%dma_wait3A_101 : memref<10000x128xf32, #tpu.memory_space<hbm>>) dst(%arg17 : memref<128x128xf32, #tpu.memory_space<vmem>>)
      %dma_wait3A_102 = arith.constant 0 : i32
      %dma_wait3A_103 = tpu.memref_slice %arg2[%dma_wait3A_102] : memref<320000xi32, #tpu.memory_space<hbm>> -> memref<128xi32, #tpu.memory_space<hbm>>
      %dma_wait3A_104 = arith.constant 0 : i32
      %dma_wait3A_105 = tpu.memref_slice %arg2[%dma_wait3A_104] : memref<320000xi32, #tpu.memory_space<hbm>> -> memref<128xi32, #tpu.memory_space<hbm>>
      tpu.wait_dma2 semaphore(%arg20 : memref<!tpu.dma_semaphore, #tpu.memory_space<semaphore_mem>>) src(%dma_wait3A_105 : memref<128xi32, #tpu.memory_space<hbm>>) dst(%arg6 : memref<128xi32, #tpu.memory_space<vmem>>)
      %dma_wait3A_106 = arith.constant 0 : i32
      %dma_wait3A_107 = tpu.memref_slice %arg3[%dma_wait3A_106] : memref<320000xi32, #tpu.memory_space<hbm>> -> memref<128xi32, #tpu.memory_space<hbm>>
      %dma_wait3A_108 = arith.constant 0 : i32
      %dma_wait3A_109 = tpu.memref_slice %arg3[%dma_wait3A_108] : memref<320000xi32, #tpu.memory_space<hbm>> -> memref<128xi32, #tpu.memory_space<hbm>>
      tpu.wait_dma2 semaphore(%arg20 : memref<!tpu.dma_semaphore, #tpu.memory_space<semaphore_mem>>) src(%dma_wait3A_109 : memref<128xi32, #tpu.memory_space<hbm>>) dst(%arg10 : memref<128xi32, #tpu.memory_space<vmem>>)
      %dma_start3A_110 = arith.constant 0 : i32
      %dma_start3A_111 = arith.constant 0 : i32
      %dma_start3A_112 = tpu.memref_slice %arg4[%dma_start3A_110, %dma_start3A_111] : memref<10000x128xf32, #tpu.memory_space<hbm>> -> memref<10000x128xf32, #tpu.memory_space<hbm>>
      tpu.enqueue_indirect_dma source(%dma_start3A_112 : memref<10000x128xf32, #tpu.memory_space<hbm>>) target(%arg16 : memref<128x128xf32, #tpu.memory_space<vmem>>) offsets(%arg6 : memref<128xi32, #tpu.memory_space<vmem>>) semaphore(%arg22 : memref<!tpu.dma_semaphore, #tpu.memory_space<semaphore_mem>>)
      "tpu.region"() ({
        %run_scoped3A = tpu.sem_alloc : memref<!tpu.dma_semaphore, #tpu.memory_space<semaphore_mem>>
        %dma_start3A_125 = arith.constant 0 : i32
        %dma_start3A_126 = arith.constant 0 : i32
        %dma_start3A_127 = tpu.memref_slice %arg19[%dma_start3A_125, %dma_start3A_126] : memref<10240x128xf32, #tpu.memory_space<vmem_shared>> -> memref<10240x128xf32, #tpu.memory_space<vmem_shared>>
        tpu.enqueue_indirect_dma source(%arg17 : memref<128x128xf32, #tpu.memory_space<vmem>>) target(%dma_start3A_127 : memref<10240x128xf32, #tpu.memory_space<vmem_shared>>) offsets(%arg11 : memref<128xi32, #tpu.memory_space<vmem>>) semaphore(%run_scoped3A : memref<!tpu.dma_semaphore, #tpu.memory_space<semaphore_mem>>) {add = true}
        %dma_wait3A_128 = arith.constant 0 : i32
        %dma_wait3A_129 = arith.constant 0 : i32
        %dma_wait3A_130 = tpu.memref_slice %arg19[%dma_wait3A_128, %dma_wait3A_129] : memref<10240x128xf32, #tpu.memory_space<vmem_shared>> -> memref<10240x128xf32, #tpu.memory_space<vmem_shared>>
        tpu.wait_indirect_dma semaphore(%run_scoped3A : memref<!tpu.dma_semaphore, #tpu.memory_space<semaphore_mem>>) src(%arg17 : memref<128x128xf32, #tpu.memory_space<vmem>>) dst(%dma_wait3A_130 : memref<10240x128xf32, #tpu.memory_space<vmem_shared>>)
        tpu.yield
      }) : () -> ()
      %add3A_113 = arith.constant 3 : i32
      %add3A_114 = arith.addi %add3A_73, %add3A_113 : i32
      %min3A_115 = arith.constant 77 : i32
      %min3A_116 = arith.minsi %add3A_114, %min3A_115 : i32
      %mul3A_117 = arith.constant 128 : i32
      %mul3A_118 = arith.muli %min3A_116, %mul3A_117 : i32
      %add3A_119 = arith.addi %add3A, %mul3A_118 : i32
      %dma_start3A_120 = tpu.memref_slice %arg2[%add3A_119] : memref<320000xi32, #tpu.memory_space<hbm>> -> memref<128xi32, #tpu.memory_space<hbm>>
      %dma_start3A_121 = tpu.memref_slice %arg2[%add3A_119] : memref<320000xi32, #tpu.memory_space<hbm>> -> memref<128xi32, #tpu.memory_space<hbm>>
      tpu.enqueue_dma source(%dma_start3A_121 : memref<128xi32, #tpu.memory_space<hbm>>) target(%arg7 : memref<128xi32, #tpu.memory_space<vmem>>) target_semaphore(%arg21 : memref<!tpu.dma_semaphore, #tpu.memory_space<semaphore_mem>>)
      %dma_start3A_122 = tpu.memref_slice %arg3[%add3A_119] : memref<320000xi32, #tpu.memory_space<hbm>> -> memref<128xi32, #tpu.memory_space<hbm>>
      %dma_start3A_123 = tpu.memref_slice %arg3[%add3A_119] : memref<320000xi32, #tpu.memory_space<hbm>> -> memref<128xi32, #tpu.memory_space<hbm>>
      tpu.enqueue_dma source(%dma_start3A_123 : memref<128xi32, #tpu.memory_space<hbm>>) target(%arg11 : memref<128xi32, #tpu.memory_space<vmem>>) target_semaphore(%arg21 : memref<!tpu.dma_semaphore, #tpu.memory_space<semaphore_mem>>)
      %scan3A_124 = arith.constant 0 : i32
      scf.yield %scan3A_124 : i32
    }
    %scan3A_48 = arith.constant 39 : i32
    %dma_wait3A_49 = arith.constant 0 : i32
    %dma_wait3A_50 = tpu.memref_slice %arg2[%dma_wait3A_49] : memref<320000xi32, #tpu.memory_space<hbm>> -> memref<128xi32, #tpu.memory_space<hbm>>
    %dma_wait3A_51 = arith.constant 0 : i32
    %dma_wait3A_52 = tpu.memref_slice %arg2[%dma_wait3A_51] : memref<320000xi32, #tpu.memory_space<hbm>> -> memref<128xi32, #tpu.memory_space<hbm>>
    tpu.wait_dma2 semaphore(%arg21 : memref<!tpu.dma_semaphore, #tpu.memory_space<semaphore_mem>>) src(%dma_wait3A_52 : memref<128xi32, #tpu.memory_space<hbm>>) dst(%arg7 : memref<128xi32, #tpu.memory_space<vmem>>)
    %dma_wait3A_53 = arith.constant 0 : i32
    %dma_wait3A_54 = tpu.memref_slice %arg3[%dma_wait3A_53] : memref<320000xi32, #tpu.memory_space<hbm>> -> memref<128xi32, #tpu.memory_space<hbm>>
    %dma_wait3A_55 = arith.constant 0 : i32
    %dma_wait3A_56 = tpu.memref_slice %arg3[%dma_wait3A_55] : memref<320000xi32, #tpu.memory_space<hbm>> -> memref<128xi32, #tpu.memory_space<hbm>>
    tpu.wait_dma2 semaphore(%arg21 : memref<!tpu.dma_semaphore, #tpu.memory_space<semaphore_mem>>) src(%dma_wait3A_56 : memref<128xi32, #tpu.memory_space<hbm>>) dst(%arg11 : memref<128xi32, #tpu.memory_space<vmem>>)
    %dma_wait3A_57 = arith.constant 0 : i32
    %dma_wait3A_58 = arith.constant 0 : i32
    %dma_wait3A_59 = tpu.memref_slice %arg4[%dma_wait3A_57, %dma_wait3A_58] : memref<10000x128xf32, #tpu.memory_space<hbm>> -> memref<10000x128xf32, #tpu.memory_space<hbm>>
    tpu.wait_indirect_dma semaphore(%arg22 : memref<!tpu.dma_semaphore, #tpu.memory_space<semaphore_mem>>) src(%dma_wait3A_59 : memref<10000x128xf32, #tpu.memory_space<hbm>>) dst(%arg16 : memref<128x128xf32, #tpu.memory_space<vmem>>)
    %barrier3A_60 = arith.constant 0 : index
    tpu.barrier barrier_id(%barrier3A_60)
    %mul3A_61 = arith.constant 640 : i32
    %mul3A_62 = arith.muli %arg1, %mul3A_61 : i32
    %mul3A_63 = arith.constant 10240 : i32
    %mul3A_64 = arith.muli %arg0, %mul3A_63 : i32
    %mul3A_65 = arith.constant 640 : i32
    %mul3A_66 = arith.muli %arg1, %mul3A_65 : i32
    %add3A_67 = arith.addi %mul3A_64, %mul3A_66 : i32
    "tpu.region"() ({
      %run_scoped3A = tpu.sem_alloc : memref<!tpu.dma_semaphore, #tpu.memory_space<semaphore_mem>>
      %dma_start3A_68 = arith.constant 0 : i32
      %dma_start3A_69 = tpu.memref_slice %arg5[%add3A_67, %dma_start3A_68] : memref<20480x128xf32, #tpu.memory_space<hbm>> -> memref<640x128xf32, #tpu.memory_space<hbm>>
      %dma_start3A_70 = arith.constant 0 : i32
      %dma_start3A_71 = tpu.memref_slice %arg19[%mul3A_62, %dma_start3A_70] : memref<10240x128xf32, #tpu.memory_space<vmem_shared>> -> memref<640x128xf32, #tpu.memory_space<vmem_shared>>
      tpu.enqueue_dma source(%dma_start3A_71 : memref<640x128xf32, #tpu.memory_space<vmem_shared>>) target(%dma_start3A_69 : memref<640x128xf32, #tpu.memory_space<hbm>>) target_semaphore(%run_scoped3A : memref<!tpu.dma_semaphore, #tpu.memory_space<semaphore_mem>>)
      %dma_wait3A_72 = arith.constant 0 : i32
      %dma_wait3A_73 = tpu.memref_slice %arg5[%add3A_67, %dma_wait3A_72] : memref<20480x128xf32, #tpu.memory_space<hbm>> -> memref<640x128xf32, #tpu.memory_space<hbm>>
      %dma_wait3A_74 = arith.constant 0 : i32
      %dma_wait3A_75 = tpu.memref_slice %arg19[%mul3A_62, %dma_wait3A_74] : memref<10240x128xf32, #tpu.memory_space<vmem_shared>> -> memref<640x128xf32, #tpu.memory_space<vmem_shared>>
      tpu.wait_dma2 semaphore(%run_scoped3A : memref<!tpu.dma_semaphore, #tpu.memory_space<semaphore_mem>>) src(%dma_wait3A_75 : memref<640x128xf32, #tpu.memory_space<vmem_shared>>) dst(%dma_wait3A_73 : memref<640x128xf32, #tpu.memory_space<hbm>>)
      tpu.yield
    }) : () -> ()
    return
  }
}

#map = affine_map<(d0, d1) -> (0)>
#map1 = affine_map<(d0, d1) -> (0, 0)>
module attributes {stable_mosaic.version = 14 : i64} {
  func.func @agg(%arg0: i32, %arg1: i32, %arg2: memref<320000xi32, #tpu.memory_space<hbm>>, %arg3: memref<320000xi32, #tpu.memory_space<hbm>>, %arg4: memref<20000x128xf32, #tpu.memory_space<hbm>>, %arg5: memref<20480x128xf32, #tpu.memory_space<hbm>>, %arg6: memref<128xi32, #tpu.memory_space<vmem>>, %arg7: memref<128xi32, #tpu.memory_space<vmem>>, %arg8: memref<128xi32, #tpu.memory_space<vmem>>, %arg9: memref<128xi32, #tpu.memory_space<vmem>>, %arg10: memref<128xi32, #tpu.memory_space<vmem>>, %arg11: memref<128xi32, #tpu.memory_space<vmem>>, %arg12: memref<32xi32, #tpu.memory_space<vmem>>, %arg13: memref<32xi32, #tpu.memory_space<vmem>>, %arg14: memref<32xi32, #tpu.memory_space<vmem>>, %arg15: memref<32x128xf32, #tpu.memory_space<vmem>>, %arg16: memref<128x128xf32, #tpu.memory_space<vmem>>, %arg17: memref<128x128xf32, #tpu.memory_space<vmem>>, %arg18: memref<40x128xf32, #tpu.memory_space<vmem>>, %arg19: memref<10240x128xf32, #tpu.memory_space<vmem_shared>>, %arg20: memref<!tpu.dma_semaphore, #tpu.memory_space<semaphore_mem>>, %arg21: memref<!tpu.dma_semaphore, #tpu.memory_space<semaphore_mem>>, %arg22: memref<!tpu.dma_semaphore, #tpu.memory_space<semaphore_mem>>, %arg23: memref<!tpu.dma_semaphore, #tpu.memory_space<semaphore_mem>>) attributes {dimension_semantics = [#tpu.dimension_semantics<core_parallel>, #tpu.dimension_semantics<subcore_parallel>], iteration_bounds = array<i64: 2, 16>, scalar_prefetch = 0 : i64, scratch_operands = 18 : i64, tpu.core_type = #tpu.core_type<sc_vector_subcore>, window_params = [{transform_indices = #map}, {transform_indices = #map}, {transform_indices = #map1}, {transform_indices = #map1}]} {
    %broadcast_in_dim3A = arith.constant 0.000000e+00 : f32
    %broadcast_in_dim3A_0 = vector.broadcast %broadcast_in_dim3A : f32 to vector<16xf32>
    %scan3A = arith.constant 0 : i32
    %scan3A_1 = arith.constant 0 : i32
    %scan3A_2 = arith.constant 320 : i32
    %scan3A_3 = arith.addi %scan3A_1, %scan3A_2 : i32
    %scan3A_4 = arith.constant 1 : i32
    %scan3A_5 = scf.for %scan3A_146 = %scan3A_1 to %scan3A_3 step %scan3A_4 iter_args(%scan3A_147 = %scan3A) -> (i32)  : i32 {
      %jit3A = arith.constant 8 : i32
      %div3A = arith.divsi %scan3A_146, %jit3A : i32
      %sign3A = arith.constant 0 : i32
      %sign3A_148 = arith.cmpi sgt, %scan3A_146, %sign3A : i32
      %sign3A_149 = arith.extui %sign3A_148 : i1 to i32
      %sign3A_150 = arith.constant 0 : i32
      %sign3A_151 = arith.cmpi slt, %scan3A_146, %sign3A_150 : i32
      %sign3A_152 = arith.extui %sign3A_151 : i1 to i32
      %sign3A_153 = arith.subi %sign3A_149, %sign3A_152 : i32
      %sign3A_154 = arith.constant 0 : i32
      %sign3A_155 = arith.cmpi sgt, %jit3A, %sign3A_154 : i32
      %sign3A_156 = arith.extui %sign3A_155 : i1 to i32
      %sign3A_157 = arith.constant 0 : i32
      %sign3A_158 = arith.cmpi slt, %jit3A, %sign3A_157 : i32
      %sign3A_159 = arith.extui %sign3A_158 : i1 to i32
      %sign3A_160 = arith.subi %sign3A_156, %sign3A_159 : i32
      %ne3A = arith.cmpi ne, %sign3A_153, %sign3A_160 : i32
      %rem3A = arith.remsi %scan3A_146, %jit3A : i32
      %ne3A_161 = arith.constant 0 : i32
      %ne3A_162 = arith.cmpi ne, %rem3A, %ne3A_161 : i32
      %and3A = arith.andi %ne3A, %ne3A_162 : i1
      %sub3A = arith.constant 1 : i32
      %sub3A_163 = arith.subi %div3A, %sub3A : i32
      %select_n3A = arith.select %and3A, %sub3A_163, %div3A : i32
      %jit3A_164 = arith.constant 8 : i32
      %eq3A = arith.constant 0 : i32
      %eq3A_165 = arith.cmpi eq, %jit3A_164, %eq3A : i32
      %jit3A_166 = arith.constant 1 : i32
      %select_n3A_167 = arith.select %eq3A_165, %jit3A_166, %jit3A_164 : i32
      %rem3A_168 = arith.remsi %scan3A_146, %select_n3A_167 : i32
      %ne3A_169 = arith.constant 0 : i32
      %ne3A_170 = arith.cmpi ne, %rem3A_168, %ne3A_169 : i32
      %lt3A = arith.constant 0 : i32
      %lt3A_171 = arith.cmpi slt, %rem3A_168, %lt3A : i32
      %lt3A_172 = arith.constant 0 : i32
      %lt3A_173 = arith.cmpi slt, %select_n3A_167, %lt3A_172 : i32
      %ne3A_174 = arith.xori %lt3A_171, %lt3A_173 : i1
      %and3A_175 = arith.andi %ne3A_174, %ne3A_170 : i1
      %add3A_176 = arith.addi %rem3A_168, %select_n3A_167 : i32
      %select_n3A_177 = arith.select %and3A_175, %add3A_176, %rem3A_168 : i32
      %mul3A_178 = arith.constant 16 : i32
      %mul3A_179 = arith.muli %select_n3A_177, %mul3A_178 : i32
      %swap3A_180 = arith.index_cast %select_n3A : i32 to index
      %swap3A_181 = arith.index_cast %mul3A_179 : i32 to index
      %swap3A_182 = tpu.vector_load %arg18[%swap3A_180, %swap3A_181] {strides = array<i32>} : memref<40x128xf32, #tpu.memory_space<vmem>>, vector<1x16xf32>,
      %swap3A_183 = vector.shape_cast %swap3A_182 : vector<1x16xf32> to vector<16xf32>
      %swap3A_184 = vector.shape_cast %broadcast_in_dim3A_0 : vector<16xf32> to vector<1x16xf32>
      tpu.vector_store %arg18[%swap3A_180, %swap3A_181], %swap3A_184 {strides = array<i32>} : memref<40x128xf32, #tpu.memory_space<vmem>>, vector<1x16xf32>,
      %scan3A_185 = arith.constant 0 : i32
      scf.yield %scan3A_185 : i32
    }
    %scan3A_6 = arith.constant 320 : i32
    %scan3A_7 = arith.constant 0 : i32
    %scan3A_8 = arith.constant 0 : i32
    %scan3A_9 = arith.constant 16 : i32
    %scan3A_10 = arith.addi %scan3A_8, %scan3A_9 : i32
    %scan3A_11 = arith.constant 1 : i32
    %scan3A_12 = scf.for %scan3A_146 = %scan3A_8 to %scan3A_10 step %scan3A_11 iter_args(%scan3A_147 = %scan3A_7) -> (i32)  : i32 {
      %mul3A_148 = arith.constant 640 : i32
      %mul3A_149 = arith.muli %arg1, %mul3A_148 : i32
      %mul3A_150 = arith.constant 40 : i32
      %mul3A_151 = arith.muli %scan3A_146, %mul3A_150 : i32
      %add3A_152 = arith.addi %mul3A_149, %mul3A_151 : i32
      "tpu.region"() ({
        %run_scoped3A = tpu.sem_alloc : memref<!tpu.dma_semaphore, #tpu.memory_space<semaphore_mem>>
        %dma_start3A_154 = arith.constant 0 : i32
        %dma_start3A_155 = tpu.memref_slice %arg19[%add3A_152, %dma_start3A_154] : memref<10240x128xf32, #tpu.memory_space<vmem_shared>> -> memref<40x128xf32, #tpu.memory_space<vmem_shared>>
        %dma_start3A_156 = arith.constant 0 : i32
        %dma_start3A_157 = tpu.memref_slice %arg19[%add3A_152, %dma_start3A_156] : memref<10240x128xf32, #tpu.memory_space<vmem_shared>> -> memref<40x128xf32, #tpu.memory_space<vmem_shared>>
        tpu.enqueue_dma source(%arg18 : memref<40x128xf32, #tpu.memory_space<vmem>>) target(%dma_start3A_157 : memref<40x128xf32, #tpu.memory_space<vmem_shared>>) target_semaphore(%run_scoped3A : memref<!tpu.dma_semaphore, #tpu.memory_space<semaphore_mem>>)
        %dma_wait3A_158 = arith.constant 0 : i32
        %dma_wait3A_159 = tpu.memref_slice %arg19[%add3A_152, %dma_wait3A_158] : memref<10240x128xf32, #tpu.memory_space<vmem_shared>> -> memref<40x128xf32, #tpu.memory_space<vmem_shared>>
        %dma_wait3A_160 = arith.constant 0 : i32
        %dma_wait3A_161 = tpu.memref_slice %arg19[%add3A_152, %dma_wait3A_160] : memref<10240x128xf32, #tpu.memory_space<vmem_shared>> -> memref<40x128xf32, #tpu.memory_space<vmem_shared>>
        tpu.wait_dma2 semaphore(%run_scoped3A : memref<!tpu.dma_semaphore, #tpu.memory_space<semaphore_mem>>) src(%arg18 : memref<40x128xf32, #tpu.memory_space<vmem>>) dst(%dma_wait3A_161 : memref<40x128xf32, #tpu.memory_space<vmem_shared>>)
        tpu.yield
      }) : () -> ()
      %scan3A_153 = arith.constant 0 : i32
      scf.yield %scan3A_153 : i32
    }
    %scan3A_13 = arith.constant 16 : i32
    %barrier3A = arith.constant 0 : index
    tpu.barrier barrier_id(%barrier3A)
    %mul3A = arith.constant 0 : i32
    %mul3A_14 = arith.muli %arg0, %mul3A : i32
    %mul3A_15 = arith.constant 20000 : i32
    %mul3A_16 = arith.muli %arg1, %mul3A_15 : i32
    %add3A = arith.addi %mul3A_14, %mul3A_16 : i32
    %mul3A_17 = arith.constant 10000 : i32
    %mul3A_18 = arith.muli %arg0, %mul3A_17 : i32
    %broadcast_in_dim3A_19 = vector.broadcast %mul3A_18 : i32 to vector<16xi32>
    %add3A_20 = arith.constant 19968 : i32
    %add3A_21 = arith.addi %add3A, %add3A_20 : i32
    "tpu.region"() ({
      %run_scoped3A = tpu.sem_alloc : memref<!tpu.dma_semaphore, #tpu.memory_space<semaphore_mem>>
      %dma_start3A_146 = tpu.memref_slice %arg2[%add3A_21] : memref<320000xi32, #tpu.memory_space<hbm>> -> memref<32xi32, #tpu.memory_space<hbm>>
      %dma_start3A_147 = tpu.memref_slice %arg2[%add3A_21] : memref<320000xi32, #tpu.memory_space<hbm>> -> memref<32xi32, #tpu.memory_space<hbm>>
      tpu.enqueue_dma source(%dma_start3A_147 : memref<32xi32, #tpu.memory_space<hbm>>) target(%arg12 : memref<32xi32, #tpu.memory_space<vmem>>) target_semaphore(%run_scoped3A : memref<!tpu.dma_semaphore, #tpu.memory_space<semaphore_mem>>)
      %dma_wait3A_148 = tpu.memref_slice %arg2[%add3A_21] : memref<320000xi32, #tpu.memory_space<hbm>> -> memref<32xi32, #tpu.memory_space<hbm>>
      %dma_wait3A_149 = tpu.memref_slice %arg2[%add3A_21] : memref<320000xi32, #tpu.memory_space<hbm>> -> memref<32xi32, #tpu.memory_space<hbm>>
      tpu.wait_dma2 semaphore(%run_scoped3A : memref<!tpu.dma_semaphore, #tpu.memory_space<semaphore_mem>>) src(%dma_wait3A_149 : memref<32xi32, #tpu.memory_space<hbm>>) dst(%arg12 : memref<32xi32, #tpu.memory_space<vmem>>)
      tpu.yield
    }) : () -> ()
    "tpu.region"() ({
      %run_scoped3A = tpu.sem_alloc : memref<!tpu.dma_semaphore, #tpu.memory_space<semaphore_mem>>
      %dma_start3A_146 = tpu.memref_slice %arg3[%add3A_21] : memref<320000xi32, #tpu.memory_space<hbm>> -> memref<32xi32, #tpu.memory_space<hbm>>
      %dma_start3A_147 = tpu.memref_slice %arg3[%add3A_21] : memref<320000xi32, #tpu.memory_space<hbm>> -> memref<32xi32, #tpu.memory_space<hbm>>
      tpu.enqueue_dma source(%dma_start3A_147 : memref<32xi32, #tpu.memory_space<hbm>>) target(%arg14 : memref<32xi32, #tpu.memory_space<vmem>>) target_semaphore(%run_scoped3A : memref<!tpu.dma_semaphore, #tpu.memory_space<semaphore_mem>>)
      %dma_wait3A_148 = tpu.memref_slice %arg3[%add3A_21] : memref<320000xi32, #tpu.memory_space<hbm>> -> memref<32xi32, #tpu.memory_space<hbm>>
      %dma_wait3A_149 = tpu.memref_slice %arg3[%add3A_21] : memref<320000xi32, #tpu.memory_space<hbm>> -> memref<32xi32, #tpu.memory_space<hbm>>
      tpu.wait_dma2 semaphore(%run_scoped3A : memref<!tpu.dma_semaphore, #tpu.memory_space<semaphore_mem>>) src(%dma_wait3A_149 : memref<32xi32, #tpu.memory_space<hbm>>) dst(%arg14 : memref<32xi32, #tpu.memory_space<vmem>>)
      tpu.yield
    }) : () -> ()
    %get3A = arith.constant 0 : index
    %get3A_22 = tpu.vector_load %arg12[%get3A] {strides = array<i32>} : memref<32xi32, #tpu.memory_space<vmem>>, vector<16xi32>,
    %get3A_23 = vector.shape_cast %get3A_22 : vector<16xi32> to vector<16xi32>
    %add3A_24 = arith.addi %get3A_23, %broadcast_in_dim3A_19 : vector<16xi32>
    %swap3A = arith.constant 0 : index
    %swap3A_25 = tpu.vector_load %arg13[%swap3A] {strides = array<i32>} : memref<32xi32, #tpu.memory_space<vmem>>, vector<16xi32>,
    %swap3A_26 = vector.shape_cast %swap3A_25 : vector<16xi32> to vector<16xi32>
    %swap3A_27 = vector.shape_cast %add3A_24 : vector<16xi32> to vector<16xi32>
    tpu.vector_store %arg13[%swap3A], %swap3A_27 {strides = array<i32>} : memref<32xi32, #tpu.memory_space<vmem>>, vector<16xi32>,
    %get3A_28 = arith.constant 16 : index
    %get3A_29 = tpu.vector_load %arg12[%get3A_28] {strides = array<i32>} : memref<32xi32, #tpu.memory_space<vmem>>, vector<16xi32>,
    %get3A_30 = vector.shape_cast %get3A_29 : vector<16xi32> to vector<16xi32>
    %add3A_31 = arith.addi %get3A_30, %broadcast_in_dim3A_19 : vector<16xi32>
    %swap3A_32 = arith.constant 16 : index
    %swap3A_33 = tpu.vector_load %arg13[%swap3A_32] {strides = array<i32>} : memref<32xi32, #tpu.memory_space<vmem>>, vector<16xi32>,
    %swap3A_34 = vector.shape_cast %swap3A_33 : vector<16xi32> to vector<16xi32>
    %swap3A_35 = vector.shape_cast %add3A_31 : vector<16xi32> to vector<16xi32>
    tpu.vector_store %arg13[%swap3A_32], %swap3A_35 {strides = array<i32>} : memref<32xi32, #tpu.memory_space<vmem>>, vector<16xi32>,
    %dma_start3A = arith.constant 0 : i32
    %dma_start3A_36 = arith.constant 0 : i32
    %dma_start3A_37 = tpu.memref_slice %arg4[%dma_start3A, %dma_start3A_36] : memref<20000x128xf32, #tpu.memory_space<hbm>> -> memref<20000x128xf32, #tpu.memory_space<hbm>>
    tpu.enqueue_indirect_dma source(%dma_start3A_37 : memref<20000x128xf32, #tpu.memory_space<hbm>>) target(%arg15 : memref<32x128xf32, #tpu.memory_space<vmem>>) offsets(%arg13 : memref<32xi32, #tpu.memory_space<vmem>>) semaphore(%arg22 : memref<!tpu.dma_semaphore, #tpu.memory_space<semaphore_mem>>)
    %dma_wait3A = arith.constant 0 : i32
    %dma_wait3A_38 = arith.constant 0 : i32
    %dma_wait3A_39 = tpu.memref_slice %arg4[%dma_wait3A, %dma_wait3A_38] : memref<20000x128xf32, #tpu.memory_space<hbm>> -> memref<20000x128xf32, #tpu.memory_space<hbm>>
    tpu.wait_indirect_dma semaphore(%arg22 : memref<!tpu.dma_semaphore, #tpu.memory_space<semaphore_mem>>) src(%dma_wait3A_39 : memref<20000x128xf32, #tpu.memory_space<hbm>>) dst(%arg15 : memref<32x128xf32, #tpu.memory_space<vmem>>)
    "tpu.region"() ({
      %run_scoped3A = tpu.sem_alloc : memref<!tpu.dma_semaphore, #tpu.memory_space<semaphore_mem>>
      %dma_start3A_146 = arith.constant 0 : i32
      %dma_start3A_147 = arith.constant 0 : i32
      %dma_start3A_148 = tpu.memref_slice %arg19[%dma_start3A_146, %dma_start3A_147] : memref<10240x128xf32, #tpu.memory_space<vmem_shared>> -> memref<10240x128xf32, #tpu.memory_space<vmem_shared>>
      tpu.enqueue_indirect_dma source(%arg15 : memref<32x128xf32, #tpu.memory_space<vmem>>) target(%dma_start3A_148 : memref<10240x128xf32, #tpu.memory_space<vmem_shared>>) offsets(%arg14 : memref<32xi32, #tpu.memory_space<vmem>>) semaphore(%run_scoped3A : memref<!tpu.dma_semaphore, #tpu.memory_space<semaphore_mem>>) {add = true}
      %dma_wait3A_149 = arith.constant 0 : i32
      %dma_wait3A_150 = arith.constant 0 : i32
      %dma_wait3A_151 = tpu.memref_slice %arg19[%dma_wait3A_149, %dma_wait3A_150] : memref<10240x128xf32, #tpu.memory_space<vmem_shared>> -> memref<10240x128xf32, #tpu.memory_space<vmem_shared>>
      tpu.wait_indirect_dma semaphore(%run_scoped3A : memref<!tpu.dma_semaphore, #tpu.memory_space<semaphore_mem>>) src(%arg15 : memref<32x128xf32, #tpu.memory_space<vmem>>) dst(%dma_wait3A_151 : memref<10240x128xf32, #tpu.memory_space<vmem_shared>>)
      tpu.yield
    }) : () -> ()
    %add3A_40 = arith.constant 0 : i32
    %add3A_41 = arith.addi %add3A, %add3A_40 : i32
    "tpu.region"() ({
      %run_scoped3A = tpu.sem_alloc : memref<!tpu.dma_semaphore, #tpu.memory_space<semaphore_mem>>
      %dma_start3A_146 = tpu.memref_slice %arg2[%add3A_41] : memref<320000xi32, #tpu.memory_space<hbm>> -> memref<128xi32, #tpu.memory_space<hbm>>
      %dma_start3A_147 = tpu.memref_slice %arg2[%add3A_41] : memref<320000xi32, #tpu.memory_space<hbm>> -> memref<128xi32, #tpu.memory_space<hbm>>
      tpu.enqueue_dma source(%dma_start3A_147 : memref<128xi32, #tpu.memory_space<hbm>>) target(%arg6 : memref<128xi32, #tpu.memory_space<vmem>>) target_semaphore(%run_scoped3A : memref<!tpu.dma_semaphore, #tpu.memory_space<semaphore_mem>>)
      %dma_wait3A_148 = tpu.memref_slice %arg2[%add3A_41] : memref<320000xi32, #tpu.memory_space<hbm>> -> memref<128xi32, #tpu.memory_space<hbm>>
      %dma_wait3A_149 = tpu.memref_slice %arg2[%add3A_41] : memref<320000xi32, #tpu.memory_space<hbm>> -> memref<128xi32, #tpu.memory_space<hbm>>
      tpu.wait_dma2 semaphore(%run_scoped3A : memref<!tpu.dma_semaphore, #tpu.memory_space<semaphore_mem>>) src(%dma_wait3A_149 : memref<128xi32, #tpu.memory_space<hbm>>) dst(%arg6 : memref<128xi32, #tpu.memory_space<vmem>>)
      tpu.yield
    }) : () -> ()
    %add3A_42 = arith.constant 0 : i32
    %add3A_43 = arith.addi %add3A, %add3A_42 : i32
    "tpu.region"() ({
      %run_scoped3A = tpu.sem_alloc : memref<!tpu.dma_semaphore, #tpu.memory_space<semaphore_mem>>
      %dma_start3A_146 = tpu.memref_slice %arg3[%add3A_43] : memref<320000xi32, #tpu.memory_space<hbm>> -> memref<128xi32, #tpu.memory_space<hbm>>
      %dma_start3A_147 = tpu.memref_slice %arg3[%add3A_43] : memref<320000xi32, #tpu.memory_space<hbm>> -> memref<128xi32, #tpu.memory_space<hbm>>
      tpu.enqueue_dma source(%dma_start3A_147 : memref<128xi32, #tpu.memory_space<hbm>>) target(%arg10 : memref<128xi32, #tpu.memory_space<vmem>>) target_semaphore(%run_scoped3A : memref<!tpu.dma_semaphore, #tpu.memory_space<semaphore_mem>>)
      %dma_wait3A_148 = tpu.memref_slice %arg3[%add3A_43] : memref<320000xi32, #tpu.memory_space<hbm>> -> memref<128xi32, #tpu.memory_space<hbm>>
      %dma_wait3A_149 = tpu.memref_slice %arg3[%add3A_43] : memref<320000xi32, #tpu.memory_space<hbm>> -> memref<128xi32, #tpu.memory_space<hbm>>
      tpu.wait_dma2 semaphore(%run_scoped3A : memref<!tpu.dma_semaphore, #tpu.memory_space<semaphore_mem>>) src(%dma_wait3A_149 : memref<128xi32, #tpu.memory_space<hbm>>) dst(%arg10 : memref<128xi32, #tpu.memory_space<vmem>>)
      tpu.yield
    }) : () -> ()
    %get3A_44 = arith.constant 0 : index
    %get3A_45 = tpu.vector_load %arg6[%get3A_44] {strides = array<i32>} : memref<128xi32, #tpu.memory_space<vmem>>, vector<16xi32>,
    %get3A_46 = vector.shape_cast %get3A_45 : vector<16xi32> to vector<16xi32>
    %add3A_47 = arith.addi %get3A_46, %broadcast_in_dim3A_19 : vector<16xi32>
    %swap3A_48 = arith.constant 0 : index
    %swap3A_49 = tpu.vector_load %arg8[%swap3A_48] {strides = array<i32>} : memref<128xi32, #tpu.memory_space<vmem>>, vector<16xi32>,
    %swap3A_50 = vector.shape_cast %swap3A_49 : vector<16xi32> to vector<16xi32>
    %swap3A_51 = vector.shape_cast %add3A_47 : vector<16xi32> to vector<16xi32>
    tpu.vector_store %arg8[%swap3A_48], %swap3A_51 {strides = array<i32>} : memref<128xi32, #tpu.memory_space<vmem>>, vector<16xi32>,
    %get3A_52 = arith.constant 16 : index
    %get3A_53 = tpu.vector_load %arg6[%get3A_52] {strides = array<i32>} : memref<128xi32, #tpu.memory_space<vmem>>, vector<16xi32>,
    %get3A_54 = vector.shape_cast %get3A_53 : vector<16xi32> to vector<16xi32>
    %add3A_55 = arith.addi %get3A_54, %broadcast_in_dim3A_19 : vector<16xi32>
    %swap3A_56 = arith.constant 16 : index
    %swap3A_57 = tpu.vector_load %arg8[%swap3A_56] {strides = array<i32>} : memref<128xi32, #tpu.memory_space<vmem>>, vector<16xi32>,
    %swap3A_58 = vector.shape_cast %swap3A_57 : vector<16xi32> to vector<16xi32>
    %swap3A_59 = vector.shape_cast %add3A_55 : vector<16xi32> to vector<16xi32>
    tpu.vector_store %arg8[%swap3A_56], %swap3A_59 {strides = array<i32>} : memref<128xi32, #tpu.memory_space<vmem>>, vector<16xi32>,
    %get3A_60 = arith.constant 32 : index
    %get3A_61 = tpu.vector_load %arg6[%get3A_60] {strides = array<i32>} : memref<128xi32, #tpu.memory_space<vmem>>, vector<16xi32>,
    %get3A_62 = vector.shape_cast %get3A_61 : vector<16xi32> to vector<16xi32>
    %add3A_63 = arith.addi %get3A_62, %broadcast_in_dim3A_19 : vector<16xi32>
    %swap3A_64 = arith.constant 32 : index
    %swap3A_65 = tpu.vector_load %arg8[%swap3A_64] {strides = array<i32>} : memref<128xi32, #tpu.memory_space<vmem>>, vector<16xi32>,
    %swap3A_66 = vector.shape_cast %swap3A_65 : vector<16xi32> to vector<16xi32>
    %swap3A_67 = vector.shape_cast %add3A_63 : vector<16xi32> to vector<16xi32>
    tpu.vector_store %arg8[%swap3A_64], %swap3A_67 {strides = array<i32>} : memref<128xi32, #tpu.memory_space<vmem>>, vector<16xi32>,
    %get3A_68 = arith.constant 48 : index
    %get3A_69 = tpu.vector_load %arg6[%get3A_68] {strides = array<i32>} : memref<128xi32, #tpu.memory_space<vmem>>, vector<16xi32>,
    %get3A_70 = vector.shape_cast %get3A_69 : vector<16xi32> to vector<16xi32>
    %add3A_71 = arith.addi %get3A_70, %broadcast_in_dim3A_19 : vector<16xi32>
    %swap3A_72 = arith.constant 48 : index
    %swap3A_73 = tpu.vector_load %arg8[%swap3A_72] {strides = array<i32>} : memref<128xi32, #tpu.memory_space<vmem>>, vector<16xi32>,
    %swap3A_74 = vector.shape_cast %swap3A_73 : vector<16xi32> to vector<16xi32>
    %swap3A_75 = vector.shape_cast %add3A_71 : vector<16xi32> to vector<16xi32>
    tpu.vector_store %arg8[%swap3A_72], %swap3A_75 {strides = array<i32>} : memref<128xi32, #tpu.memory_space<vmem>>, vector<16xi32>,
    %get3A_76 = arith.constant 64 : index
    %get3A_77 = tpu.vector_load %arg6[%get3A_76] {strides = array<i32>} : memref<128xi32, #tpu.memory_space<vmem>>, vector<16xi32>,
    %get3A_78 = vector.shape_cast %get3A_77 : vector<16xi32> to vector<16xi32>
    %add3A_79 = arith.addi %get3A_78, %broadcast_in_dim3A_19 : vector<16xi32>
    %swap3A_80 = arith.constant 64 : index
    %swap3A_81 = tpu.vector_load %arg8[%swap3A_80] {strides = array<i32>} : memref<128xi32, #tpu.memory_space<vmem>>, vector<16xi32>,
    %swap3A_82 = vector.shape_cast %swap3A_81 : vector<16xi32> to vector<16xi32>
    %swap3A_83 = vector.shape_cast %add3A_79 : vector<16xi32> to vector<16xi32>
    tpu.vector_store %arg8[%swap3A_80], %swap3A_83 {strides = array<i32>} : memref<128xi32, #tpu.memory_space<vmem>>, vector<16xi32>,
    %get3A_84 = arith.constant 80 : index
    %get3A_85 = tpu.vector_load %arg6[%get3A_84] {strides = array<i32>} : memref<128xi32, #tpu.memory_space<vmem>>, vector<16xi32>,
    %get3A_86 = vector.shape_cast %get3A_85 : vector<16xi32> to vector<16xi32>
    %add3A_87 = arith.addi %get3A_86, %broadcast_in_dim3A_19 : vector<16xi32>
    %swap3A_88 = arith.constant 80 : index
    %swap3A_89 = tpu.vector_load %arg8[%swap3A_88] {strides = array<i32>} : memref<128xi32, #tpu.memory_space<vmem>>, vector<16xi32>,
    %swap3A_90 = vector.shape_cast %swap3A_89 : vector<16xi32> to vector<16xi32>
    %swap3A_91 = vector.shape_cast %add3A_87 : vector<16xi32> to vector<16xi32>
    tpu.vector_store %arg8[%swap3A_88], %swap3A_91 {strides = array<i32>} : memref<128xi32, #tpu.memory_space<vmem>>, vector<16xi32>,
    %get3A_92 = arith.constant 96 : index
    %get3A_93 = tpu.vector_load %arg6[%get3A_92] {strides = array<i32>} : memref<128xi32, #tpu.memory_space<vmem>>, vector<16xi32>,
    %get3A_94 = vector.shape_cast %get3A_93 : vector<16xi32> to vector<16xi32>
    %add3A_95 = arith.addi %get3A_94, %broadcast_in_dim3A_19 : vector<16xi32>
    %swap3A_96 = arith.constant 96 : index
    %swap3A_97 = tpu.vector_load %arg8[%swap3A_96] {strides = array<i32>} : memref<128xi32, #tpu.memory_space<vmem>>, vector<16xi32>,
    %swap3A_98 = vector.shape_cast %swap3A_97 : vector<16xi32> to vector<16xi32>
    %swap3A_99 = vector.shape_cast %add3A_95 : vector<16xi32> to vector<16xi32>
    tpu.vector_store %arg8[%swap3A_96], %swap3A_99 {strides = array<i32>} : memref<128xi32, #tpu.memory_space<vmem>>, vector<16xi32>,
    %get3A_100 = arith.constant 112 : index
    %get3A_101 = tpu.vector_load %arg6[%get3A_100] {strides = array<i32>} : memref<128xi32, #tpu.memory_space<vmem>>, vector<16xi32>,
    %get3A_102 = vector.shape_cast %get3A_101 : vector<16xi32> to vector<16xi32>
    %add3A_103 = arith.addi %get3A_102, %broadcast_in_dim3A_19 : vector<16xi32>
    %swap3A_104 = arith.constant 112 : index
    %swap3A_105 = tpu.vector_load %arg8[%swap3A_104] {strides = array<i32>} : memref<128xi32, #tpu.memory_space<vmem>>, vector<16xi32>,
    %swap3A_106 = vector.shape_cast %swap3A_105 : vector<16xi32> to vector<16xi32>
    %swap3A_107 = vector.shape_cast %add3A_103 : vector<16xi32> to vector<16xi32>
    tpu.vector_store %arg8[%swap3A_104], %swap3A_107 {strides = array<i32>} : memref<128xi32, #tpu.memory_space<vmem>>, vector<16xi32>,
    %dma_start3A_108 = arith.constant 0 : i32
    %dma_start3A_109 = arith.constant 0 : i32
    %dma_start3A_110 = tpu.memref_slice %arg4[%dma_start3A_108, %dma_start3A_109] : memref<20000x128xf32, #tpu.memory_space<hbm>> -> memref<20000x128xf32, #tpu.memory_space<hbm>>
    tpu.enqueue_indirect_dma source(%dma_start3A_110 : memref<20000x128xf32, #tpu.memory_space<hbm>>) target(%arg16 : memref<128x128xf32, #tpu.memory_space<vmem>>) offsets(%arg8 : memref<128xi32, #tpu.memory_space<vmem>>) semaphore(%arg22 : memref<!tpu.dma_semaphore, #tpu.memory_space<semaphore_mem>>)
    %min3A = arith.constant 1 : i32
    %min3A_111 = arith.constant 155 : i32
    %min3A_112 = arith.minsi %min3A, %min3A_111 : i32
    %mul3A_113 = arith.constant 128 : i32
    %mul3A_114 = arith.muli %min3A_112, %mul3A_113 : i32
    %add3A_115 = arith.addi %add3A, %mul3A_114 : i32
    %dma_start3A_116 = tpu.memref_slice %arg2[%add3A_115] : memref<320000xi32, #tpu.memory_space<hbm>> -> memref<128xi32, #tpu.memory_space<hbm>>
    %dma_start3A_117 = tpu.memref_slice %arg2[%add3A_115] : memref<320000xi32, #tpu.memory_space<hbm>> -> memref<128xi32, #tpu.memory_space<hbm>>
    tpu.enqueue_dma source(%dma_start3A_117 : memref<128xi32, #tpu.memory_space<hbm>>) target(%arg7 : memref<128xi32, #tpu.memory_space<vmem>>) target_semaphore(%arg21 : memref<!tpu.dma_semaphore, #tpu.memory_space<semaphore_mem>>)
    %dma_start3A_118 = tpu.memref_slice %arg3[%add3A_115] : memref<320000xi32, #tpu.memory_space<hbm>> -> memref<128xi32, #tpu.memory_space<hbm>>
    %dma_start3A_119 = tpu.memref_slice %arg3[%add3A_115] : memref<320000xi32, #tpu.memory_space<hbm>> -> memref<128xi32, #tpu.memory_space<hbm>>
    tpu.enqueue_dma source(%dma_start3A_119 : memref<128xi32, #tpu.memory_space<hbm>>) target(%arg11 : memref<128xi32, #tpu.memory_space<vmem>>) target_semaphore(%arg21 : memref<!tpu.dma_semaphore, #tpu.memory_space<semaphore_mem>>)
    %scan3A_120 = arith.constant 0 : i32
    %scan3A_121 = arith.constant 0 : i32
    %scan3A_122 = arith.constant 78 : i32
    %scan3A_123 = arith.addi %scan3A_121, %scan3A_122 : i32
    %scan3A_124 = arith.constant 1 : i32
    %scan3A_125 = scf.for %scan3A_146 = %scan3A_121 to %scan3A_123 step %scan3A_124 iter_args(%scan3A_147 = %scan3A_120) -> (i32)  : i32 {
      %mul3A_148 = arith.constant 2 : i32
      %mul3A_149 = arith.muli %mul3A_148, %scan3A_146 : i32
      %add3A_150 = arith.constant 0 : i32
      %add3A_151 = arith.addi %add3A_150, %mul3A_149 : i32
      %dma_wait3A_152 = arith.constant 0 : i32
      %dma_wait3A_153 = arith.constant 0 : i32
      %dma_wait3A_154 = tpu.memref_slice %arg4[%dma_wait3A_152, %dma_wait3A_153] : memref<20000x128xf32, #tpu.memory_space<hbm>> -> memref<20000x128xf32, #tpu.memory_space<hbm>>
      tpu.wait_indirect_dma semaphore(%arg22 : memref<!tpu.dma_semaphore, #tpu.memory_space<semaphore_mem>>) src(%dma_wait3A_154 : memref<20000x128xf32, #tpu.memory_space<hbm>>) dst(%arg16 : memref<128x128xf32, #tpu.memory_space<vmem>>)
      %dma_wait3A_155 = arith.constant 0 : i32
      %dma_wait3A_156 = tpu.memref_slice %arg2[%dma_wait3A_155] : memref<320000xi32, #tpu.memory_space<hbm>> -> memref<128xi32, #tpu.memory_space<hbm>>
      %dma_wait3A_157 = arith.constant 0 : i32
      %dma_wait3A_158 = tpu.memref_slice %arg2[%dma_wait3A_157] : memref<320000xi32, #tpu.memory_space<hbm>> -> memref<128xi32, #tpu.memory_space<hbm>>
      tpu.wait_dma2 semaphore(%arg21 : memref<!tpu.dma_semaphore, #tpu.memory_space<semaphore_mem>>) src(%dma_wait3A_158 : memref<128xi32, #tpu.memory_space<hbm>>) dst(%arg7 : memref<128xi32, #tpu.memory_space<vmem>>)
      %dma_wait3A_159 = arith.constant 0 : i32
      %dma_wait3A_160 = tpu.memref_slice %arg3[%dma_wait3A_159] : memref<320000xi32, #tpu.memory_space<hbm>> -> memref<128xi32, #tpu.memory_space<hbm>>
      %dma_wait3A_161 = arith.constant 0 : i32
      %dma_wait3A_162 = tpu.memref_slice %arg3[%dma_wait3A_161] : memref<320000xi32, #tpu.memory_space<hbm>> -> memref<128xi32, #tpu.memory_space<hbm>>
      tpu.wait_dma2 semaphore(%arg21 : memref<!tpu.dma_semaphore, #tpu.memory_space<semaphore_mem>>) src(%dma_wait3A_162 : memref<128xi32, #tpu.memory_space<hbm>>) dst(%arg11 : memref<128xi32, #tpu.memory_space<vmem>>)
      %get3A_163 = arith.constant 0 : index
      %get3A_164 = tpu.vector_load %arg7[%get3A_163] {strides = array<i32>} : memref<128xi32, #tpu.memory_space<vmem>>, vector<16xi32>,
      %get3A_165 = vector.shape_cast %get3A_164 : vector<16xi32> to vector<16xi32>
      %add3A_166 = arith.addi %get3A_165, %broadcast_in_dim3A_19 : vector<16xi32>
      %swap3A_167 = arith.constant 0 : index
      %swap3A_168 = tpu.vector_load %arg9[%swap3A_167] {strides = array<i32>} : memref<128xi32, #tpu.memory_space<vmem>>, vector<16xi32>,
      %swap3A_169 = vector.shape_cast %swap3A_168 : vector<16xi32> to vector<16xi32>
      %swap3A_170 = vector.shape_cast %add3A_166 : vector<16xi32> to vector<16xi32>
      tpu.vector_store %arg9[%swap3A_167], %swap3A_170 {strides = array<i32>} : memref<128xi32, #tpu.memory_space<vmem>>, vector<16xi32>,
      %get3A_171 = arith.constant 16 : index
      %get3A_172 = tpu.vector_load %arg7[%get3A_171] {strides = array<i32>} : memref<128xi32, #tpu.memory_space<vmem>>, vector<16xi32>,
      %get3A_173 = vector.shape_cast %get3A_172 : vector<16xi32> to vector<16xi32>
      %add3A_174 = arith.addi %get3A_173, %broadcast_in_dim3A_19 : vector<16xi32>
      %swap3A_175 = arith.constant 16 : index
      %swap3A_176 = tpu.vector_load %arg9[%swap3A_175] {strides = array<i32>} : memref<128xi32, #tpu.memory_space<vmem>>, vector<16xi32>,
      %swap3A_177 = vector.shape_cast %swap3A_176 : vector<16xi32> to vector<16xi32>
      %swap3A_178 = vector.shape_cast %add3A_174 : vector<16xi32> to vector<16xi32>
      tpu.vector_store %arg9[%swap3A_175], %swap3A_178 {strides = array<i32>} : memref<128xi32, #tpu.memory_space<vmem>>, vector<16xi32>,
      %get3A_179 = arith.constant 32 : index
      %get3A_180 = tpu.vector_load %arg7[%get3A_179] {strides = array<i32>} : memref<128xi32, #tpu.memory_space<vmem>>, vector<16xi32>,
      %get3A_181 = vector.shape_cast %get3A_180 : vector<16xi32> to vector<16xi32>
      %add3A_182 = arith.addi %get3A_181, %broadcast_in_dim3A_19 : vector<16xi32>
      %swap3A_183 = arith.constant 32 : index
      %swap3A_184 = tpu.vector_load %arg9[%swap3A_183] {strides = array<i32>} : memref<128xi32, #tpu.memory_space<vmem>>, vector<16xi32>,
      %swap3A_185 = vector.shape_cast %swap3A_184 : vector<16xi32> to vector<16xi32>
      %swap3A_186 = vector.shape_cast %add3A_182 : vector<16xi32> to vector<16xi32>
      tpu.vector_store %arg9[%swap3A_183], %swap3A_186 {strides = array<i32>} : memref<128xi32, #tpu.memory_space<vmem>>, vector<16xi32>,
      %get3A_187 = arith.constant 48 : index
      %get3A_188 = tpu.vector_load %arg7[%get3A_187] {strides = array<i32>} : memref<128xi32, #tpu.memory_space<vmem>>, vector<16xi32>,
      %get3A_189 = vector.shape_cast %get3A_188 : vector<16xi32> to vector<16xi32>
      %add3A_190 = arith.addi %get3A_189, %broadcast_in_dim3A_19 : vector<16xi32>
      %swap3A_191 = arith.constant 48 : index
      %swap3A_192 = tpu.vector_load %arg9[%swap3A_191] {strides = array<i32>} : memref<128xi32, #tpu.memory_space<vmem>>, vector<16xi32>,
      %swap3A_193 = vector.shape_cast %swap3A_192 : vector<16xi32> to vector<16xi32>
      %swap3A_194 = vector.shape_cast %add3A_190 : vector<16xi32> to vector<16xi32>
      tpu.vector_store %arg9[%swap3A_191], %swap3A_194 {strides = array<i32>} : memref<128xi32, #tpu.memory_space<vmem>>, vector<16xi32>,
      %get3A_195 = arith.constant 64 : index
      %get3A_196 = tpu.vector_load %arg7[%get3A_195] {strides = array<i32>} : memref<128xi32, #tpu.memory_space<vmem>>, vector<16xi32>,
      %get3A_197 = vector.shape_cast %get3A_196 : vector<16xi32> to vector<16xi32>
      %add3A_198 = arith.addi %get3A_197, %broadcast_in_dim3A_19 : vector<16xi32>
      %swap3A_199 = arith.constant 64 : index
      %swap3A_200 = tpu.vector_load %arg9[%swap3A_199] {strides = array<i32>} : memref<128xi32, #tpu.memory_space<vmem>>, vector<16xi32>,
      %swap3A_201 = vector.shape_cast %swap3A_200 : vector<16xi32> to vector<16xi32>
      %swap3A_202 = vector.shape_cast %add3A_198 : vector<16xi32> to vector<16xi32>
      tpu.vector_store %arg9[%swap3A_199], %swap3A_202 {strides = array<i32>} : memref<128xi32, #tpu.memory_space<vmem>>, vector<16xi32>,
      %get3A_203 = arith.constant 80 : index
      %get3A_204 = tpu.vector_load %arg7[%get3A_203] {strides = array<i32>} : memref<128xi32, #tpu.memory_space<vmem>>, vector<16xi32>,
      %get3A_205 = vector.shape_cast %get3A_204 : vector<16xi32> to vector<16xi32>
      %add3A_206 = arith.addi %get3A_205, %broadcast_in_dim3A_19 : vector<16xi32>
      %swap3A_207 = arith.constant 80 : index
      %swap3A_208 = tpu.vector_load %arg9[%swap3A_207] {strides = array<i32>} : memref<128xi32, #tpu.memory_space<vmem>>, vector<16xi32>,
      %swap3A_209 = vector.shape_cast %swap3A_208 : vector<16xi32> to vector<16xi32>
      %swap3A_210 = vector.shape_cast %add3A_206 : vector<16xi32> to vector<16xi32>
      tpu.vector_store %arg9[%swap3A_207], %swap3A_210 {strides = array<i32>} : memref<128xi32, #tpu.memory_space<vmem>>, vector<16xi32>,
      %get3A_211 = arith.constant 96 : index
      %get3A_212 = tpu.vector_load %arg7[%get3A_211] {strides = array<i32>} : memref<128xi32, #tpu.memory_space<vmem>>, vector<16xi32>,
      %get3A_213 = vector.shape_cast %get3A_212 : vector<16xi32> to vector<16xi32>
      %add3A_214 = arith.addi %get3A_213, %broadcast_in_dim3A_19 : vector<16xi32>
      %swap3A_215 = arith.constant 96 : index
      %swap3A_216 = tpu.vector_load %arg9[%swap3A_215] {strides = array<i32>} : memref<128xi32, #tpu.memory_space<vmem>>, vector<16xi32>,
      %swap3A_217 = vector.shape_cast %swap3A_216 : vector<16xi32> to vector<16xi32>
      %swap3A_218 = vector.shape_cast %add3A_214 : vector<16xi32> to vector<16xi32>
      tpu.vector_store %arg9[%swap3A_215], %swap3A_218 {strides = array<i32>} : memref<128xi32, #tpu.memory_space<vmem>>, vector<16xi32>,
      %get3A_219 = arith.constant 112 : index
      %get3A_220 = tpu.vector_load %arg7[%get3A_219] {strides = array<i32>} : memref<128xi32, #tpu.memory_space<vmem>>, vector<16xi32>,
      %get3A_221 = vector.shape_cast %get3A_220 : vector<16xi32> to vector<16xi32>
      %add3A_222 = arith.addi %get3A_221, %broadcast_in_dim3A_19 : vector<16xi32>
      %swap3A_223 = arith.constant 112 : index
      %swap3A_224 = tpu.vector_load %arg9[%swap3A_223] {strides = array<i32>} : memref<128xi32, #tpu.memory_space<vmem>>, vector<16xi32>,
      %swap3A_225 = vector.shape_cast %swap3A_224 : vector<16xi32> to vector<16xi32>
      %swap3A_226 = vector.shape_cast %add3A_222 : vector<16xi32> to vector<16xi32>
      tpu.vector_store %arg9[%swap3A_223], %swap3A_226 {strides = array<i32>} : memref<128xi32, #tpu.memory_space<vmem>>, vector<16xi32>,
      %dma_start3A_227 = arith.constant 0 : i32
      %dma_start3A_228 = arith.constant 0 : i32
      %dma_start3A_229 = tpu.memref_slice %arg4[%dma_start3A_227, %dma_start3A_228] : memref<20000x128xf32, #tpu.memory_space<hbm>> -> memref<20000x128xf32, #tpu.memory_space<hbm>>
      tpu.enqueue_indirect_dma source(%dma_start3A_229 : memref<20000x128xf32, #tpu.memory_space<hbm>>) target(%arg17 : memref<128x128xf32, #tpu.memory_space<vmem>>) offsets(%arg9 : memref<128xi32, #tpu.memory_space<vmem>>) semaphore(%arg23 : memref<!tpu.dma_semaphore, #tpu.memory_space<semaphore_mem>>)
      "tpu.region"() ({
        %run_scoped3A = tpu.sem_alloc : memref<!tpu.dma_semaphore, #tpu.memory_space<semaphore_mem>>
        %dma_start3A_331 = arith.constant 0 : i32
        %dma_start3A_332 = arith.constant 0 : i32
        %dma_start3A_333 = tpu.memref_slice %arg19[%dma_start3A_331, %dma_start3A_332] : memref<10240x128xf32, #tpu.memory_space<vmem_shared>> -> memref<10240x128xf32, #tpu.memory_space<vmem_shared>>
        tpu.enqueue_indirect_dma source(%arg16 : memref<128x128xf32, #tpu.memory_space<vmem>>) target(%dma_start3A_333 : memref<10240x128xf32, #tpu.memory_space<vmem_shared>>) offsets(%arg10 : memref<128xi32, #tpu.memory_space<vmem>>) semaphore(%run_scoped3A : memref<!tpu.dma_semaphore, #tpu.memory_space<semaphore_mem>>) {add = true}
        %dma_wait3A_334 = arith.constant 0 : i32
        %dma_wait3A_335 = arith.constant 0 : i32
        %dma_wait3A_336 = tpu.memref_slice %arg19[%dma_wait3A_334, %dma_wait3A_335] : memref<10240x128xf32, #tpu.memory_space<vmem_shared>> -> memref<10240x128xf32, #tpu.memory_space<vmem_shared>>
        tpu.wait_indirect_dma semaphore(%run_scoped3A : memref<!tpu.dma_semaphore, #tpu.memory_space<semaphore_mem>>) src(%arg16 : memref<128x128xf32, #tpu.memory_space<vmem>>) dst(%dma_wait3A_336 : memref<10240x128xf32, #tpu.memory_space<vmem_shared>>)
        tpu.yield
      }) : () -> ()
      %add3A_230 = arith.constant 2 : i32
      %add3A_231 = arith.addi %add3A_151, %add3A_230 : i32
      %min3A_232 = arith.constant 155 : i32
      %min3A_233 = arith.minsi %add3A_231, %min3A_232 : i32
      %mul3A_234 = arith.constant 128 : i32
      %mul3A_235 = arith.muli %min3A_233, %mul3A_234 : i32
      %add3A_236 = arith.addi %add3A, %mul3A_235 : i32
      %dma_start3A_237 = tpu.memref_slice %arg2[%add3A_236] : memref<320000xi32, #tpu.memory_space<hbm>> -> memref<128xi32, #tpu.memory_space<hbm>>
      %dma_start3A_238 = tpu.memref_slice %arg2[%add3A_236] : memref<320000xi32, #tpu.memory_space<hbm>> -> memref<128xi32, #tpu.memory_space<hbm>>
      tpu.enqueue_dma source(%dma_start3A_238 : memref<128xi32, #tpu.memory_space<hbm>>) target(%arg6 : memref<128xi32, #tpu.memory_space<vmem>>) target_semaphore(%arg20 : memref<!tpu.dma_semaphore, #tpu.memory_space<semaphore_mem>>)
      %dma_start3A_239 = tpu.memref_slice %arg3[%add3A_236] : memref<320000xi32, #tpu.memory_space<hbm>> -> memref<128xi32, #tpu.memory_space<hbm>>
      %dma_start3A_240 = tpu.memref_slice %arg3[%add3A_236] : memref<320000xi32, #tpu.memory_space<hbm>> -> memref<128xi32, #tpu.memory_space<hbm>>
      tpu.enqueue_dma source(%dma_start3A_240 : memref<128xi32, #tpu.memory_space<hbm>>) target(%arg10 : memref<128xi32, #tpu.memory_space<vmem>>) target_semaphore(%arg20 : memref<!tpu.dma_semaphore, #tpu.memory_space<semaphore_mem>>)
      %dma_wait3A_241 = arith.constant 0 : i32
      %dma_wait3A_242 = arith.constant 0 : i32
      %dma_wait3A_243 = tpu.memref_slice %arg4[%dma_wait3A_241, %dma_wait3A_242] : memref<20000x128xf32, #tpu.memory_space<hbm>> -> memref<20000x128xf32, #tpu.memory_space<hbm>>
      tpu.wait_indirect_dma semaphore(%arg23 : memref<!tpu.dma_semaphore, #tpu.memory_space<semaphore_mem>>) src(%dma_wait3A_243 : memref<20000x128xf32, #tpu.memory_space<hbm>>) dst(%arg17 : memref<128x128xf32, #tpu.memory_space<vmem>>)
      %dma_wait3A_244 = arith.constant 0 : i32
      %dma_wait3A_245 = tpu.memref_slice %arg2[%dma_wait3A_244] : memref<320000xi32, #tpu.memory_space<hbm>> -> memref<128xi32, #tpu.memory_space<hbm>>
      %dma_wait3A_246 = arith.constant 0 : i32
      %dma_wait3A_247 = tpu.memref_slice %arg2[%dma_wait3A_246] : memref<320000xi32, #tpu.memory_space<hbm>> -> memref<128xi32, #tpu.memory_space<hbm>>
      tpu.wait_dma2 semaphore(%arg20 : memref<!tpu.dma_semaphore, #tpu.memory_space<semaphore_mem>>) src(%dma_wait3A_247 : memref<128xi32, #tpu.memory_space<hbm>>) dst(%arg6 : memref<128xi32, #tpu.memory_space<vmem>>)
      %dma_wait3A_248 = arith.constant 0 : i32
      %dma_wait3A_249 = tpu.memref_slice %arg3[%dma_wait3A_248] : memref<320000xi32, #tpu.memory_space<hbm>> -> memref<128xi32, #tpu.memory_space<hbm>>
      %dma_wait3A_250 = arith.constant 0 : i32
      %dma_wait3A_251 = tpu.memref_slice %arg3[%dma_wait3A_250] : memref<320000xi32, #tpu.memory_space<hbm>> -> memref<128xi32, #tpu.memory_space<hbm>>
      tpu.wait_dma2 semaphore(%arg20 : memref<!tpu.dma_semaphore, #tpu.memory_space<semaphore_mem>>) src(%dma_wait3A_251 : memref<128xi32, #tpu.memory_space<hbm>>) dst(%arg10 : memref<128xi32, #tpu.memory_space<vmem>>)
      %get3A_252 = arith.constant 0 : index
      %get3A_253 = tpu.vector_load %arg6[%get3A_252] {strides = array<i32>} : memref<128xi32, #tpu.memory_space<vmem>>, vector<16xi32>,
      %get3A_254 = vector.shape_cast %get3A_253 : vector<16xi32> to vector<16xi32>
      %add3A_255 = arith.addi %get3A_254, %broadcast_in_dim3A_19 : vector<16xi32>
      %swap3A_256 = arith.constant 0 : index
      %swap3A_257 = tpu.vector_load %arg8[%swap3A_256] {strides = array<i32>} : memref<128xi32, #tpu.memory_space<vmem>>, vector<16xi32>,
      %swap3A_258 = vector.shape_cast %swap3A_257 : vector<16xi32> to vector<16xi32>
      %swap3A_259 = vector.shape_cast %add3A_255 : vector<16xi32> to vector<16xi32>
      tpu.vector_store %arg8[%swap3A_256], %swap3A_259 {strides = array<i32>} : memref<128xi32, #tpu.memory_space<vmem>>, vector<16xi32>,
      %get3A_260 = arith.constant 16 : index
      %get3A_261 = tpu.vector_load %arg6[%get3A_260] {strides = array<i32>} : memref<128xi32, #tpu.memory_space<vmem>>, vector<16xi32>,
      %get3A_262 = vector.shape_cast %get3A_261 : vector<16xi32> to vector<16xi32>
      %add3A_263 = arith.addi %get3A_262, %broadcast_in_dim3A_19 : vector<16xi32>
      %swap3A_264 = arith.constant 16 : index
      %swap3A_265 = tpu.vector_load %arg8[%swap3A_264] {strides = array<i32>} : memref<128xi32, #tpu.memory_space<vmem>>, vector<16xi32>,
      %swap3A_266 = vector.shape_cast %swap3A_265 : vector<16xi32> to vector<16xi32>
      %swap3A_267 = vector.shape_cast %add3A_263 : vector<16xi32> to vector<16xi32>
      tpu.vector_store %arg8[%swap3A_264], %swap3A_267 {strides = array<i32>} : memref<128xi32, #tpu.memory_space<vmem>>, vector<16xi32>,
      %get3A_268 = arith.constant 32 : index
      %get3A_269 = tpu.vector_load %arg6[%get3A_268] {strides = array<i32>} : memref<128xi32, #tpu.memory_space<vmem>>, vector<16xi32>,
      %get3A_270 = vector.shape_cast %get3A_269 : vector<16xi32> to vector<16xi32>
      %add3A_271 = arith.addi %get3A_270, %broadcast_in_dim3A_19 : vector<16xi32>
      %swap3A_272 = arith.constant 32 : index
      %swap3A_273 = tpu.vector_load %arg8[%swap3A_272] {strides = array<i32>} : memref<128xi32, #tpu.memory_space<vmem>>, vector<16xi32>,
      %swap3A_274 = vector.shape_cast %swap3A_273 : vector<16xi32> to vector<16xi32>
      %swap3A_275 = vector.shape_cast %add3A_271 : vector<16xi32> to vector<16xi32>
      tpu.vector_store %arg8[%swap3A_272], %swap3A_275 {strides = array<i32>} : memref<128xi32, #tpu.memory_space<vmem>>, vector<16xi32>,
      %get3A_276 = arith.constant 48 : index
      %get3A_277 = tpu.vector_load %arg6[%get3A_276] {strides = array<i32>} : memref<128xi32, #tpu.memory_space<vmem>>, vector<16xi32>,
      %get3A_278 = vector.shape_cast %get3A_277 : vector<16xi32> to vector<16xi32>
      %add3A_279 = arith.addi %get3A_278, %broadcast_in_dim3A_19 : vector<16xi32>
      %swap3A_280 = arith.constant 48 : index
      %swap3A_281 = tpu.vector_load %arg8[%swap3A_280] {strides = array<i32>} : memref<128xi32, #tpu.memory_space<vmem>>, vector<16xi32>,
      %swap3A_282 = vector.shape_cast %swap3A_281 : vector<16xi32> to vector<16xi32>
      %swap3A_283 = vector.shape_cast %add3A_279 : vector<16xi32> to vector<16xi32>
      tpu.vector_store %arg8[%swap3A_280], %swap3A_283 {strides = array<i32>} : memref<128xi32, #tpu.memory_space<vmem>>, vector<16xi32>,
      %get3A_284 = arith.constant 64 : index
      %get3A_285 = tpu.vector_load %arg6[%get3A_284] {strides = array<i32>} : memref<128xi32, #tpu.memory_space<vmem>>, vector<16xi32>,
      %get3A_286 = vector.shape_cast %get3A_285 : vector<16xi32> to vector<16xi32>
      %add3A_287 = arith.addi %get3A_286, %broadcast_in_dim3A_19 : vector<16xi32>
      %swap3A_288 = arith.constant 64 : index
      %swap3A_289 = tpu.vector_load %arg8[%swap3A_288] {strides = array<i32>} : memref<128xi32, #tpu.memory_space<vmem>>, vector<16xi32>,
      %swap3A_290 = vector.shape_cast %swap3A_289 : vector<16xi32> to vector<16xi32>
      %swap3A_291 = vector.shape_cast %add3A_287 : vector<16xi32> to vector<16xi32>
      tpu.vector_store %arg8[%swap3A_288], %swap3A_291 {strides = array<i32>} : memref<128xi32, #tpu.memory_space<vmem>>, vector<16xi32>,
      %get3A_292 = arith.constant 80 : index
      %get3A_293 = tpu.vector_load %arg6[%get3A_292] {strides = array<i32>} : memref<128xi32, #tpu.memory_space<vmem>>, vector<16xi32>,
      %get3A_294 = vector.shape_cast %get3A_293 : vector<16xi32> to vector<16xi32>
      %add3A_295 = arith.addi %get3A_294, %broadcast_in_dim3A_19 : vector<16xi32>
      %swap3A_296 = arith.constant 80 : index
      %swap3A_297 = tpu.vector_load %arg8[%swap3A_296] {strides = array<i32>} : memref<128xi32, #tpu.memory_space<vmem>>, vector<16xi32>,
      %swap3A_298 = vector.shape_cast %swap3A_297 : vector<16xi32> to vector<16xi32>
      %swap3A_299 = vector.shape_cast %add3A_295 : vector<16xi32> to vector<16xi32>
      tpu.vector_store %arg8[%swap3A_296], %swap3A_299 {strides = array<i32>} : memref<128xi32, #tpu.memory_space<vmem>>, vector<16xi32>,
      %get3A_300 = arith.constant 96 : index
      %get3A_301 = tpu.vector_load %arg6[%get3A_300] {strides = array<i32>} : memref<128xi32, #tpu.memory_space<vmem>>, vector<16xi32>,
      %get3A_302 = vector.shape_cast %get3A_301 : vector<16xi32> to vector<16xi32>
      %add3A_303 = arith.addi %get3A_302, %broadcast_in_dim3A_19 : vector<16xi32>
      %swap3A_304 = arith.constant 96 : index
      %swap3A_305 = tpu.vector_load %arg8[%swap3A_304] {strides = array<i32>} : memref<128xi32, #tpu.memory_space<vmem>>, vector<16xi32>,
      %swap3A_306 = vector.shape_cast %swap3A_305 : vector<16xi32> to vector<16xi32>
      %swap3A_307 = vector.shape_cast %add3A_303 : vector<16xi32> to vector<16xi32>
      tpu.vector_store %arg8[%swap3A_304], %swap3A_307 {strides = array<i32>} : memref<128xi32, #tpu.memory_space<vmem>>, vector<16xi32>,
      %get3A_308 = arith.constant 112 : index
      %get3A_309 = tpu.vector_load %arg6[%get3A_308] {strides = array<i32>} : memref<128xi32, #tpu.memory_space<vmem>>, vector<16xi32>,
      %get3A_310 = vector.shape_cast %get3A_309 : vector<16xi32> to vector<16xi32>
      %add3A_311 = arith.addi %get3A_310, %broadcast_in_dim3A_19 : vector<16xi32>
      %swap3A_312 = arith.constant 112 : index
      %swap3A_313 = tpu.vector_load %arg8[%swap3A_312] {strides = array<i32>} : memref<128xi32, #tpu.memory_space<vmem>>, vector<16xi32>,
      %swap3A_314 = vector.shape_cast %swap3A_313 : vector<16xi32> to vector<16xi32>
      %swap3A_315 = vector.shape_cast %add3A_311 : vector<16xi32> to vector<16xi32>
      tpu.vector_store %arg8[%swap3A_312], %swap3A_315 {strides = array<i32>} : memref<128xi32, #tpu.memory_space<vmem>>, vector<16xi32>,
      %dma_start3A_316 = arith.constant 0 : i32
      %dma_start3A_317 = arith.constant 0 : i32
      %dma_start3A_318 = tpu.memref_slice %arg4[%dma_start3A_316, %dma_start3A_317] : memref<20000x128xf32, #tpu.memory_space<hbm>> -> memref<20000x128xf32, #tpu.memory_space<hbm>>
      tpu.enqueue_indirect_dma source(%dma_start3A_318 : memref<20000x128xf32, #tpu.memory_space<hbm>>) target(%arg16 : memref<128x128xf32, #tpu.memory_space<vmem>>) offsets(%arg8 : memref<128xi32, #tpu.memory_space<vmem>>) semaphore(%arg22 : memref<!tpu.dma_semaphore, #tpu.memory_space<semaphore_mem>>)
      "tpu.region"() ({
        %run_scoped3A = tpu.sem_alloc : memref<!tpu.dma_semaphore, #tpu.memory_space<semaphore_mem>>
        %dma_start3A_331 = arith.constant 0 : i32
        %dma_start3A_332 = arith.constant 0 : i32
        %dma_start3A_333 = tpu.memref_slice %arg19[%dma_start3A_331, %dma_start3A_332] : memref<10240x128xf32, #tpu.memory_space<vmem_shared>> -> memref<10240x128xf32, #tpu.memory_space<vmem_shared>>
        tpu.enqueue_indirect_dma source(%arg17 : memref<128x128xf32, #tpu.memory_space<vmem>>) target(%dma_start3A_333 : memref<10240x128xf32, #tpu.memory_space<vmem_shared>>) offsets(%arg11 : memref<128xi32, #tpu.memory_space<vmem>>) semaphore(%run_scoped3A : memref<!tpu.dma_semaphore, #tpu.memory_space<semaphore_mem>>) {add = true}
        %dma_wait3A_334 = arith.constant 0 : i32
        %dma_wait3A_335 = arith.constant 0 : i32
        %dma_wait3A_336 = tpu.memref_slice %arg19[%dma_wait3A_334, %dma_wait3A_335] : memref<10240x128xf32, #tpu.memory_space<vmem_shared>> -> memref<10240x128xf32, #tpu.memory_space<vmem_shared>>
        tpu.wait_indirect_dma semaphore(%run_scoped3A : memref<!tpu.dma_semaphore, #tpu.memory_space<semaphore_mem>>) src(%arg17 : memref<128x128xf32, #tpu.memory_space<vmem>>) dst(%dma_wait3A_336 : memref<10240x128xf32, #tpu.memory_space<vmem_shared>>)
        tpu.yield
      }) : () -> ()
      %add3A_319 = arith.constant 3 : i32
      %add3A_320 = arith.addi %add3A_151, %add3A_319 : i32
      %min3A_321 = arith.constant 155 : i32
      %min3A_322 = arith.minsi %add3A_320, %min3A_321 : i32
      %mul3A_323 = arith.constant 128 : i32
      %mul3A_324 = arith.muli %min3A_322, %mul3A_323 : i32
      %add3A_325 = arith.addi %add3A, %mul3A_324 : i32
      %dma_start3A_326 = tpu.memref_slice %arg2[%add3A_325] : memref<320000xi32, #tpu.memory_space<hbm>> -> memref<128xi32, #tpu.memory_space<hbm>>
      %dma_start3A_327 = tpu.memref_slice %arg2[%add3A_325] : memref<320000xi32, #tpu.memory_space<hbm>> -> memref<128xi32, #tpu.memory_space<hbm>>
      tpu.enqueue_dma source(%dma_start3A_327 : memref<128xi32, #tpu.memory_space<hbm>>) target(%arg7 : memref<128xi32, #tpu.memory_space<vmem>>) target_semaphore(%arg21 : memref<!tpu.dma_semaphore, #tpu.memory_space<semaphore_mem>>)
      %dma_start3A_328 = tpu.memref_slice %arg3[%add3A_325] : memref<320000xi32, #tpu.memory_space<hbm>> -> memref<128xi32, #tpu.memory_space<hbm>>
      %dma_start3A_329 = tpu.memref_slice %arg3[%add3A_325] : memref<320000xi32, #tpu.memory_space<hbm>> -> memref<128xi32, #tpu.memory_space<hbm>>
      tpu.enqueue_dma source(%dma_start3A_329 : memref<128xi32, #tpu.memory_space<hbm>>) target(%arg11 : memref<128xi32, #tpu.memory_space<vmem>>) target_semaphore(%arg21 : memref<!tpu.dma_semaphore, #tpu.memory_space<semaphore_mem>>)
      %scan3A_330 = arith.constant 0 : i32
      scf.yield %scan3A_330 : i32
    }
    %scan3A_126 = arith.constant 78 : i32
    %dma_wait3A_127 = arith.constant 0 : i32
    %dma_wait3A_128 = tpu.memref_slice %arg2[%dma_wait3A_127] : memref<320000xi32, #tpu.memory_space<hbm>> -> memref<128xi32, #tpu.memory_space<hbm>>
    %dma_wait3A_129 = arith.constant 0 : i32
    %dma_wait3A_130 = tpu.memref_slice %arg2[%dma_wait3A_129] : memref<320000xi32, #tpu.memory_space<hbm>> -> memref<128xi32, #tpu.memory_space<hbm>>
    tpu.wait_dma2 semaphore(%arg21 : memref<!tpu.dma_semaphore, #tpu.memory_space<semaphore_mem>>) src(%dma_wait3A_130 : memref<128xi32, #tpu.memory_space<hbm>>) dst(%arg7 : memref<128xi32, #tpu.memory_space<vmem>>)
    %dma_wait3A_131 = arith.constant 0 : i32
    %dma_wait3A_132 = tpu.memref_slice %arg3[%dma_wait3A_131] : memref<320000xi32, #tpu.memory_space<hbm>> -> memref<128xi32, #tpu.memory_space<hbm>>
    %dma_wait3A_133 = arith.constant 0 : i32
    %dma_wait3A_134 = tpu.memref_slice %arg3[%dma_wait3A_133] : memref<320000xi32, #tpu.memory_space<hbm>> -> memref<128xi32, #tpu.memory_space<hbm>>
    tpu.wait_dma2 semaphore(%arg21 : memref<!tpu.dma_semaphore, #tpu.memory_space<semaphore_mem>>) src(%dma_wait3A_134 : memref<128xi32, #tpu.memory_space<hbm>>) dst(%arg11 : memref<128xi32, #tpu.memory_space<vmem>>)
    %dma_wait3A_135 = arith.constant 0 : i32
    %dma_wait3A_136 = arith.constant 0 : i32
    %dma_wait3A_137 = tpu.memref_slice %arg4[%dma_wait3A_135, %dma_wait3A_136] : memref<20000x128xf32, #tpu.memory_space<hbm>> -> memref<20000x128xf32, #tpu.memory_space<hbm>>
    tpu.wait_indirect_dma semaphore(%arg22 : memref<!tpu.dma_semaphore, #tpu.memory_space<semaphore_mem>>) src(%dma_wait3A_137 : memref<20000x128xf32, #tpu.memory_space<hbm>>) dst(%arg16 : memref<128x128xf32, #tpu.memory_space<vmem>>)
    %barrier3A_138 = arith.constant 0 : index
    tpu.barrier barrier_id(%barrier3A_138)
    %mul3A_139 = arith.constant 640 : i32
    %mul3A_140 = arith.muli %arg1, %mul3A_139 : i32
    %mul3A_141 = arith.constant 10240 : i32
    %mul3A_142 = arith.muli %arg0, %mul3A_141 : i32
    %mul3A_143 = arith.constant 640 : i32
    %mul3A_144 = arith.muli %arg1, %mul3A_143 : i32
    %add3A_145 = arith.addi %mul3A_142, %mul3A_144 : i32
    "tpu.region"() ({
      %run_scoped3A = tpu.sem_alloc : memref<!tpu.dma_semaphore, #tpu.memory_space<semaphore_mem>>
      %dma_start3A_146 = arith.constant 0 : i32
      %dma_start3A_147 = tpu.memref_slice %arg5[%add3A_145, %dma_start3A_146] : memref<20480x128xf32, #tpu.memory_space<hbm>> -> memref<640x128xf32, #tpu.memory_space<hbm>>
      %dma_start3A_148 = arith.constant 0 : i32
      %dma_start3A_149 = tpu.memref_slice %arg19[%mul3A_140, %dma_start3A_148] : memref<10240x128xf32, #tpu.memory_space<vmem_shared>> -> memref<640x128xf32, #tpu.memory_space<vmem_shared>>
      tpu.enqueue_dma source(%dma_start3A_149 : memref<640x128xf32, #tpu.memory_space<vmem_shared>>) target(%dma_start3A_147 : memref<640x128xf32, #tpu.memory_space<hbm>>) target_semaphore(%run_scoped3A : memref<!tpu.dma_semaphore, #tpu.memory_space<semaphore_mem>>)
      %dma_wait3A_150 = arith.constant 0 : i32
      %dma_wait3A_151 = tpu.memref_slice %arg5[%add3A_145, %dma_wait3A_150] : memref<20480x128xf32, #tpu.memory_space<hbm>> -> memref<640x128xf32, #tpu.memory_space<hbm>>
      %dma_wait3A_152 = arith.constant 0 : i32
      %dma_wait3A_153 = tpu.memref_slice %arg19[%mul3A_140, %dma_wait3A_152] : memref<10240x128xf32, #tpu.memory_space<vmem_shared>> -> memref<640x128xf32, #tpu.memory_space<vmem_shared>>
      tpu.wait_dma2 semaphore(%run_scoped3A : memref<!tpu.dma_semaphore, #tpu.memory_space<semaphore_mem>>) src(%dma_wait3A_153 : memref<640x128xf32, #tpu.memory_space<vmem_shared>>) dst(%dma_wait3A_151 : memref<640x128xf32, #tpu.memory_space<hbm>>)
      tpu.yield
    }) : () -> ()
    return
  }
}

#map = affine_map<(d0, d1) -> (0)>
module attributes {stable_mosaic.version = 14 : i64} {
  func.func @_deg_sc(%arg0: i32, %arg1: i32, %arg2: memref<320000xi32, #tpu.memory_space<hbm>>, %arg3: memref<20480xf32, #tpu.memory_space<hbm>>, %arg4: memref<80xi32, #tpu.memory_space<vmem>>, %arg5: memref<80xi32, #tpu.memory_space<vmem>>, %arg6: memref<80xf32, #tpu.memory_space<vmem>>, %arg7: memref<640xf32, #tpu.memory_space<vmem>>, %arg8: memref<10240xf32, #tpu.memory_space<vmem_shared>>, %arg9: memref<!tpu.dma_semaphore, #tpu.memory_space<semaphore_mem>>, %arg10: memref<!tpu.dma_semaphore, #tpu.memory_space<semaphore_mem>>) attributes {dimension_semantics = [#tpu.dimension_semantics<core_parallel>, #tpu.dimension_semantics<subcore_parallel>], iteration_bounds = array<i64: 2, 16>, scalar_prefetch = 0 : i64, scratch_operands = 7 : i64, tpu.core_type = #tpu.core_type<sc_vector_subcore>, window_params = [{transform_indices = #map}, {transform_indices = #map}]} {
    %broadcast_in_dim3A = arith.constant 1.000000e+00 : f32
    %broadcast_in_dim3A_0 = vector.broadcast %broadcast_in_dim3A : f32 to vector<16xf32>
    %broadcast_in_dim3A_1 = arith.constant 0.000000e+00 : f32
    %broadcast_in_dim3A_2 = vector.broadcast %broadcast_in_dim3A_1 : f32 to vector<16xf32>
    %swap3A = arith.constant 0 : index
    %swap3A_3 = tpu.vector_load %arg6[%swap3A] {strides = array<i32>} : memref<80xf32, #tpu.memory_space<vmem>>, vector<16xf32>,
    %swap3A_4 = vector.shape_cast %swap3A_3 : vector<16xf32> to vector<16xf32>
    %swap3A_5 = vector.shape_cast %broadcast_in_dim3A_0 : vector<16xf32> to vector<16xf32>
    tpu.vector_store %arg6[%swap3A], %swap3A_5 {strides = array<i32>} : memref<80xf32, #tpu.memory_space<vmem>>, vector<16xf32>,
    %swap3A_6 = arith.constant 16 : index
    %swap3A_7 = tpu.vector_load %arg6[%swap3A_6] {strides = array<i32>} : memref<80xf32, #tpu.memory_space<vmem>>, vector<16xf32>,
    %swap3A_8 = vector.shape_cast %swap3A_7 : vector<16xf32> to vector<16xf32>
    %swap3A_9 = vector.shape_cast %broadcast_in_dim3A_0 : vector<16xf32> to vector<16xf32>
    tpu.vector_store %arg6[%swap3A_6], %swap3A_9 {strides = array<i32>} : memref<80xf32, #tpu.memory_space<vmem>>, vector<16xf32>,
    %swap3A_10 = arith.constant 32 : index
    %swap3A_11 = tpu.vector_load %arg6[%swap3A_10] {strides = array<i32>} : memref<80xf32, #tpu.memory_space<vmem>>, vector<16xf32>,
    %swap3A_12 = vector.shape_cast %swap3A_11 : vector<16xf32> to vector<16xf32>
    %swap3A_13 = vector.shape_cast %broadcast_in_dim3A_0 : vector<16xf32> to vector<16xf32>
    tpu.vector_store %arg6[%swap3A_10], %swap3A_13 {strides = array<i32>} : memref<80xf32, #tpu.memory_space<vmem>>, vector<16xf32>,
    %swap3A_14 = arith.constant 48 : index
    %swap3A_15 = tpu.vector_load %arg6[%swap3A_14] {strides = array<i32>} : memref<80xf32, #tpu.memory_space<vmem>>, vector<16xf32>,
    %swap3A_16 = vector.shape_cast %swap3A_15 : vector<16xf32> to vector<16xf32>
    %swap3A_17 = vector.shape_cast %broadcast_in_dim3A_0 : vector<16xf32> to vector<16xf32>
    tpu.vector_store %arg6[%swap3A_14], %swap3A_17 {strides = array<i32>} : memref<80xf32, #tpu.memory_space<vmem>>, vector<16xf32>,
    %swap3A_18 = arith.constant 64 : index
    %swap3A_19 = tpu.vector_load %arg6[%swap3A_18] {strides = array<i32>} : memref<80xf32, #tpu.memory_space<vmem>>, vector<16xf32>,
    %swap3A_20 = vector.shape_cast %swap3A_19 : vector<16xf32> to vector<16xf32>
    %swap3A_21 = vector.shape_cast %broadcast_in_dim3A_0 : vector<16xf32> to vector<16xf32>
    tpu.vector_store %arg6[%swap3A_18], %swap3A_21 {strides = array<i32>} : memref<80xf32, #tpu.memory_space<vmem>>, vector<16xf32>,
    %scan3A = arith.constant 0 : i32
    %scan3A_22 = arith.constant 0 : i32
    %scan3A_23 = arith.constant 40 : i32
    %scan3A_24 = arith.addi %scan3A_22, %scan3A_23 : i32
    %scan3A_25 = arith.constant 1 : i32
    %scan3A_26 = scf.for %scan3A_69 = %scan3A_22 to %scan3A_24 step %scan3A_25 iter_args(%scan3A_70 = %scan3A) -> (i32)  : i32 {
      %mul3A_71 = arith.constant 16 : i32
      %mul3A_72 = arith.muli %scan3A_69, %mul3A_71 : i32
      %swap3A_73 = arith.index_cast %mul3A_72 : i32 to index
      %swap3A_74 = tpu.vector_load %arg7[%swap3A_73] {strides = array<i32>} : memref<640xf32, #tpu.memory_space<vmem>>, vector<16xf32>,
      %swap3A_75 = vector.shape_cast %swap3A_74 : vector<16xf32> to vector<16xf32>
      %swap3A_76 = vector.shape_cast %broadcast_in_dim3A_2 : vector<16xf32> to vector<16xf32>
      tpu.vector_store %arg7[%swap3A_73], %swap3A_76 {strides = array<i32>} : memref<640xf32, #tpu.memory_space<vmem>>, vector<16xf32>,
      %scan3A_77 = arith.constant 0 : i32
      scf.yield %scan3A_77 : i32
    }
    %scan3A_27 = arith.constant 40 : i32
    %mul3A = arith.constant 640 : i32
    %mul3A_28 = arith.muli %arg1, %mul3A : i32
    "tpu.region"() ({
      %run_scoped3A = tpu.sem_alloc : memref<!tpu.dma_semaphore, #tpu.memory_space<semaphore_mem>>
      %dma_start3A_69 = tpu.memref_slice %arg8[%mul3A_28] : memref<10240xf32, #tpu.memory_space<vmem_shared>> -> memref<640xf32, #tpu.memory_space<vmem_shared>>
      %dma_start3A_70 = tpu.memref_slice %arg8[%mul3A_28] : memref<10240xf32, #tpu.memory_space<vmem_shared>> -> memref<640xf32, #tpu.memory_space<vmem_shared>>
      tpu.enqueue_dma source(%arg7 : memref<640xf32, #tpu.memory_space<vmem>>) target(%dma_start3A_70 : memref<640xf32, #tpu.memory_space<vmem_shared>>) target_semaphore(%run_scoped3A : memref<!tpu.dma_semaphore, #tpu.memory_space<semaphore_mem>>)
      %dma_wait3A_71 = tpu.memref_slice %arg8[%mul3A_28] : memref<10240xf32, #tpu.memory_space<vmem_shared>> -> memref<640xf32, #tpu.memory_space<vmem_shared>>
      %dma_wait3A_72 = tpu.memref_slice %arg8[%mul3A_28] : memref<10240xf32, #tpu.memory_space<vmem_shared>> -> memref<640xf32, #tpu.memory_space<vmem_shared>>
      tpu.wait_dma2 semaphore(%run_scoped3A : memref<!tpu.dma_semaphore, #tpu.memory_space<semaphore_mem>>) src(%arg7 : memref<640xf32, #tpu.memory_space<vmem>>) dst(%dma_wait3A_72 : memref<640xf32, #tpu.memory_space<vmem_shared>>)
      tpu.yield
    }) : () -> ()
    %barrier3A = arith.constant 0 : index
    tpu.barrier barrier_id(%barrier3A)
    %mul3A_29 = arith.constant 160000 : i32
    %mul3A_30 = arith.muli %arg0, %mul3A_29 : i32
    %mul3A_31 = arith.constant 10000 : i32
    %mul3A_32 = arith.muli %arg1, %mul3A_31 : i32
    %add3A = arith.addi %mul3A_30, %mul3A_32 : i32
    "tpu.region"() ({
      %run_scoped3A = tpu.sem_alloc : memref<!tpu.dma_semaphore, #tpu.memory_space<semaphore_mem>>
      %dma_start3A_69 = tpu.memref_slice %arg2[%add3A] : memref<320000xi32, #tpu.memory_space<hbm>> -> memref<80xi32, #tpu.memory_space<hbm>>
      %dma_start3A_70 = tpu.memref_slice %arg2[%add3A] : memref<320000xi32, #tpu.memory_space<hbm>> -> memref<80xi32, #tpu.memory_space<hbm>>
      tpu.enqueue_dma source(%dma_start3A_70 : memref<80xi32, #tpu.memory_space<hbm>>) target(%arg4 : memref<80xi32, #tpu.memory_space<vmem>>) target_semaphore(%run_scoped3A : memref<!tpu.dma_semaphore, #tpu.memory_space<semaphore_mem>>)
      %dma_wait3A_71 = tpu.memref_slice %arg2[%add3A] : memref<320000xi32, #tpu.memory_space<hbm>> -> memref<80xi32, #tpu.memory_space<hbm>>
      %dma_wait3A_72 = tpu.memref_slice %arg2[%add3A] : memref<320000xi32, #tpu.memory_space<hbm>> -> memref<80xi32, #tpu.memory_space<hbm>>
      tpu.wait_dma2 semaphore(%run_scoped3A : memref<!tpu.dma_semaphore, #tpu.memory_space<semaphore_mem>>) src(%dma_wait3A_72 : memref<80xi32, #tpu.memory_space<hbm>>) dst(%arg4 : memref<80xi32, #tpu.memory_space<vmem>>)
      tpu.yield
    }) : () -> ()
    "tpu.region"() ({
      %run_scoped3A = tpu.sem_alloc : memref<!tpu.dma_semaphore, #tpu.memory_space<semaphore_mem>>
      %dma_start3A_69 = arith.constant 0 : i32
      %dma_start3A_70 = tpu.memref_slice %arg8[%dma_start3A_69] : memref<10240xf32, #tpu.memory_space<vmem_shared>> -> memref<10240xf32, #tpu.memory_space<vmem_shared>>
      tpu.enqueue_indirect_dma source(%arg6 : memref<80xf32, #tpu.memory_space<vmem>>) target(%dma_start3A_70 : memref<10240xf32, #tpu.memory_space<vmem_shared>>) offsets(%arg4 : memref<80xi32, #tpu.memory_space<vmem>>) semaphore(%run_scoped3A : memref<!tpu.dma_semaphore, #tpu.memory_space<semaphore_mem>>) {add = true}
      %dma_wait3A_71 = arith.constant 0 : i32
      %dma_wait3A_72 = tpu.memref_slice %arg8[%dma_wait3A_71] : memref<10240xf32, #tpu.memory_space<vmem_shared>> -> memref<10240xf32, #tpu.memory_space<vmem_shared>>
      tpu.wait_indirect_dma semaphore(%run_scoped3A : memref<!tpu.dma_semaphore, #tpu.memory_space<semaphore_mem>>) src(%arg6 : memref<80xf32, #tpu.memory_space<vmem>>) dst(%dma_wait3A_72 : memref<10240xf32, #tpu.memory_space<vmem_shared>>)
      tpu.yield
    }) : () -> ()
    %min3A = arith.constant 1 : i32
    %min3A_33 = arith.constant 124 : i32
    %min3A_34 = arith.minsi %min3A, %min3A_33 : i32
    %mul3A_35 = arith.constant 80 : i32
    %mul3A_36 = arith.muli %min3A_34, %mul3A_35 : i32
    %add3A_37 = arith.addi %add3A, %mul3A_36 : i32
    %dma_start3A = tpu.memref_slice %arg2[%add3A_37] : memref<320000xi32, #tpu.memory_space<hbm>> -> memref<80xi32, #tpu.memory_space<hbm>>
    %dma_start3A_38 = tpu.memref_slice %arg2[%add3A_37] : memref<320000xi32, #tpu.memory_space<hbm>> -> memref<80xi32, #tpu.memory_space<hbm>>
    tpu.enqueue_dma source(%dma_start3A_38 : memref<80xi32, #tpu.memory_space<hbm>>) target(%arg4 : memref<80xi32, #tpu.memory_space<vmem>>) target_semaphore(%arg9 : memref<!tpu.dma_semaphore, #tpu.memory_space<semaphore_mem>>)
    %min3A_39 = arith.constant 2 : i32
    %min3A_40 = arith.constant 124 : i32
    %min3A_41 = arith.minsi %min3A_39, %min3A_40 : i32
    %mul3A_42 = arith.constant 80 : i32
    %mul3A_43 = arith.muli %min3A_41, %mul3A_42 : i32
    %add3A_44 = arith.addi %add3A, %mul3A_43 : i32
    %dma_start3A_45 = tpu.memref_slice %arg2[%add3A_44] : memref<320000xi32, #tpu.memory_space<hbm>> -> memref<80xi32, #tpu.memory_space<hbm>>
    %dma_start3A_46 = tpu.memref_slice %arg2[%add3A_44] : memref<320000xi32, #tpu.memory_space<hbm>> -> memref<80xi32, #tpu.memory_space<hbm>>
    tpu.enqueue_dma source(%dma_start3A_46 : memref<80xi32, #tpu.memory_space<hbm>>) target(%arg5 : memref<80xi32, #tpu.memory_space<vmem>>) target_semaphore(%arg10 : memref<!tpu.dma_semaphore, #tpu.memory_space<semaphore_mem>>)
    %scan3A_47 = arith.constant 0 : i32
    %scan3A_48 = arith.constant 0 : i32
    %scan3A_49 = arith.constant 62 : i32
    %scan3A_50 = arith.addi %scan3A_48, %scan3A_49 : i32
    %scan3A_51 = arith.constant 1 : i32
    %scan3A_52 = scf.for %scan3A_69 = %scan3A_48 to %scan3A_50 step %scan3A_51 iter_args(%scan3A_70 = %scan3A_47) -> (i32)  : i32 {
      %mul3A_71 = arith.constant 2 : i32
      %mul3A_72 = arith.muli %mul3A_71, %scan3A_69 : i32
      %add3A_73 = arith.constant 1 : i32
      %add3A_74 = arith.addi %add3A_73, %mul3A_72 : i32
      %dma_wait3A_75 = arith.constant 0 : i32
      %dma_wait3A_76 = tpu.memref_slice %arg2[%dma_wait3A_75] : memref<320000xi32, #tpu.memory_space<hbm>> -> memref<80xi32, #tpu.memory_space<hbm>>
      %dma_wait3A_77 = arith.constant 0 : i32
      %dma_wait3A_78 = tpu.memref_slice %arg2[%dma_wait3A_77] : memref<320000xi32, #tpu.memory_space<hbm>> -> memref<80xi32, #tpu.memory_space<hbm>>
      tpu.wait_dma2 semaphore(%arg9 : memref<!tpu.dma_semaphore, #tpu.memory_space<semaphore_mem>>) src(%dma_wait3A_78 : memref<80xi32, #tpu.memory_space<hbm>>) dst(%arg4 : memref<80xi32, #tpu.memory_space<vmem>>)
      "tpu.region"() ({
        %run_scoped3A = tpu.sem_alloc : memref<!tpu.dma_semaphore, #tpu.memory_space<semaphore_mem>>
        %dma_start3A_102 = arith.constant 0 : i32
        %dma_start3A_103 = tpu.memref_slice %arg8[%dma_start3A_102] : memref<10240xf32, #tpu.memory_space<vmem_shared>> -> memref<10240xf32, #tpu.memory_space<vmem_shared>>
        tpu.enqueue_indirect_dma source(%arg6 : memref<80xf32, #tpu.memory_space<vmem>>) target(%dma_start3A_103 : memref<10240xf32, #tpu.memory_space<vmem_shared>>) offsets(%arg4 : memref<80xi32, #tpu.memory_space<vmem>>) semaphore(%run_scoped3A : memref<!tpu.dma_semaphore, #tpu.memory_space<semaphore_mem>>) {add = true}
        %dma_wait3A_104 = arith.constant 0 : i32
        %dma_wait3A_105 = tpu.memref_slice %arg8[%dma_wait3A_104] : memref<10240xf32, #tpu.memory_space<vmem_shared>> -> memref<10240xf32, #tpu.memory_space<vmem_shared>>
        tpu.wait_indirect_dma semaphore(%run_scoped3A : memref<!tpu.dma_semaphore, #tpu.memory_space<semaphore_mem>>) src(%arg6 : memref<80xf32, #tpu.memory_space<vmem>>) dst(%dma_wait3A_105 : memref<10240xf32, #tpu.memory_space<vmem_shared>>)
        tpu.yield
      }) : () -> ()
      %add3A_79 = arith.constant 2 : i32
      %add3A_80 = arith.addi %add3A_74, %add3A_79 : i32
      %min3A_81 = arith.constant 124 : i32
      %min3A_82 = arith.minsi %add3A_80, %min3A_81 : i32
      %mul3A_83 = arith.constant 80 : i32
      %mul3A_84 = arith.muli %min3A_82, %mul3A_83 : i32
      %add3A_85 = arith.addi %add3A, %mul3A_84 : i32
      %dma_start3A_86 = tpu.memref_slice %arg2[%add3A_85] : memref<320000xi32, #tpu.memory_space<hbm>> -> memref<80xi32, #tpu.memory_space<hbm>>
      %dma_start3A_87 = tpu.memref_slice %arg2[%add3A_85] : memref<320000xi32, #tpu.memory_space<hbm>> -> memref<80xi32, #tpu.memory_space<hbm>>
      tpu.enqueue_dma source(%dma_start3A_87 : memref<80xi32, #tpu.memory_space<hbm>>) target(%arg4 : memref<80xi32, #tpu.memory_space<vmem>>) target_semaphore(%arg9 : memref<!tpu.dma_semaphore, #tpu.memory_space<semaphore_mem>>)
      %dma_wait3A_88 = arith.constant 0 : i32
      %dma_wait3A_89 = tpu.memref_slice %arg2[%dma_wait3A_88] : memref<320000xi32, #tpu.memory_space<hbm>> -> memref<80xi32, #tpu.memory_space<hbm>>
      %dma_wait3A_90 = arith.constant 0 : i32
      %dma_wait3A_91 = tpu.memref_slice %arg2[%dma_wait3A_90] : memref<320000xi32, #tpu.memory_space<hbm>> -> memref<80xi32, #tpu.memory_space<hbm>>
      tpu.wait_dma2 semaphore(%arg10 : memref<!tpu.dma_semaphore, #tpu.memory_space<semaphore_mem>>) src(%dma_wait3A_91 : memref<80xi32, #tpu.memory_space<hbm>>) dst(%arg5 : memref<80xi32, #tpu.memory_space<vmem>>)
      "tpu.region"() ({
        %run_scoped3A = tpu.sem_alloc : memref<!tpu.dma_semaphore, #tpu.memory_space<semaphore_mem>>
        %dma_start3A_102 = arith.constant 0 : i32
        %dma_start3A_103 = tpu.memref_slice %arg8[%dma_start3A_102] : memref<10240xf32, #tpu.memory_space<vmem_shared>> -> memref<10240xf32, #tpu.memory_space<vmem_shared>>
        tpu.enqueue_indirect_dma source(%arg6 : memref<80xf32, #tpu.memory_space<vmem>>) target(%dma_start3A_103 : memref<10240xf32, #tpu.memory_space<vmem_shared>>) offsets(%arg5 : memref<80xi32, #tpu.memory_space<vmem>>) semaphore(%run_scoped3A : memref<!tpu.dma_semaphore, #tpu.memory_space<semaphore_mem>>) {add = true}
        %dma_wait3A_104 = arith.constant 0 : i32
        %dma_wait3A_105 = tpu.memref_slice %arg8[%dma_wait3A_104] : memref<10240xf32, #tpu.memory_space<vmem_shared>> -> memref<10240xf32, #tpu.memory_space<vmem_shared>>
        tpu.wait_indirect_dma semaphore(%run_scoped3A : memref<!tpu.dma_semaphore, #tpu.memory_space<semaphore_mem>>) src(%arg6 : memref<80xf32, #tpu.memory_space<vmem>>) dst(%dma_wait3A_105 : memref<10240xf32, #tpu.memory_space<vmem_shared>>)
        tpu.yield
      }) : () -> ()
      %add3A_92 = arith.constant 3 : i32
      %add3A_93 = arith.addi %add3A_74, %add3A_92 : i32
      %min3A_94 = arith.constant 124 : i32
      %min3A_95 = arith.minsi %add3A_93, %min3A_94 : i32
      %mul3A_96 = arith.constant 80 : i32
      %mul3A_97 = arith.muli %min3A_95, %mul3A_96 : i32
      %add3A_98 = arith.addi %add3A, %mul3A_97 : i32
      %dma_start3A_99 = tpu.memref_slice %arg2[%add3A_98] : memref<320000xi32, #tpu.memory_space<hbm>> -> memref<80xi32, #tpu.memory_space<hbm>>
      %dma_start3A_100 = tpu.memref_slice %arg2[%add3A_98] : memref<320000xi32, #tpu.memory_space<hbm>> -> memref<80xi32, #tpu.memory_space<hbm>>
      tpu.enqueue_dma source(%dma_start3A_100 : memref<80xi32, #tpu.memory_space<hbm>>) target(%arg5 : memref<80xi32, #tpu.memory_space<vmem>>) target_semaphore(%arg10 : memref<!tpu.dma_semaphore, #tpu.memory_space<semaphore_mem>>)
      %scan3A_101 = arith.constant 0 : i32
      scf.yield %scan3A_101 : i32
    }
    %scan3A_53 = arith.constant 62 : i32
    %dma_wait3A = arith.constant 0 : i32
    %dma_wait3A_54 = tpu.memref_slice %arg2[%dma_wait3A] : memref<320000xi32, #tpu.memory_space<hbm>> -> memref<80xi32, #tpu.memory_space<hbm>>
    %dma_wait3A_55 = arith.constant 0 : i32
    %dma_wait3A_56 = tpu.memref_slice %arg2[%dma_wait3A_55] : memref<320000xi32, #tpu.memory_space<hbm>> -> memref<80xi32, #tpu.memory_space<hbm>>
    tpu.wait_dma2 semaphore(%arg9 : memref<!tpu.dma_semaphore, #tpu.memory_space<semaphore_mem>>) src(%dma_wait3A_56 : memref<80xi32, #tpu.memory_space<hbm>>) dst(%arg4 : memref<80xi32, #tpu.memory_space<vmem>>)
    %dma_wait3A_57 = arith.constant 0 : i32
    %dma_wait3A_58 = tpu.memref_slice %arg2[%dma_wait3A_57] : memref<320000xi32, #tpu.memory_space<hbm>> -> memref<80xi32, #tpu.memory_space<hbm>>
    %dma_wait3A_59 = arith.constant 0 : i32
    %dma_wait3A_60 = tpu.memref_slice %arg2[%dma_wait3A_59] : memref<320000xi32, #tpu.memory_space<hbm>> -> memref<80xi32, #tpu.memory_space<hbm>>
    tpu.wait_dma2 semaphore(%arg10 : memref<!tpu.dma_semaphore, #tpu.memory_space<semaphore_mem>>) src(%dma_wait3A_60 : memref<80xi32, #tpu.memory_space<hbm>>) dst(%arg5 : memref<80xi32, #tpu.memory_space<vmem>>)
    %barrier3A_61 = arith.constant 0 : index
    tpu.barrier barrier_id(%barrier3A_61)
    %mul3A_62 = arith.constant 640 : i32
    %mul3A_63 = arith.muli %arg1, %mul3A_62 : i32
    %mul3A_64 = arith.constant 10240 : i32
    %mul3A_65 = arith.muli %arg0, %mul3A_64 : i32
    %mul3A_66 = arith.constant 640 : i32
    %mul3A_67 = arith.muli %arg1, %mul3A_66 : i32
    %add3A_68 = arith.addi %mul3A_65, %mul3A_67 : i32
    "tpu.region"() ({
      %run_scoped3A = tpu.sem_alloc : memref<!tpu.dma_semaphore, #tpu.memory_space<semaphore_mem>>
      %dma_start3A_69 = tpu.memref_slice %arg3[%add3A_68] : memref<20480xf32, #tpu.memory_space<hbm>> -> memref<640xf32, #tpu.memory_space<hbm>>
      %dma_start3A_70 = tpu.memref_slice %arg8[%mul3A_63] : memref<10240xf32, #tpu.memory_space<vmem_shared>> -> memref<640xf32, #tpu.memory_space<vmem_shared>>
      tpu.enqueue_dma source(%dma_start3A_70 : memref<640xf32, #tpu.memory_space<vmem_shared>>) target(%dma_start3A_69 : memref<640xf32, #tpu.memory_space<hbm>>) target_semaphore(%run_scoped3A : memref<!tpu.dma_semaphore, #tpu.memory_space<semaphore_mem>>)
      %dma_wait3A_71 = tpu.memref_slice %arg3[%add3A_68] : memref<20480xf32, #tpu.memory_space<hbm>> -> memref<640xf32, #tpu.memory_space<hbm>>
      %dma_wait3A_72 = tpu.memref_slice %arg8[%mul3A_63] : memref<10240xf32, #tpu.memory_space<vmem_shared>> -> memref<640xf32, #tpu.memory_space<vmem_shared>>
      tpu.wait_dma2 semaphore(%run_scoped3A : memref<!tpu.dma_semaphore, #tpu.memory_space<semaphore_mem>>) src(%dma_wait3A_72 : memref<640xf32, #tpu.memory_space<vmem_shared>>) dst(%dma_wait3A_71 : memref<640xf32, #tpu.memory_space<hbm>>)
      tpu.yield
    }) : () -> ()
    return
  }
}

module attributes {stable_mosaic.version = 14 : i64} {
  func.func @_tc0_body(%arg0: i32, %arg1: memref<1000x128xf32, #tpu.memory_space<vmem>>, %arg2: memref<128x256xf32, #tpu.memory_space<vmem>>, %arg3: memref<1000x256xf32, #tpu.memory_space<vmem>>) attributes {dimension_semantics = [#tpu.dimension_semantics<arbitrary>], iteration_bounds = array<i64: 10>, scalar_prefetch = 0 : i64, scratch_operands = 0 : i64, tpu.core_type = #tpu.core_type<tc>, window_params = [{transform_indices = @transform_0, window_bounds = array<i64: 1000, 128>}, {pipeline_mode = #tpu.pipeline_mode<synchronous>, transform_indices = @transform_1, window_bounds = array<i64: 128, 256>}, {transform_indices = @transform_2, window_bounds = array<i64: 1000, 256>}]} {
    %get3A = arith.constant 0 : index
    %get3A_0 = arith.constant 0 : index
    %get3A_1 = vector.load %arg1[%get3A, %get3A_0] : memref<1000x128xf32, #tpu.memory_space<vmem>>, vector<1000x128xf32>
    %get3A_2 = arith.constant 0 : index
    %get3A_3 = arith.constant 0 : index
    %get3A_4 = vector.load %arg2[%get3A_2, %get3A_3] : memref<128x256xf32, #tpu.memory_space<vmem>>, vector<128x256xf32>
    %dot_general3A = arith.constant dense<0.000000e+00> : vector<1000x256xf32>
    %dot_general3A_5 = tpu.matmul %get3A_1, %get3A_4, %dot_general3A {dimension_numbers = #tpu.dot_dimension_numbers<[1], [0], [0], [1], [0, 0, 1, 1], [], []>, transpose_lhs_hint = false} : vector<1000x128xf32>, vector<128x256xf32>, vector<1000x256xf32> -> vector<1000x256xf32>
    %swap3A = arith.constant 0 : index
    %swap3A_6 = arith.constant 0 : index
    %swap3A_7 = vector.load %arg3[%swap3A, %swap3A_6] : memref<1000x256xf32, #tpu.memory_space<vmem>>, vector<1000x256xf32>
    tpu.vector_store %arg3[%swap3A, %swap3A_6], %dot_general3A_5 {strides = array<i32>} : memref<1000x256xf32, #tpu.memory_space<vmem>>, vector<1000x256xf32>,
    return
  }
  func.func @transform_0(%arg0: i32) -> (i32, i32) {
    %c0_i32 = arith.constant 0 : i32
    %c0_i32_0 = arith.constant 0 : i32
    return %arg0, %c0_i32 : i32, i32
  }
  func.func @transform_1(%arg0: i32) -> (i32, i32) {
    %c0_i32 = arith.constant 0 : i32
    %c0_i32_0 = arith.constant 0 : i32
    %c0_i32_1 = arith.constant 0 : i32
    return %c0_i32, %c0_i32_0 : i32, i32
  }
  func.func @transform_2(%arg0: i32) -> (i32, i32) {
    %c0_i32 = arith.constant 0 : i32
    %c0_i32_0 = arith.constant 0 : i32
    return %arg0, %c0_i32 : i32, i32
  }
}

module attributes {stable_mosaic.version = 14 : i64} {
  func.func @_tc1_body(%arg0: i32, %arg1: memref<1000x256xf32, #tpu.memory_space<vmem>>, %arg2: memref<1000x2xf32, #tpu.memory_space<vmem>>, %arg3: memref<2x1000x128xf32, #tpu.memory_space<vmem>>) attributes {dimension_semantics = [#tpu.dimension_semantics<arbitrary>], iteration_bounds = array<i64: 10>, scalar_prefetch = 0 : i64, scratch_operands = 0 : i64, tpu.core_type = #tpu.core_type<tc>, window_params = [{transform_indices = @transform_0, window_bounds = array<i64: 1000, 256>}, {transform_indices = @transform_1, window_bounds = array<i64: 1000, 2>}, {transform_indices = @transform_2, window_bounds = array<i64: 2, 1000, 128>}]} {
    %get3A = arith.constant 0 : index
    %get3A_0 = arith.constant 0 : index
    %get3A_1 = vector.load %arg2[%get3A, %get3A_0] : memref<1000x2xf32, #tpu.memory_space<vmem>>, vector<1000x1xf32>
    %get3A_2 = vector.shape_cast %get3A_1 : vector<1000x1xf32> to vector<1000xf32>
    %get3A_3 = arith.constant 0 : index
    %get3A_4 = arith.constant 1 : index
    %get3A_5 = vector.load %arg2[%get3A_3, %get3A_4] : memref<1000x2xf32, #tpu.memory_space<vmem>>, vector<1000x1xf32>
    %get3A_6 = vector.shape_cast %get3A_5 : vector<1000x1xf32> to vector<1000xf32>
    %add3A = arith.addf %get3A_2, %get3A_6 : vector<1000xf32>
    %gt3A = arith.constant 0.000000e+00 : f32
    %gt3A_7 = vector.broadcast %gt3A : f32 to vector<1000xf32>
    %gt3A_8 = arith.cmpf ogt, %add3A, %gt3A_7 : vector<1000xf32>
    %max3A = arith.constant 9.99999996E-13 : f32
    %max3A_9 = vector.broadcast %max3A : f32 to vector<1000xf32>
    %max3A_10 = arith.maximumf %add3A, %max3A_9 : vector<1000xf32>
    %rsqrt3A = math.rsqrt %max3A_10 : vector<1000xf32>
    %jit3A = arith.constant 0.000000e+00 : f32
    %broadcast_in_dim3A = vector.broadcast %jit3A : f32 to vector<1000xf32>
    %select_n3A = arith.select %gt3A_8, %rsqrt3A, %broadcast_in_dim3A : vector<1000xi1>, vector<1000xf32>
    %get3A_11 = arith.constant 0 : index
    %get3A_12 = arith.constant 0 : index
    %get3A_13 = vector.load %arg1[%get3A_11, %get3A_12] : memref<1000x256xf32, #tpu.memory_space<vmem>>, vector<1000x256xf32>
    %broadcast_in_dim3A_14 = vector.shape_cast %select_n3A : vector<1000xf32> to vector<1000x1xf32>
    %mul3A = vector.broadcast %broadcast_in_dim3A_14 : vector<1000x1xf32> to vector<1000x256xf32>
    %mul3A_15 = arith.mulf %get3A_13, %mul3A : vector<1000x256xf32>
    %slice3A = vector.extract_strided_slice %mul3A_15 {offsets = [0, 0], sizes = [1000, 128], strides = [1, 1]} : vector<1000x256xf32> to vector<1000x128xf32>
    %swap3A = arith.constant 0 : index
    %swap3A_16 = arith.constant 0 : index
    %swap3A_17 = arith.constant 0 : index
    %swap3A_18 = vector.load %arg3[%swap3A, %swap3A_16, %swap3A_17] : memref<2x1000x128xf32, #tpu.memory_space<vmem>>, vector<1x1000x128xf32>
    %swap3A_19 = vector.shape_cast %swap3A_18 : vector<1x1000x128xf32> to vector<1000x128xf32>
    %swap3A_20 = vector.shape_cast %slice3A : vector<1000x128xf32> to vector<1x1000x128xf32>
    tpu.vector_store %arg3[%swap3A, %swap3A_16, %swap3A_17], %swap3A_20 {strides = array<i32>} : memref<2x1000x128xf32, #tpu.memory_space<vmem>>, vector<1x1000x128xf32>,
    %slice3A_21 = vector.extract_strided_slice %mul3A_15 {offsets = [0, 128], sizes = [1000, 128], strides = [1, 1]} : vector<1000x256xf32> to vector<1000x128xf32>
    %swap3A_22 = arith.constant 1 : index
    %swap3A_23 = arith.constant 0 : index
    %swap3A_24 = arith.constant 0 : index
    %swap3A_25 = vector.load %arg3[%swap3A_22, %swap3A_23, %swap3A_24] : memref<2x1000x128xf32, #tpu.memory_space<vmem>>, vector<1x1000x128xf32>
    %swap3A_26 = vector.shape_cast %swap3A_25 : vector<1x1000x128xf32> to vector<1000x128xf32>
    %swap3A_27 = vector.shape_cast %slice3A_21 : vector<1000x128xf32> to vector<1x1000x128xf32>
    tpu.vector_store %arg3[%swap3A_22, %swap3A_23, %swap3A_24], %swap3A_27 {strides = array<i32>} : memref<2x1000x128xf32, #tpu.memory_space<vmem>>, vector<1x1000x128xf32>,
    return
  }
  func.func @transform_0(%arg0: i32) -> (i32, i32) {
    %c0_i32 = arith.constant 0 : i32
    %c0_i32_0 = arith.constant 0 : i32
    return %arg0, %c0_i32 : i32, i32
  }
  func.func @transform_1(%arg0: i32) -> (i32, i32) {
    %c0_i32 = arith.constant 0 : i32
    %c0_i32_0 = arith.constant 0 : i32
    return %arg0, %c0_i32 : i32, i32
  }
  func.func @transform_2(%arg0: i32) -> (i32, i32, i32) {
    %c0_i32 = arith.constant 0 : i32
    %c0_i32_0 = arith.constant 0 : i32
    %c0_i32_1 = arith.constant 0 : i32
    return %c0_i32, %arg0, %c0_i32_0 : i32, i32, i32
  }
}

module attributes {stable_mosaic.version = 14 : i64} {
  func.func @_tc2_body(%arg0: i32, %arg1: memref<2x1000x128xf32, #tpu.memory_space<vmem>>, %arg2: memref<1000x2xf32, #tpu.memory_space<vmem>>, %arg3: memref<1x256xf32, #tpu.memory_space<vmem>>, %arg4: memref<256x128xf32, #tpu.memory_space<vmem>>, %arg5: memref<1000x128xf32, #tpu.memory_space<vmem>>) attributes {dimension_semantics = [#tpu.dimension_semantics<arbitrary>], iteration_bounds = array<i64: 10>, scalar_prefetch = 0 : i64, scratch_operands = 0 : i64, tpu.core_type = #tpu.core_type<tc>, window_params = [{transform_indices = @transform_0, window_bounds = array<i64: 2, 1000, 128>}, {transform_indices = @transform_1, window_bounds = array<i64: 1000, 2>}, {pipeline_mode = #tpu.pipeline_mode<synchronous>, transform_indices = @transform_2, window_bounds = array<i64: 1, 256>}, {pipeline_mode = #tpu.pipeline_mode<synchronous>, transform_indices = @transform_3, window_bounds = array<i64: 256, 128>}, {transform_indices = @transform_4, window_bounds = array<i64: 1000, 128>}]} {
    %get3A = arith.constant 0 : index
    %get3A_0 = arith.constant 0 : index
    %get3A_1 = vector.load %arg2[%get3A, %get3A_0] : memref<1000x2xf32, #tpu.memory_space<vmem>>, vector<1000x1xf32>
    %get3A_2 = vector.shape_cast %get3A_1 : vector<1000x1xf32> to vector<1000xf32>
    %get3A_3 = arith.constant 0 : index
    %get3A_4 = arith.constant 1 : index
    %get3A_5 = vector.load %arg2[%get3A_3, %get3A_4] : memref<1000x2xf32, #tpu.memory_space<vmem>>, vector<1000x1xf32>
    %get3A_6 = vector.shape_cast %get3A_5 : vector<1000x1xf32> to vector<1000xf32>
    %add3A = arith.addf %get3A_2, %get3A_6 : vector<1000xf32>
    %gt3A = arith.constant 0.000000e+00 : f32
    %gt3A_7 = vector.broadcast %gt3A : f32 to vector<1000xf32>
    %gt3A_8 = arith.cmpf ogt, %add3A, %gt3A_7 : vector<1000xf32>
    %max3A = arith.constant 9.99999996E-13 : f32
    %max3A_9 = vector.broadcast %max3A : f32 to vector<1000xf32>
    %max3A_10 = arith.maximumf %add3A, %max3A_9 : vector<1000xf32>
    %rsqrt3A = math.rsqrt %max3A_10 : vector<1000xf32>
    %jit3A = arith.constant 0.000000e+00 : f32
    %broadcast_in_dim3A = vector.broadcast %jit3A : f32 to vector<1000xf32>
    %select_n3A = arith.select %gt3A_8, %rsqrt3A, %broadcast_in_dim3A : vector<1000xi1>, vector<1000xf32>
    %get3A_11 = arith.constant 0 : index
    %get3A_12 = arith.constant 0 : index
    %get3A_13 = arith.constant 0 : index
    %get3A_14 = vector.load %arg1[%get3A_11, %get3A_12, %get3A_13] : memref<2x1000x128xf32, #tpu.memory_space<vmem>>, vector<2x1000x128xf32>
    %slice3A = vector.extract_strided_slice %get3A_14 {offsets = [0, 0, 0], sizes = [1, 1000, 128], strides = [1, 1, 1]} : vector<2x1000x128xf32> to vector<1x1000x128xf32>
    %squeeze3A = vector.shape_cast %slice3A : vector<1x1000x128xf32> to vector<1000x128xf32>
    %slice3A_15 = vector.extract_strided_slice %get3A_14 {offsets = [1, 0, 0], sizes = [1, 1000, 128], strides = [1, 1, 1]} : vector<2x1000x128xf32> to vector<1x1000x128xf32>
    %squeeze3A_16 = vector.shape_cast %slice3A_15 : vector<1x1000x128xf32> to vector<1000x128xf32>
    %concatenate3A = tpu.concatenate %squeeze3A, %squeeze3A_16 in 1 : vector<1000x128xf32>, vector<1000x128xf32> -> vector<1000x256xf32>
    %broadcast_in_dim3A_17 = vector.shape_cast %select_n3A : vector<1000xf32> to vector<1000x1xf32>
    %mul3A = vector.broadcast %broadcast_in_dim3A_17 : vector<1000x1xf32> to vector<1000x256xf32>
    %mul3A_18 = arith.mulf %concatenate3A, %mul3A : vector<1000x256xf32>
    %get3A_19 = arith.constant 0 : index
    %get3A_20 = arith.constant 0 : index
    %get3A_21 = vector.load %arg3[%get3A_19, %get3A_20] : memref<1x256xf32, #tpu.memory_space<vmem>>, vector<1x256xf32>
    %add3A_22 = vector.broadcast %get3A_21 : vector<1x256xf32> to vector<1000x256xf32>
    %add3A_23 = arith.addf %mul3A_18, %add3A_22 : vector<1000x256xf32>
    %max3A_24 = arith.constant 0.000000e+00 : f32
    %max3A_25 = vector.broadcast %max3A_24 : f32 to vector<1000x256xf32>
    %max3A_26 = arith.maximumf %add3A_23, %max3A_25 : vector<1000x256xf32>
    %get3A_27 = arith.constant 0 : index
    %get3A_28 = arith.constant 0 : index
    %get3A_29 = vector.load %arg4[%get3A_27, %get3A_28] : memref<256x128xf32, #tpu.memory_space<vmem>>, vector<256x128xf32>
    %dot_general3A = arith.constant dense<0.000000e+00> : vector<1000x128xf32>
    %dot_general3A_30 = tpu.matmul %max3A_26, %get3A_29, %dot_general3A {dimension_numbers = #tpu.dot_dimension_numbers<[1], [0], [0], [1], [0, 0, 1, 1], [], []>, transpose_lhs_hint = false} : vector<1000x256xf32>, vector<256x128xf32>, vector<1000x128xf32> -> vector<1000x128xf32>
    %broadcast_in_dim3A_31 = vector.shape_cast %select_n3A : vector<1000xf32> to vector<1000x1xf32>
    %mul3A_32 = vector.broadcast %broadcast_in_dim3A_31 : vector<1000x1xf32> to vector<1000x128xf32>
    %mul3A_33 = arith.mulf %dot_general3A_30, %mul3A_32 : vector<1000x128xf32>
    %swap3A = arith.constant 0 : index
    %swap3A_34 = arith.constant 0 : index
    %swap3A_35 = vector.load %arg5[%swap3A, %swap3A_34] : memref<1000x128xf32, #tpu.memory_space<vmem>>, vector<1000x128xf32>
    tpu.vector_store %arg5[%swap3A, %swap3A_34], %mul3A_33 {strides = array<i32>} : memref<1000x128xf32, #tpu.memory_space<vmem>>, vector<1000x128xf32>,
    return
  }
  func.func @transform_0(%arg0: i32) -> (i32, i32, i32) {
    %c0_i32 = arith.constant 0 : i32
    %c0_i32_0 = arith.constant 0 : i32
    %c0_i32_1 = arith.constant 0 : i32
    return %c0_i32, %arg0, %c0_i32_0 : i32, i32, i32
  }
  func.func @transform_1(%arg0: i32) -> (i32, i32) {
    %c0_i32 = arith.constant 0 : i32
    %c0_i32_0 = arith.constant 0 : i32
    return %arg0, %c0_i32 : i32, i32
  }
  func.func @transform_2(%arg0: i32) -> (i32, i32) {
    %c0_i32 = arith.constant 0 : i32
    %c0_i32_0 = arith.constant 0 : i32
    %c0_i32_1 = arith.constant 0 : i32
    return %c0_i32, %c0_i32_0 : i32, i32
  }
  func.func @transform_3(%arg0: i32) -> (i32, i32) {
    %c0_i32 = arith.constant 0 : i32
    %c0_i32_0 = arith.constant 0 : i32
    %c0_i32_1 = arith.constant 0 : i32
    return %c0_i32, %c0_i32_0 : i32, i32
  }
  func.func @transform_4(%arg0: i32) -> (i32, i32) {
    %c0_i32 = arith.constant 0 : i32
    %c0_i32_0 = arith.constant 0 : i32
    return %arg0, %c0_i32 : i32, i32
  }
}

module attributes {stable_mosaic.version = 14 : i64} {
  func.func @_tc3_body(%arg0: i32, %arg1: memref<2x1000x128xf32, #tpu.memory_space<vmem>>, %arg2: memref<1000x2xf32, #tpu.memory_space<vmem>>, %arg3: memref<1x128xf32, #tpu.memory_space<vmem>>, %arg4: memref<1000x128xf32, #tpu.memory_space<vmem>>) attributes {dimension_semantics = [#tpu.dimension_semantics<arbitrary>], iteration_bounds = array<i64: 10>, scalar_prefetch = 0 : i64, scratch_operands = 0 : i64, tpu.core_type = #tpu.core_type<tc>, window_params = [{transform_indices = @transform_0, window_bounds = array<i64: 2, 1000, 128>}, {transform_indices = @transform_1, window_bounds = array<i64: 1000, 2>}, {pipeline_mode = #tpu.pipeline_mode<synchronous>, transform_indices = @transform_2, window_bounds = array<i64: 1, 128>}, {transform_indices = @transform_3, window_bounds = array<i64: 1000, 128>}]} {
    %get3A = arith.constant 0 : index
    %get3A_0 = arith.constant 0 : index
    %get3A_1 = vector.load %arg2[%get3A, %get3A_0] : memref<1000x2xf32, #tpu.memory_space<vmem>>, vector<1000x1xf32>
    %get3A_2 = vector.shape_cast %get3A_1 : vector<1000x1xf32> to vector<1000xf32>
    %get3A_3 = arith.constant 0 : index
    %get3A_4 = arith.constant 1 : index
    %get3A_5 = vector.load %arg2[%get3A_3, %get3A_4] : memref<1000x2xf32, #tpu.memory_space<vmem>>, vector<1000x1xf32>
    %get3A_6 = vector.shape_cast %get3A_5 : vector<1000x1xf32> to vector<1000xf32>
    %add3A = arith.addf %get3A_2, %get3A_6 : vector<1000xf32>
    %gt3A = arith.constant 0.000000e+00 : f32
    %gt3A_7 = vector.broadcast %gt3A : f32 to vector<1000xf32>
    %gt3A_8 = arith.cmpf ogt, %add3A, %gt3A_7 : vector<1000xf32>
    %max3A = arith.constant 9.99999996E-13 : f32
    %max3A_9 = vector.broadcast %max3A : f32 to vector<1000xf32>
    %max3A_10 = arith.maximumf %add3A, %max3A_9 : vector<1000xf32>
    %rsqrt3A = math.rsqrt %max3A_10 : vector<1000xf32>
    %jit3A = arith.constant 0.000000e+00 : f32
    %broadcast_in_dim3A = vector.broadcast %jit3A : f32 to vector<1000xf32>
    %select_n3A = arith.select %gt3A_8, %rsqrt3A, %broadcast_in_dim3A : vector<1000xi1>, vector<1000xf32>
    %get3A_11 = arith.constant 0 : index
    %get3A_12 = arith.constant 0 : index
    %get3A_13 = arith.constant 0 : index
    %get3A_14 = vector.load %arg1[%get3A_11, %get3A_12, %get3A_13] : memref<2x1000x128xf32, #tpu.memory_space<vmem>>, vector<2x1000x128xf32>
    %slice3A = vector.extract_strided_slice %get3A_14 {offsets = [0, 0, 0], sizes = [1, 1000, 128], strides = [1, 1, 1]} : vector<2x1000x128xf32> to vector<1x1000x128xf32>
    %squeeze3A = vector.shape_cast %slice3A : vector<1x1000x128xf32> to vector<1000x128xf32>
    %slice3A_15 = vector.extract_strided_slice %get3A_14 {offsets = [1, 0, 0], sizes = [1, 1000, 128], strides = [1, 1, 1]} : vector<2x1000x128xf32> to vector<1x1000x128xf32>
    %squeeze3A_16 = vector.shape_cast %slice3A_15 : vector<1x1000x128xf32> to vector<1000x128xf32>
    %add3A_17 = arith.addf %squeeze3A, %squeeze3A_16 : vector<1000x128xf32>
    %broadcast_in_dim3A_18 = vector.shape_cast %select_n3A : vector<1000xf32> to vector<1000x1xf32>
    %mul3A = vector.broadcast %broadcast_in_dim3A_18 : vector<1000x1xf32> to vector<1000x128xf32>
    %mul3A_19 = arith.mulf %add3A_17, %mul3A : vector<1000x128xf32>
    %get3A_20 = arith.constant 0 : index
    %get3A_21 = arith.constant 0 : index
    %get3A_22 = vector.load %arg3[%get3A_20, %get3A_21] : memref<1x128xf32, #tpu.memory_space<vmem>>, vector<1x128xf32>
    %add3A_23 = vector.broadcast %get3A_22 : vector<1x128xf32> to vector<1000x128xf32>
    %add3A_24 = arith.addf %mul3A_19, %add3A_23 : vector<1000x128xf32>
    %swap3A = arith.constant 0 : index
    %swap3A_25 = arith.constant 0 : index
    %swap3A_26 = vector.load %arg4[%swap3A, %swap3A_25] : memref<1000x128xf32, #tpu.memory_space<vmem>>, vector<1000x128xf32>
    tpu.vector_store %arg4[%swap3A, %swap3A_25], %add3A_24 {strides = array<i32>} : memref<1000x128xf32, #tpu.memory_space<vmem>>, vector<1000x128xf32>,
    return
  }
  func.func @transform_0(%arg0: i32) -> (i32, i32, i32) {
    %c0_i32 = arith.constant 0 : i32
    %c0_i32_0 = arith.constant 0 : i32
    %c0_i32_1 = arith.constant 0 : i32
    return %c0_i32, %arg0, %c0_i32_0 : i32, i32, i32
  }
  func.func @transform_1(%arg0: i32) -> (i32, i32) {
    %c0_i32 = arith.constant 0 : i32
    %c0_i32_0 = arith.constant 0 : i32
    return %arg0, %c0_i32 : i32, i32
  }
  func.func @transform_2(%arg0: i32) -> (i32, i32) {
    %c0_i32 = arith.constant 0 : i32
    %c0_i32_0 = arith.constant 0 : i32
    %c0_i32_1 = arith.constant 0 : i32
    return %c0_i32, %c0_i32_0 : i32, i32
  }
  func.func @transform_3(%arg0: i32) -> (i32, i32) {
    %c0_i32 = arith.constant 0 : i32
    %c0_i32_0 = arith.constant 0 : i32
    return %arg0, %c0_i32 : i32, i32
  }
}

</mosaic_0001>

<sc_bundles>
// kernel: kernel.12.cloned.1.call-start
scs
__scs_entry_jumppad:
0x0: {  	(pc) =	sbr.rel $0x88, $3  }
0x1: {  	(tag) =	ssettag $0x0;
	lr =	simm.s32 $0x1  }
0x2: {  	[smem:$0x3F9B] =	sst lr;
	_ =	strace $0xD0000000  }
0x3: {  	_ = 	snop  }
0x4: {  	_ = 	snop  }
0x5: {  	_ = 	snop  }
0x6: {  	_ = 	snop  }
0x7: {  	_ = 	snop  }
__scs_overlays_trampoline_lowered:
0x8: {  	[smem:$0x3FAA] =	sst s0  }
0x9: {  	[smem:$0x3FAB] =	sst s1  }
0xa: {  	[smem:$0x3FAC] =	sst s2  }
0xb: {  	[smem:$0x3FAD] =	sst s3  }
0xc: {  	[smem:$0x3FAE] =	sst s4  }
0xd: {  	[smem:$0x3FAF] =	sst s5  }
0xe: {  	[smem:$0x3FB0] =	sst s6  }
0xf: {  	[smem:$0x3FB1] =	sst s7  }
0x10: {  	[smem:$0x3FB2] =	sst s8  }
0x11: {  	[smem:$0x3FB3] =	sst s9;
	s0 =	simm.s32 @!p0 $0x0  }
0x12: {  	s1 =	sld [smem:$0x3F99];
	s0 =	simm.s32 @p0 $0x1  }
0x13: {  	[smem:$0x3FB4] =	sst s0;
	s0 =	simm.s32 @!p1 $0x0  }
0x14: {  	s2 =	sld [smem:$0x3F98];
	s0 =	simm.s32 @p1 $0x1  }
0x15: {  	[smem:$0x3FB5] =	sst s0;
	s0 =	simm.s32 @!p2 $0x0  }
0x16: {  	s3 =	sld [smem:$0x3FDB];
	s0 =	simm.s32 @p2 $0x1  }
0x17: {  	s4 =	simm.s32 $0x1BF5;
	[smem:$0x3FB7] =	sst s0  }
0x18: {  	s0 =	sld [smem:$0x3F9A];
	_ =	swait.ge [sflag:s4], $0x0  }
0x19: {  	s7 =	sld [smem:$0x3F9B]  }
0x1a: {  	s8 =	sadd.s32 $0xFFFFE003, lr  }
0x1b: {  	s9 =	sadd.s32 $0xFFFFFEF7, lr;
	s5 =	simm.s32 $0xFFFFFFFF;
	p2 =	slt.u32 s8, $0xFFFFF086  }
0x1c: {  	p1 =	slt.u32 s9, $0xF7A;
	s5 =	simm.s32 @!p2 $0x0  }
0x1d: {  	s5 =	simm.s32 @p1 $0x1;
	p0 =	seq.s32 s7, s2  }
0x1e: {  	s7 =	smul.u32 @!p0 $0xF7A, s2;
	p2 =	seq.s32 @!p0 s5, $0x0  }
0x1f: {  	s9 =	smul.u32 $0xF7A, s1;
	s8 =	simm.s32 @!p0 $0x1BF5;
	p2 =	por !p2, p0  }
0x20: {  	[sflag:s8] =	ssyncset.s32 @!p0 $0xFFFFF086;
	s6 =	sadd.s32 @!p0 s3, s7;
	s7 =	simm.s32 @!p0 $0x108  }
0x21: {  	s3 =	sadd.s32 s3, s9;
	s6 =	sadd.s32 @!p0 $0x88, s6;
	s7 =	simm.s32 @p2 $0x1082  }
0x22: {  	[simem:s7], [sflag:s8] =	dma.local @!p0 [hbm:s6], $0xF7A  }
0x23: {  	s9 =	sor.u32 $0xD0000000, s2;
	s6 =	simm.s32 $0x108;
	_ =	swait.ge @!p0 [sflag:s8], $0x0  }
0x24: {  	s3 =	sadd.s32 $0x88, s3;
	s6 =	simm.s32 @!p1 $0x1082;
	[sflag:s4] =	ssyncset.s32 $0xFFFFF086  }
0x25: {  	[simem:s6], [sflag:s4] =	dma.local [hbm:s3], $0xF7A  }
0x26: {  	[smem:$0x3F9B] =	sst s1;
	(tag) =	ssettag s2;
	_ =	strace s9  }
0x27: {  	s1 =	sld [smem:$0x3FAB]  }
0x28: {  	s2 =	sld [smem:$0x3FAC]  }
0x29: {  	s4 =	sld [smem:$0x3FAE]  }
0x2a: {  	p0 =	seq.s32 s5, $0x0;
	s5 =	sld [smem:$0x3FAF]  }
0x2b: {  	s6 =	sld [smem:$0x3FB0]  }
0x2c: {  	s7 =	sld [smem:$0x3FB1]  }
0x2d: {  	s3 =	simm.s32 $0x108;
	s8 =	sld [smem:$0x3FB2]  }
0x2e: {  	s3 =	simm.s32 @!p0 $0x1082;
	s9 =	sld [smem:$0x3FB3]  }
0x2f: {  	lr =	sadd.s32 s0, s3;
	s0 =	sld [smem:$0x3FAA]  }
0x30: {  	s3 =	sld [smem:$0x3FAD]  }
0x31: {  	[smem:$0x3FB6] =	sst s10  }
0x32: {  	s10 =	sld [smem:$0x3FB4];
	_ =	sdelay $0x3  }
0x33: {  	p0 =	seq.s32 s10, $0x1;
	s10 =	sld [smem:$0x3FB6];
	_ =	sdelay $0x3  }
0x34: {  	[smem:$0x3FB6] =	sst s10  }
0x35: {  	s10 =	sld [smem:$0x3FB5];
	_ =	sdelay $0x3  }
0x36: {  	p1 =	seq.s32 s10, $0x1;
	s10 =	sld [smem:$0x3FB6];
	_ =	sdelay $0x3  }
0x37: {  	[smem:$0x3FB6] =	sst s10  }
0x38: {  	s10 =	sld [smem:$0x3FB7]  }
0x39: {  	_ = 	snop;
	(pc) =	sbr.ind lr, $3  }
0x3a: {  	_ = 	snop  }
0x3b: {  	_ = 	snop  }
0x3c: {  	p2 =	seq.s32 s10, $0x1;
	s10 =	sld [smem:$0x3FB6]  }
0x3d: {  	_ =	shalt  }
0x3e: {  	_ =	shalt  }
0x3f: {  	_ =	shalt  }
0x40: {  	_ =	shalt  }
0x41: {  	_ =	shalt  }
0x42: {  	_ =	shalt  }
0x43: {  	_ =	shalt  }
0x44: {  	_ =	shalt  }
0x45: {  	_ =	shalt  }
0x46: {  	_ =	shalt  }
0x47: {  	_ =	shalt  }
0x48: {  	_ =	shalt  }
0x49: {  	_ =	shalt  }
0x4a: {  	_ =	shalt  }
0x4b: {  	_ =	shalt  }
0x4c: {  	_ =	shalt  }
0x4d: {  	_ =	shalt  }
0x4e: {  	_ =	shalt  }
0x4f: {  	_ =	shalt  }
0x50: {  	_ =	shalt  }
0x51: {  	_ =	shalt  }
0x52: {  	_ =	shalt  }
0x53: {  	_ =	shalt  }
0x54: {  	_ =	shalt  }
0x55: {  	_ =	shalt  }
0x56: {  	_ =	shalt  }
0x57: {  	_ =	shalt  }
0x58: {  	_ =	shalt  }
0x59: {  	_ =	shalt  }
0x5a: {  	_ =	shalt  }
0x5b: {  	_ =	shalt  }
0x5c: {  	_ =	shalt  }
0x5d: {  	_ =	shalt  }
0x5e: {  	_ =	shalt  }
0x5f: {  	_ =	shalt  }
0x60: {  	_ =	shalt  }
0x61: {  	_ =	shalt  }
0x62: {  	_ =	shalt  }
0x63: {  	_ =	shalt  }
0x64: {  	_ =	shalt  }
0x65: {  	_ =	shalt  }
0x66: {  	_ =	shalt  }
0x67: {  	_ =	shalt  }
0x68: {  	_ =	shalt  }
0x69: {  	_ =	shalt  }
0x6a: {  	_ =	shalt  }
0x6b: {  	_ =	shalt  }
0x6c: {  	_ =	shalt  }
0x6d: {  	_ =	shalt  }
0x6e: {  	_ =	shalt  }
0x6f: {  	_ =	shalt  }
0x70: {  	_ =	shalt  }
0x71: {  	_ =	shalt  }
0x72: {  	_ =	shalt  }
0x73: {  	_ =	shalt  }
0x74: {  	_ =	shalt  }
0x75: {  	_ =	shalt  }
0x76: {  	_ =	shalt  }
0x77: {  	_ =	shalt  }
0x78: {  	_ =	shalt  }
0x79: {  	_ =	shalt  }
0x7a: {  	_ =	shalt  }
0x7b: {  	_ =	shalt  }
0x7c: {  	_ =	shalt  }
0x7d: {  	_ =	shalt  }
0x7e: {  	_ =	shalt  }
0x7f: {  	_ =	shalt  }
0x80: {  	_ =	shalt  }
0x81: {  	_ =	shalt  }
0x82: {  	_ =	shalt  }
0x83: {  	_ =	shalt  }
0x84: {  	_ =	shalt  }
0x85: {  	_ =	shalt  }
0x86: {  	_ =	shalt  }
0x87: {  	_ =	shalt  }
.Lfunc_end0:
.L_simem_size_0:
called_computation.1_lowered:
.L_overlay_start_0:
0x88: {  	s2 =	sld [smem:$0x3FD9]  }
0x89: {  	s3 =	sld [smem:$0x3FFE];
	_ =	sdelay $0x1  }
0x8a: {  	s1 =	srdreg.scid  }
0x8b: {  	s0 =	sand.u32 $0x1, s1  }
0x8c: {  	s16 =	sshll.u32 s0, $0xA;
	s2 =	sadd.s32 s3, s2  }
0x8d: {  	s2 =	sadd.s32 s2, s16  }
0x8e: {  	[smem:$0x3FC2] =	sst s2  }
0x8f: {  	_ = 	snop  }
0x90: {  	(tm) =	ssettm $0x1  }
0x91: {  	s17 =	sld [smem:$0x3FFB];
	_ =	sdelay $0x3  }
0x92: {  	_ =	strace s17  }
0x93: {  	s2 =	sld [smem:$0x3FFC];
	_ =	sdelay $0x3  }
0x94: {  	_ =	strace s2  }
0x95: {  	s2 =	sld [smem:$0x3FFD];
	_ =	sdelay $0x3  }
0x96: {  	_ =	strace s2  }
0x97: {  	_ =	strace $0x8FFFFFFF  }
0x98: {  	s18 =	sld [smem:$0x3FDB];
	_ =	sdelay $0x1  }
0x99: {  	s19 =	simm.s32 $_scs_section_size  }
0x9a: {  	s4 =	simm.s32 $_size__tile_overlayer_lowered;
	s5 =	simm.s32 $_tile_overlayer_lowered  }
0x9b: {  	s22 =	simm.s32 $0x1BFF;
	s21 =	sshll.u32 s5, $0x1;
	s2 =	sadd.s32 s19, s18  }
0x9c: {  	s6 =	simm.s32 $0x0;
	s20 =	sshll.u32 s4, $0x1;
	s4 =	sadd.s32 s21, s2  }
0x9d: {  	[timem:s6], [sflag:s22] =	dma.local [hbm:s4], s20  }
0x9e: {  	_ =	swait.ge [sflag:s22], s20  }
0x9f: {  	s3 =	ssub.s32 $0x0, s20;
	[sflag:s22] =	ssyncset.done $0x0  }
0xa0: {  	[sflag:s22] =	ssyncadd.s32 s3;
	_ =	sdelay $0x1  }
0xa1: {  	s23 =	simm.s32 $0x1B8B  }
0xa2: {  	_ =	swait.ge [sflag:s23], $0x1  }
0xa3: {  	[sflag:s23] =	ssyncset.done $0x0  }
0xa4: {  	s25 =	simm.s32 $0x1B8E;
	s24 =	sld [smem:$0x3FFE];
	[sflag:s23] =	ssyncadd.s32 $0xFFFFFFFF  }
0xa5: {  	s26 =	simm.s32 $execute0_lowered;
	[smem:$0x3FD2] =	sst s25  }
0xa6: {  	s4 =	sshll.u32 s26, $0x1;
	_ =	strace $0x80000049;
	[dreg:$0x1] =	wrdreg $0xFFFFFFFF  }
0xa7: {  	s28 =	simm.s32 $_size_execute0_lowered;
	s2 =	sadd.s32 s2, s4;
	[dreg:$0x0] =	wrdreg $0x0  }
0xa8: {  	s4 =	sshll.u32 s28, $0x1;
	[dreg:$0x2] =	wrdreg s2  }
0xa9: {  	[dreg:$0x3] =	wrdreg s4  }
0xaa: {  	[dreg:$0x4] =	wrdreg $0xC0  }
0xab: {  	_ =	task [dreg:s6], $0x5FFFF  }
0xac: {  	[dreg:$0x1] =	wrdreg $0xFFFFFFFF  }
0xad: {  	[dreg:$0x0] =	wrdreg $0x60  }
0xae: {  	[dreg:$0x2] =	wrdreg s24  }
0xaf: {  	[dreg:$0x3] =	wrdreg $0xA8800  }
0xb0: {  	[dreg:$0x4] =	wrdreg $0x9  }
0xb1: {  	_ =	task.clear_ibuf [dreg:s6], $0x5FFFF;
	_ =	strace $0x90000049  }
0xb2: {  	s29 =	simm.s32 $0x9;
	_ =	strace $0x8000004B  }
0xb3: {  	_ =	swait.ge [sflag:s29], $0x1  }
0xb4: {  	[sflag:s29] =	ssyncadd.s32 $0xFFFFFFFF  }
0xb5: {  	_ =	strace $0x9000004B  }
0xb6: {  	_ =	sfence  }
0xb7: {  	s30 =	sld [smem:$0x0];
	_ =	sdelay $0x2  }
0xb8: {  	s31 =	sshll.u32 s1, $0xD;
	s1 =	sshrl.u32 s1, $0x2  }
0xb9: {  	s3 =	sand.u32 $0x4000, s31;
	s1 =	sadd.s32 s1, s30  }
0xba: {  	s0 =	sor.u32 s3, s0;
	s1 =	sshll.u32 s1, $0x11  }
0xbb: {  	s0 =	sor.u32 s1, s0  }
0xbc: {  	s0 =	sadd.s32 $0x8F2B, s0  }
0xbd: {  	[sflag:s0] =	ssyncadd.remote.s32 $0x1  }
0xbe: {  	_ =	sfence.sel $0xFFFF  }
0xbf: {  	[dreg:$0x0] =	wrdreg $0xFFFFFFFF;
	(pc) =	sbr.abs _section_cstart, $3  }
0xc0: {  	[dreg:$0x1] =	wrdreg $0xFFFFFFFF  }
0xc1: {  	_ =	task.clear_ibuf [dreg:s6], $0x2FFFF;
	_ =	strace $0x9FFFFFFF  }
0xc2: {  	(tm) =	ssettm $0x7FFFFFFF  }
0xc3: {  	_ =	shalt  }
tec
execute0_lowered:
.L_overlay_start_1:
0x0: {  	(tag) =	ssettag $0x1  }
0x1: {  	s0 =	rddreg [dreg:$0x0]  }
0x2: {  	s1 =	rddreg [dreg:$0x1]  }
0x3: {  	s2 =	srdreg.scid;
	s3 =	simm.s32 $0x0;
	s12 =	stileid.u32  }
0x4: {  	s2 =	sand.u32 $0x1, s2;
	[smem:$0x7FF] =	sst s3;
	s8 =	smul.u32 $0x2800, s12  }
0x5: {  	s9 =	smul.u32 $0x4E20, s12;
	s4 =	sadd.s32 $0xB800, s0;
	s5 =	sadd.s32 $0x1A00, s0  }
0x6: {  	s6 =	sadd.s32 $0x15600, s0;
	s26 =	smul.u32 $0x50000, s12;
	s12 =	simm.s32 $0x200  }
0x7: {  	s7 =	smul.u32 $0x28000, s2;
	_ =	strace $0x8000004A;
	s21 =	ssub.s32 $0x2, s2  }
0x8: {  	s10 =	sshrl.u32 s9, $0x3;
	s22 =	sshrl.u32 s21, $0x1;
	s14 =	sadd.s32 $0x100, s9  }
0x9: {  	s15 =	sshrl.u32 s26, $0x2;
	s7 =	sadd.s32 s8, s7;
	s11 =	sadd.s32 $0x9C0, s10  }
0xa: {  	s8 =	smul.u32 $0x2710, s2;
	s28 =	sadd.s32 s4, s10;
	[dreg:$0x3] =	wrdreg s14  }
0xb: {  	s25 =	sadd.s32 $0x10, s10;
	s10 =	sadd.s32 s5, s10;
	[dreg:$0x6] =	wrdreg s28  }
0xc: {  	s14 =	sadd.s32 s15, s1;
	s23 =	sadd.s32 s4, s11;
	[dreg:$0x7] =	wrdreg s10  }
0xd: {  	s15 =	simm.s32 $0x80;
	s24 =	sadd.s32 s5, s11;
	[dreg:$0x4] =	wrdreg s23  }
0xe: {  	s0 =	sadd.s32 s7, s0;
	s13 =	sadd.s32 s4, s25;
	[dreg:$0x5] =	wrdreg s24  }
0xf: {  	s7 =	ssub.s32 s21, s22;
	s2 =	sadd.s32 s5, s25;
	[dreg:$0x8] =	wrdreg s13  }
0x10: {  	s17 =	sadd.s32 $0x1400, s14;
	s18 =	sadd.s32 $0x2800, s14;
	[dreg:$0x9] =	wrdreg s2  }
0x11: {  	s19 =	sadd.s32 $0x3C00, s14;
	s20 =	sadd.s32 $0x5000, s14;
	[dreg:$0xc] =	wrdreg s17  }
0x12: {  	s21 =	sadd.s32 $0x6400, s14;
	s22 =	sadd.s32 $0x7800, s14;
	[dreg:$0xd] =	wrdreg s18  }
0x13: {  	s25 =	sadd.s32 $0xB400, s14;
	s26 =	sadd.s32 $0xC800, s14;
	[dreg:$0xe] =	wrdreg s19  }
0x14: {  	s28 =	sadd.s32 $0xDC00, s14;
	s29 =	sadd.s32 $0xF000, s14;
	[dreg:$0xf] =	wrdreg s20  }
0x15: {  	s30 =	sadd.s32 $0x10400, s14;
	s31 =	sadd.s32 $0x11800, s14;
	[dreg:$0x10] =	wrdreg s21  }
0x16: {  	s10 =	simm.s32 $0x480;
	s11 =	simm.s32 $0x3;
	[dreg:$0x11] =	wrdreg s22  }
0x17: {  	s13 =	sadd.s32 $0x180, s9;
	s0 =	sadd.s32 $0x63800, s0;
	[dreg:$0x14] =	wrdreg s25  }
0x18: {  	s16 =	smax.u32 s7, $0x1;
	s23 =	sadd.s32 $0x8C00, s14;
	[dreg:$0x15] =	wrdreg s26  }
0x19: {  	s24 =	sadd.s32 $0xA000, s14;
	[dreg:$0x16] =	wrdreg s28;
	s2 =	simm.s32 $0x9480  }
0x1a: {  	s7 =	simm.s32 $0x5;
	s17 =	simm.s32 $0x1480;
	[dreg:$0xa] =	wrdreg s0  }
0x1b: {  	s18 =	simm.s32 $0x280;
	s19 =	simm.s32 $0x2;
	[dreg:$0xb] =	wrdreg s16  }
0x1c: {  	s20 =	simm.s32 $0x180;
	s21 =	simm.s32 $0x5480;
	[dreg:$0x12] =	wrdreg s23  }
0x1d: {  	s22 =	simm.s32 $0x4;
	[dreg:$0x13] =	wrdreg s24;
	s0 =	sadd.s32 $0x12C00, s14  }
0x1e: {  	v1 =	vimm.f32 $0.0e+00;
	v0 =	vmov s8;
	s16 =	simm.s32 $0x100;
	s23 =	simm.s32 $0x1;
	s24 =	simm.s32 $0x0  }
.LBB2_1:
0x1f: {  	s8 =	sand.u32 $0x7E00, s3  }
0x20: {  	s25 =	sand.u32 $0x70, s3;
	s26 =	sshrl.u32 s8, $0x2  }
0x21: {  	s8 =	simm.s32 $0x40;
	s26 =	sor.u32 s25, s26;
	s25 =	simm.s32 $0x0  }
.LBB2_2:
0x22: {  	p0 =	sne.s32 s8, $0x4FC0  }
0x23: {  	[tilespmem:s26+$0x9480] =	vst v1;
	s25 =	sadd.s32 $0x10, s25;
	s26 =	smov.u32 s8;
	s8 =	sadd.s32 $0x40, s8  }
.Ltmp0:
0x24: {  	(pc) =	sbr.rel @p0 .LBB2_2-.Ltmp0, $4  }
0x25: {  	_ = 	snop  }
0x26: {  	s26 =	sand.u32 $0x7E00, s26  }
0x27: {  	s28 =	sand.u32 $0x70, s25;
	s26 =	sshrl.u32 s26, $0x2  }
0x28: {  	s26 =	sor.u32 s28, s26  }
0x29: {  	[tilespmem:s26+$0x9480] =	vst v1  }
0x2a: {  	[spmem:s14] =	stream.linear.scatter [tilespmem:s2], [sflag:$0x5], $0x1400, $0x38;
	[tilespmem:$0x1E880] =	vst v63  }
0x2b: {  	_ =	swait.ge [sflag:s7], $0x1400  }
0x2c: {  	[sflag:s7] =	ssyncset.done $0x0  }
0x2d: {  	s8 =	rddreg [dreg:$0xc];
	[sflag:s7] =	ssyncadd.s32 $0xFFFFEC00  }
0x2e: {  	[spmem:s8] =	stream.linear.scatter [tilespmem:s2], [sflag:$0x5], $0x1400, $0x38;
	[tilespmem:$0x1E880] =	vst v63  }
0x2f: {  	_ =	swait.ge [sflag:s7], $0x1400  }
0x30: {  	[sflag:s7] =	ssyncset.done $0x0  }
0x31: {  	s25 =	rddreg [dreg:$0xd];
	[sflag:s7] =	ssyncadd.s32 $0xFFFFEC00  }
0x32: {  	[spmem:s25] =	stream.linear.scatter [tilespmem:s2], [sflag:$0x5], $0x1400, $0x38;
	[tilespmem:$0x1E880] =	vst v63  }
0x33: {  	_ =	swait.ge [sflag:s7], $0x1400  }
0x34: {  	[sflag:s7] =	ssyncset.done $0x0  }
0x35: {  	s26 =	rddreg [dreg:$0xe];
	[sflag:s7] =	ssyncadd.s32 $0xFFFFEC00  }
0x36: {  	[spmem:s26] =	stream.linear.scatter [tilespmem:s2], [sflag:$0x5], $0x1400, $0x38;
	[tilespmem:$0x1E880] =	vst v63  }
0x37: {  	_ =	swait.ge [sflag:s7], $0x1400  }
0x38: {  	[sflag:s7] =	ssyncset.done $0x0  }
0x39: {  	s28 =	rddreg [dreg:$0xf];
	[sflag:s7] =	ssyncadd.s32 $0xFFFFEC00  }
0x3a: {  	[spmem:s28] =	stream.linear.scatter [tilespmem:s2], [sflag:$0x5], $0x1400, $0x38;
	[tilespmem:$0x1E880] =	vst v63  }
0x3b: {  	_ =	swait.ge [sflag:s7], $0x1400  }
0x3c: {  	[sflag:s7] =	ssyncset.done $0x0  }
0x3d: {  	s9 =	rddreg [dreg:$0x10];
	[sflag:s7] =	ssyncadd.s32 $0xFFFFEC00  }
0x3e: {  	[spmem:s9] =	stream.linear.scatter [tilespmem:s2], [sflag:$0x5], $0x1400, $0x38;
	[tilespmem:$0x1E880] =	vst v63  }
0x3f: {  	_ =	swait.ge [sflag:s7], $0x1400  }
0x40: {  	[sflag:s7] =	ssyncset.done $0x0  }
0x41: {  	s25 =	rddreg [dreg:$0x11];
	[sflag:s7] =	ssyncadd.s32 $0xFFFFEC00  }
0x42: {  	[spmem:s25] =	stream.linear.scatter [tilespmem:s2], [sflag:$0x5], $0x1400, $0x38;
	[tilespmem:$0x1E880] =	vst v63  }
0x43: {  	_ =	swait.ge [sflag:s7], $0x1400  }
0x44: {  	[sflag:s7] =	ssyncset.done $0x0  }
0x45: {  	s26 =	rddreg [dreg:$0x12];
	[sflag:s7] =	ssyncadd.s32 $0xFFFFEC00  }
0x46: {  	[spmem:s26] =	stream.linear.scatter [tilespmem:s2], [sflag:$0x5], $0x1400, $0x38;
	[tilespmem:$0x1E880] =	vst v63  }
0x47: {  	_ =	swait.ge [sflag:s7], $0x1400  }
0x48: {  	[sflag:s7] =	ssyncset.done $0x0  }
0x49: {  	s28 =	rddreg [dreg:$0x13];
	[sflag:s7] =	ssyncadd.s32 $0xFFFFEC00  }
0x4a: {  	[spmem:s28] =	stream.linear.scatter [tilespmem:s2], [sflag:$0x5], $0x1400, $0x38;
	[tilespmem:$0x1E880] =	vst v63  }
0x4b: {  	_ =	swait.ge [sflag:s7], $0x1400  }
0x4c: {  	[sflag:s7] =	ssyncset.done $0x0  }
0x4d: {  	s9 =	rddreg [dreg:$0x14];
	[sflag:s7] =	ssyncadd.s32 $0xFFFFEC00  }
0x4e: {  	[spmem:s9] =	stream.linear.scatter [tilespmem:s2], [sflag:$0x5], $0x1400, $0x38;
	[tilespmem:$0x1E880] =	vst v63  }
0x4f: {  	_ =	swait.ge [sflag:s7], $0x1400  }
0x50: {  	[sflag:s7] =	ssyncset.done $0x0  }
0x51: {  	s25 =	rddreg [dreg:$0x15];
	[sflag:s7] =	ssyncadd.s32 $0xFFFFEC00  }
0x52: {  	[spmem:s25] =	stream.linear.scatter [tilespmem:s2], [sflag:$0x5], $0x1400, $0x38;
	[tilespmem:$0x1E880] =	vst v63  }
0x53: {  	_ =	swait.ge [sflag:s7], $0x1400  }
0x54: {  	[sflag:s7] =	ssyncset.done $0x0  }
0x55: {  	s26 =	rddreg [dreg:$0x16];
	[sflag:s7] =	ssyncadd.s32 $0xFFFFEC00  }
0x56: {  	[spmem:s26] =	stream.linear.scatter [tilespmem:s2], [sflag:$0x5], $0x1400, $0x38;
	[tilespmem:$0x1E880] =	vst v63  }
0x57: {  	_ =	swait.ge [sflag:s7], $0x1400  }
0x58: {  	[sflag:s7] =	ssyncset.done $0x0  }
0x59: {  	[sflag:s7] =	ssyncadd.s32 $0xFFFFEC00  }
0x5a: {  	[spmem:s29] =	stream.linear.scatter [tilespmem:s2], [sflag:$0x5], $0x1400, $0x38;
	[tilespmem:$0x1E880] =	vst v63  }
0x5b: {  	_ =	swait.ge [sflag:s7], $0x1400  }
0x5c: {  	[sflag:s7] =	ssyncset.done $0x0  }
0x5d: {  	[sflag:s7] =	ssyncadd.s32 $0xFFFFEC00  }
0x5e: {  	[spmem:s30] =	stream.linear.scatter [tilespmem:s2], [sflag:$0x5], $0x1400, $0x38;
	[tilespmem:$0x1E880] =	vst v63  }
0x5f: {  	_ =	swait.ge [sflag:s7], $0x1400  }
0x60: {  	[sflag:s7] =	ssyncset.done $0x0  }
0x61: {  	[sflag:s7] =	ssyncadd.s32 $0xFFFFEC00  }
0x62: {  	[spmem:s31] =	stream.linear.scatter [tilespmem:s2], [sflag:$0x5], $0x1400, $0x38;
	[tilespmem:$0x1E880] =	vst v63  }
0x63: {  	_ =	swait.ge [sflag:s7], $0x1400  }
0x64: {  	[sflag:s7] =	ssyncset.done $0x0  }
0x65: {  	[sflag:s7] =	ssyncadd.s32 $0xFFFFEC00  }
0x66: {  	[spmem:s0] =	stream.linear.scatter [tilespmem:s2], [sflag:$0x5], $0x1400, $0x38;
	[tilespmem:$0x1E880] =	vst v63  }
0x67: {  	_ =	swait.ge [sflag:s7], $0x1400  }
0x68: {  	[sflag:s7] =	ssyncset.done $0x0  }
0x69: {  	[sflag:s7] =	ssyncadd.s32 $0xFFFFEC00  }
0x6a: {  	[bflag:$0x0] =	sbarrier.arrive $0xFFFF  }
0x6b: {  	s9 =	simm.s32 $0x300;
	s25 =	simm.s32 $0x0;
	s28 =	rddreg [dreg:$0x4]  }
0x6c: {  	[tilespmem:s9], [sflag:$0x5] =	stream.linear.gather [hbm4b:s28+s25], $0x20, $0x38;
	[tilespmem:$0x1E880] =	vst v63  }
0x6d: {  	_ =	swait.ge [sflag:s7], $0x20  }
0x6e: {  	[sflag:s7] =	ssyncset.done $0x0  }
0x6f: {  	s9 =	simm.s32 $0x400;
	s26 =	rddreg [dreg:$0x5];
	[sflag:s7] =	ssyncadd.s32 $0xFFFFFFE0  }
0x70: {  	[tilespmem:s9], [sflag:$0x5] =	stream.linear.gather [hbm4b:s26+s25], $0x20, $0x38;
	[tilespmem:$0x1E880] =	vst v63  }
0x71: {  	_ =	swait.ge [sflag:s7], $0x20  }
0x72: {  	[sflag:s7] =	ssyncset.done $0x0  }
0x73: {  	[sflag:s7] =	ssyncadd.s32 $0xFFFFFFE0  }
0x74: {  	v2 =	vld [tilespmem:$0x300]  }
0x75: {  	v3 =	vld [tilespmem:$0x310];
	_ =	sdelay $0x3  }
0x76: {  	v2 =	vadd.s32 v0, v2  }
0x77: {  	[tilespmem:$0x380] =	vst v2;
	v2 =	vadd.s32 v0, v3  }
0x78: {  	s8 =	simm.s32 $0x20;
	s28 =	simm.s32 $0x380;
	[tilespmem:$0x390] =	vst v2  }
0x79: {  	[tilespmem:s10], [sflag:$0x3] =	stream.indirect.gather [hbm4b:s6+s8], $0x80, s28, s8, $0xb8;
	[tilespmem:$0x1E880] =	vst v63  }
0x7a: {  	_ =	swait.ge [sflag:s11], $0x1000  }
0x7b: {  	[sflag:s11] =	ssyncset.done $0x0  }
0x7c: {  	[sflag:s11] =	ssyncadd.s32 $0xFFFFF000  }
0x7d: {  	[spmem:s1] =	stream.indirect.scatter.add.f32 [tilespmem:s10], [sflag:$0x5], $0x80, s9, s8, $0xb8;
	[tilespmem:$0x1E880] =	vst v63  }
0x7e: {  	_ =	swait.ge [sflag:s7], $0x1000  }
0x7f: {  	[sflag:s7] =	ssyncset.done $0x0  }
0x80: {  	s28 =	rddreg [dreg:$0x6];
	[sflag:s7] =	ssyncadd.s32 $0xFFFFF000  }
0x81: {  	[tilespmem:s25], [sflag:$0x5] =	stream.linear.gather [hbm4b:s28+s25], $0x80, $0x38;
	[tilespmem:$0x1E880] =	vst v63  }
0x82: {  	_ =	swait.ge [sflag:s7], $0x80  }
0x83: {  	[sflag:s7] =	ssyncset.done $0x0  }
0x84: {  	s9 =	rddreg [dreg:$0x7];
	[sflag:s7] =	ssyncadd.s32 $0xFFFFFF80  }
0x85: {  	[tilespmem:s12], [sflag:$0x5] =	stream.linear.gather [hbm4b:s9+s25], $0x80, $0x38;
	[tilespmem:$0x1E880] =	vst v63  }
0x86: {  	_ =	swait.ge [sflag:s7], $0x80  }
0x87: {  	[sflag:s7] =	ssyncset.done $0x0  }
0x88: {  	[sflag:s7] =	ssyncadd.s32 $0xFFFFFF80  }
0x89: {  	v2 =	vld [tilespmem:$0x0]  }
0x8a: {  	v3 =	vld [tilespmem:$0x10]  }
0x8b: {  	v4 =	vld [tilespmem:$0x20]  }
0x8c: {  	v5 =	vld [tilespmem:$0x30]  }
0x8d: {  	v6 =	vld [tilespmem:$0x40]  }
0x8e: {  	v7 =	vld [tilespmem:$0x50];
	v2 =	vadd.s32 v0, v2  }
0x8f: {  	[tilespmem:$0x100] =	vst v2;
	v2 =	vadd.s32 v0, v3;
	v3 =	vld [tilespmem:$0x60]  }
0x90: {  	v51 =	vld [tilespmem:$0x70];
	[tilespmem:$0x110] =	vst v2;
	v2 =	vadd.s32 v0, v4  }
0x91: {  	[tilespmem:$0x120] =	vst v2;
	v2 =	vadd.s32 v0, v5  }
0x92: {  	[tilespmem:$0x130] =	vst v2;
	v2 =	vadd.s32 v0, v6  }
0x93: {  	[tilespmem:$0x140] =	vst v2;
	v2 =	vadd.s32 v0, v7  }
0x94: {  	[tilespmem:$0x150] =	vst v2;
	v2 =	vadd.s32 v0, v3  }
0x95: {  	[tilespmem:$0x160] =	vst v2;
	v2 =	vadd.s32 v0, v51  }
0x96: {  	[tilespmem:$0x170] =	vst v2  }
0x97: {  	[tilespmem:s17], [sflag:$0x3] =	stream.indirect.gather [hbm4b:s6+s15], $0x80, s16, s15, $0xb8;
	[tilespmem:$0x1E880] =	vst v63  }
0x98: {  	s26 =	rddreg [dreg:$0x8]  }
0x99: {  	[tilespmem:s15], [sflag:$0x2] =	stream.linear.gather [hbm4b:s26+s25], $0x80, $0x38;
	[tilespmem:$0x1E880] =	vst v63  }
0x9a: {  	s28 =	rddreg [dreg:$0x9]  }
0x9b: {  	[tilespmem:s18], [sflag:$0x2] =	stream.linear.gather [hbm4b:s28+s25], $0x80, $0x38;
	[tilespmem:$0x1E880] =	vst v63  }
0x9c: {  	_ =	swait.ge [sflag:s11], $0x4000  }
0x9d: {  	[sflag:s11] =	ssyncset.done $0x0  }
0x9e: {  	[sflag:s11] =	ssyncadd.s32 $0xFFFFC000  }
0x9f: {  	_ =	swait.ge [sflag:s19], $0x80  }
0xa0: {  	[sflag:s19] =	ssyncset.done $0x0  }
0xa1: {  	[sflag:s19] =	ssyncadd.s32 $0xFFFFFF80  }
0xa2: {  	_ =	swait.ge [sflag:s19], $0x80  }
0xa3: {  	[sflag:s19] =	ssyncset.done $0x0  }
0xa4: {  	[sflag:s19] =	ssyncadd.s32 $0xFFFFFF80  }
0xa5: {  	v2 =	vld [tilespmem:$0xD0]  }
0xa6: {  	v3 =	vld [tilespmem:$0xE0]  }
0xa7: {  	v53 =	vld [tilespmem:$0xA0]  }
0xa8: {  	v55 =	vld [tilespmem:$0x80]  }
0xa9: {  	v52 =	vld [tilespmem:$0xC0]  }
0xaa: {  	v54 =	vld [tilespmem:$0xB0];
	v2 =	vadd.s32 v0, v2  }
0xab: {  	v8 =	vld [tilespmem:$0x90];
	[tilespmem:$0x1D0] =	vst v2;
	v2 =	vadd.s32 v0, v3  }
0xac: {  	v56 =	vadd.s32 v0, v53;
	[tilespmem:$0x1E0] =	vst v2;
	v2 =	vld [tilespmem:$0xF0]  }
0xad: {  	v57 =	vadd.s32 v0, v55;
	[tilespmem:$0x1A0] =	vst v56  }
0xae: {  	v3 =	vadd.s32 v0, v52;
	[tilespmem:$0x180] =	vst v57  }
0xaf: {  	[tilespmem:$0x1C0] =	vst v3;
	v3 =	vadd.s32 v0, v54  }
0xb0: {  	[tilespmem:$0x1B0] =	vst v3;
	v3 =	vadd.s32 v0, v8  }
0xb1: {  	[tilespmem:$0x190] =	vst v3;
	v2 =	vadd.s32 v0, v2  }
0xb2: {  	[tilespmem:$0x1F0] =	vst v2  }
0xb3: {  	[tilespmem:s21], [sflag:$0x4] =	stream.indirect.gather [hbm4b:s6+s15], $0x80, s20, s15, $0xb8;
	[tilespmem:$0x1E880] =	vst v63  }
0xb4: {  	_ = 	snop  }
0xb5: {  	[spmem:s1] =	stream.indirect.scatter.add.f32 [tilespmem:s17], [sflag:$0x5], $0x80, s12, s15, $0xb8;
	[tilespmem:$0x1E880] =	vst v63  }
0xb6: {  	s28 =	smin.u32 s25, $0x99;
	_ =	swait.ge [sflag:s7], $0x4000  }
0xb7: {  	s26 =	sshll.u32 s28, $0x7;
	s9 =	rddreg [dreg:$0x3]  }
0xb8: {  	s8 =	sadd.s32 s26, s9  }
0xb9: {  	[sflag:s7] =	ssyncset.done $0x0;
	s8 =	sshrl.u32 s8, $0x3  }
0xba: {  	[sflag:s7] =	ssyncadd.s32 $0xFFFFC000;
	s9 =	sadd.s32 s4, s8  }
0xbb: {  	[tilespmem:s3], [sflag:$0x1] =	stream.linear.gather [hbm4b:s9+s3], $0x80, $0x38;
	[tilespmem:$0x1E880] =	vst v63  }
0xbc: {  	s8 =	sadd.s32 s5, s8  }
0xbd: {  	[tilespmem:s12], [sflag:$0x1] =	stream.linear.gather [hbm4b:s8+s3], $0x80, $0x38;
	[tilespmem:$0x1E880] =	vst v63  }
0xbe: {  	_ =	swait.ge [sflag:s22], $0x4000  }
0xbf: {  	[sflag:s22] =	ssyncset.done $0x0  }
0xc0: {  	[sflag:s22] =	ssyncadd.s32 $0xFFFFC000  }
0xc1: {  	_ =	swait.ge [sflag:s23], $0x80  }
0xc2: {  	[sflag:s23] =	ssyncset.done $0x0  }
0xc3: {  	[sflag:s23] =	ssyncadd.s32 $0xFFFFFF80  }
0xc4: {  	_ =	swait.ge [sflag:s23], $0x80  }
0xc5: {  	[sflag:s23] =	ssyncset.done $0x0  }
0xc6: {  	[sflag:s23] =	ssyncadd.s32 $0xFFFFFF80  }
0xc7: {  	v2 =	vld [tilespmem:$0x70]  }
0xc8: {  	v3 =	vld [tilespmem:$0x10]  }
0xc9: {  	v61 =	vld [tilespmem:$0x50]  }
0xca: {  	v58 =	vld [tilespmem:$0x20]  }
0xcb: {  	v59 =	vld [tilespmem:$0x30]  }
0xcc: {  	v60 =	vld [tilespmem:$0x60];
	v2 =	vadd.s32 v0, v2  }
0xcd: {  	v62 =	vld [tilespmem:$0x0];
	v3 =	vadd.s32 v0, v3;
	[tilespmem:$0x170] =	vst v2  }
0xce: {  	v63 =	vadd.s32 v0, v61;
	[tilespmem:$0x110] =	vst v3;
	v3 =	vld [tilespmem:$0x40]  }
0xcf: {  	v2 =	vadd.s32 v0, v58;
	[tilespmem:$0x150] =	vst v63  }
0xd0: {  	[tilespmem:$0x120] =	vst v2;
	v2 =	vadd.s32 v0, v59  }
0xd1: {  	[tilespmem:$0x130] =	vst v2;
	v2 =	vadd.s32 v0, v60  }
0xd2: {  	[tilespmem:$0x160] =	vst v2;
	v2 =	vadd.s32 v0, v62  }
0xd3: {  	[tilespmem:$0x100] =	vst v2;
	v2 =	vadd.s32 v0, v3  }
0xd4: {  	s26 =	smin.u32 s25, $0x98;
	[tilespmem:$0x140] =	vst v2  }
0xd5: {  	[tilespmem:s17], [sflag:$0x3] =	stream.indirect.gather [hbm4b:s6+s15], $0x80, s16, s15, $0xb8;
	[tilespmem:$0x1E880] =	vst v63  }
0xd6: {  	s8 =	sshll.u32 s26, $0x7  }
0xd7: {  	[spmem:s1] =	stream.indirect.scatter.add.f32 [tilespmem:s21], [sflag:$0x5], $0x80, s18, s15, $0xb8;
	[tilespmem:$0x1E880] =	vst v63  }
0xd8: {  	s25 =	simm.s32 $0x2;
	s8 =	sadd.s32 s8, s13;
	_ =	swait.ge [sflag:s7], $0x4000  }
0xd9: {  	s26 =	simm.s32 $0x4;
	s8 =	sshrl.u32 s8, $0x3;
	[sflag:s7] =	ssyncset.done $0x0  }
0xda: {  	s28 =	sadd.s32 s4, s8;
	s8 =	sadd.s32 s5, s8;
	[sflag:s7] =	ssyncadd.s32 $0xFFFFC000  }
0xdb: {  	[tilespmem:s15], [sflag:$0x2] =	stream.linear.gather [hbm4b:s28+s3], $0x80, $0x38;
	[tilespmem:$0x1E880] =	vst v63  }
.LBB2_4:
0xdc: {  	[tilespmem:s18], [sflag:$0x2] =	stream.linear.gather [hbm4b:s8+s3], $0x80, $0x38;
	[tilespmem:$0x1E880] =	vst v63  }
0xdd: {  	_ =	swait.ge [sflag:s11], $0x4000  }
0xde: {  	[sflag:s11] =	ssyncset.done $0x0  }
0xdf: {  	[sflag:s11] =	ssyncadd.s32 $0xFFFFC000  }
0xe0: {  	_ =	swait.ge [sflag:s19], $0x80  }
0xe1: {  	[sflag:s19] =	ssyncset.done $0x0  }
0xe2: {  	[sflag:s19] =	ssyncadd.s32 $0xFFFFFF80  }
0xe3: {  	_ =	swait.ge [sflag:s19], $0x80  }
0xe4: {  	[sflag:s19] =	ssyncset.done $0x0  }
0xe5: {  	[sflag:s19] =	ssyncadd.s32 $0xFFFFFF80  }
0xe6: {  	v2 =	vld [tilespmem:$0xD0]  }
0xe7: {  	v3 =	vld [tilespmem:$0xE0]  }
0xe8: {  	v4 =	vld [tilespmem:$0xC0]  }
0xe9: {  	v7 =	vld [tilespmem:$0x80];
	_ =	sdelay $0x1  }
0xea: {  	v5 =	vld [tilespmem:$0xA0]  }
0xeb: {  	v6 =	vld [tilespmem:$0xB0];
	v2 =	vadd.s32 v0, v2  }
0xec: {  	v8 =	vld [tilespmem:$0x90];
	[tilespmem:$0x1D0] =	vst v2;
	v2 =	vadd.s32 v0, v3;
	v3 =	vadd.s32 v0, v4  }
0xed: {  	v57 =	vadd.s32 v0, v7;
	[tilespmem:$0x1C0] =	vst v3;
	v3 =	vld [tilespmem:$0xF0]  }
0xee: {  	[tilespmem:$0x180] =	vst v57  }
0xef: {  	[tilespmem:$0x1E0] =	vst v2;
	v2 =	vadd.s32 v0, v5  }
0xf0: {  	[tilespmem:$0x1A0] =	vst v2;
	v2 =	vadd.s32 v0, v6  }
0xf1: {  	[tilespmem:$0x1B0] =	vst v2;
	v2 =	vadd.s32 v0, v8  }
0xf2: {  	[tilespmem:$0x190] =	vst v2;
	v2 =	vadd.s32 v0, v3  }
0xf3: {  	[tilespmem:$0x1F0] =	vst v2  }
0xf4: {  	[tilespmem:s21], [sflag:$0x4] =	stream.indirect.gather [hbm4b:s6+s15], $0x80, s20, s15, $0xb8;
	[tilespmem:$0x1E880] =	vst v63  }
0xf5: {  	_ = 	snop  }
0xf6: {  	[spmem:s1] =	stream.indirect.scatter.add.f32 [tilespmem:s17], [sflag:$0x5], $0x80, s12, s15, $0xb8;
	[tilespmem:$0x1E880] =	vst v63  }
0xf7: {  	s28 =	smin.u32 s25, $0x99;
	_ =	swait.ge [sflag:s7], $0x4000  }
0xf8: {  	s28 =	sshll.u32 s28, $0x7;
	s9 =	rddreg [dreg:$0x3]  }
0xf9: {  	s9 =	sadd.s32 s28, s9  }
0xfa: {  	[sflag:s7] =	ssyncset.done $0x0;
	s9 =	sshrl.u32 s9, $0x3  }
0xfb: {  	[sflag:s7] =	ssyncadd.s32 $0xFFFFC000;
	s28 =	sadd.s32 s4, s9  }
0xfc: {  	[tilespmem:s3], [sflag:$0x1] =	stream.linear.gather [hbm4b:s28+s3], $0x80, $0x38;
	[tilespmem:$0x1E880] =	vst v63  }
0xfd: {  	s9 =	sadd.s32 s5, s9  }
0xfe: {  	[tilespmem:s12], [sflag:$0x1] =	stream.linear.gather [hbm4b:s9+s3], $0x80, $0x38;
	[tilespmem:$0x1E880] =	vst v63  }
0xff: {  	_ =	swait.ge [sflag:s22], $0x4000  }
0x100: {  	[sflag:s22] =	ssyncset.done $0x0  }
0x101: {  	[sflag:s22] =	ssyncadd.s32 $0xFFFFC000  }
0x102: {  	_ =	swait.ge [sflag:s23], $0x80  }
0x103: {  	[sflag:s23] =	ssyncset.done $0x0  }
0x104: {  	[sflag:s23] =	ssyncadd.s32 $0xFFFFFF80  }
0x105: {  	_ =	swait.ge [sflag:s23], $0x80  }
0x106: {  	[sflag:s23] =	ssyncset.done $0x0  }
0x107: {  	[sflag:s23] =	ssyncadd.s32 $0xFFFFFF80  }
0x108: {  	v2 =	vld [tilespmem:$0x70]  }
0x109: {  	v3 =	vld [tilespmem:$0x10]  }
0x10a: {  	v61 =	vld [tilespmem:$0x50]  }
0x10b: {  	v58 =	vld [tilespmem:$0x20]  }
0x10c: {  	v59 =	vld [tilespmem:$0x30]  }
0x10d: {  	v60 =	vld [tilespmem:$0x60];
	v2 =	vadd.s32 v0, v2  }
0x10e: {  	v62 =	vld [tilespmem:$0x0];
	v3 =	vadd.s32 v0, v3;
	[tilespmem:$0x170] =	vst v2  }
0x10f: {  	v63 =	vadd.s32 v0, v61;
	[tilespmem:$0x110] =	vst v3;
	v3 =	vld [tilespmem:$0x40]  }
0x110: {  	v2 =	vadd.s32 v0, v58;
	[tilespmem:$0x150] =	vst v63  }
0x111: {  	[tilespmem:$0x120] =	vst v2;
	v2 =	vadd.s32 v0, v59  }
0x112: {  	[tilespmem:$0x130] =	vst v2;
	v2 =	vadd.s32 v0, v60  }
0x113: {  	[tilespmem:$0x160] =	vst v2;
	v2 =	vadd.s32 v0, v62  }
0x114: {  	[tilespmem:$0x100] =	vst v2;
	v2 =	vadd.s32 v0, v3  }
0x115: {  	[tilespmem:$0x140] =	vst v2  }
0x116: {  	[tilespmem:s17], [sflag:$0x3] =	stream.indirect.gather [hbm4b:s6+s15], $0x80, s16, s15, $0xb8;
	[tilespmem:$0x1E880] =	vst v63  }
0x117: {  	p0 =	sne.s32 s26, $0x9A;
	s28 =	smin.u32 s25, $0x98  }
0x118: {  	[spmem:s1] =	stream.indirect.scatter.add.f32 [tilespmem:s21], [sflag:$0x5], $0x80, s18, s15, $0xb8;
	[tilespmem:$0x1E880] =	vst v63  }
.Ltmp1:
0x119: {  	s8 =	smov.u32 s26;
	s9 =	sshll.u32 s28, $0x7;
	(pc) =	sbr.rel @p0 .LBB2_4-.Ltmp1, $4  }
0x11a: {  	s25 =	smov.u32 s8;
	s8 =	sadd.s32 s9, s13;
	_ =	swait.ge [sflag:s7], $0x4000  }
0x11b: {  	s26 =	sadd.s32 $0x2, s26;
	s28 =	sshrl.u32 s8, $0x3;
	[sflag:s7] =	ssyncset.done $0x0  }
0x11c: {  	s8 =	sadd.s32 s5, s28;
	s9 =	sadd.s32 s4, s28;
	[sflag:s7] =	ssyncadd.s32 $0xFFFFC000  }
0x11d: {  	[tilespmem:s15], [sflag:$0x2] =	stream.linear.gather [hbm4b:s9+s3], $0x80, $0x38;
	[tilespmem:$0x1E880] =	vst v63  }
0x11e: {  	[tilespmem:s18], [sflag:$0x2] =	stream.linear.gather [hbm4b:s8+s3], $0x80, $0x38;
	[tilespmem:$0x1E880] =	vst v63  }
0x11f: {  	_ =	swait.ge [sflag:s11], $0x4000  }
0x120: {  	[sflag:s11] =	ssyncset.done $0x0  }
0x121: {  	[sflag:s11] =	ssyncadd.s32 $0xFFFFC000  }
0x122: {  	_ =	swait.ge [sflag:s19], $0x80  }
0x123: {  	[sflag:s19] =	ssyncset.done $0x0  }
0x124: {  	[sflag:s19] =	ssyncadd.s32 $0xFFFFFF80  }
0x125: {  	_ =	swait.ge [sflag:s19], $0x80  }
0x126: {  	[sflag:s19] =	ssyncset.done $0x0  }
0x127: {  	[sflag:s19] =	ssyncadd.s32 $0xFFFFFF80  }
0x128: {  	v2 =	vld [tilespmem:$0xD0]  }
0x129: {  	v3 =	vld [tilespmem:$0xE0]  }
0x12a: {  	v5 =	vld [tilespmem:$0xA0]  }
0x12b: {  	v7 =	vld [tilespmem:$0x80]  }
0x12c: {  	v4 =	vld [tilespmem:$0xC0]  }
0x12d: {  	v6 =	vld [tilespmem:$0xB0];
	v2 =	vadd.s32 v0, v2  }
0x12e: {  	v8 =	vld [tilespmem:$0x90];
	[tilespmem:$0x1D0] =	vst v2;
	v2 =	vadd.s32 v0, v3  }
0x12f: {  	v56 =	vadd.s32 v0, v5;
	[tilespmem:$0x1E0] =	vst v2;
	v2 =	vld [tilespmem:$0xF0]  }
0x130: {  	v57 =	vadd.s32 v0, v7;
	[tilespmem:$0x1A0] =	vst v56  }
0x131: {  	v3 =	vadd.s32 v0, v4;
	[tilespmem:$0x180] =	vst v57  }
0x132: {  	[tilespmem:$0x1C0] =	vst v3;
	v3 =	vadd.s32 v0, v6  }
0x133: {  	[tilespmem:$0x1B0] =	vst v3;
	v3 =	vadd.s32 v0, v8  }
0x134: {  	[tilespmem:$0x190] =	vst v3;
	v2 =	vadd.s32 v0, v2  }
0x135: {  	[tilespmem:$0x1F0] =	vst v2  }
0x136: {  	[tilespmem:s21], [sflag:$0x4] =	stream.indirect.gather [hbm4b:s6+s15], $0x80, s20, s15, $0xb8;
	[tilespmem:$0x1E880] =	vst v63  }
0x137: {  	_ = 	snop  }
0x138: {  	[spmem:s1] =	stream.indirect.scatter.add.f32 [tilespmem:s17], [sflag:$0x5], $0x80, s12, s15, $0xb8;
	[tilespmem:$0x1E880] =	vst v63  }
0x139: {  	s9 =	smin.u32 s25, $0x99;
	_ =	swait.ge [sflag:s7], $0x4000  }
0x13a: {  	s9 =	sshll.u32 s9, $0x7;
	s26 =	rddreg [dreg:$0x3]  }
0x13b: {  	s8 =	sadd.s32 s9, s26  }
0x13c: {  	[sflag:s7] =	ssyncset.done $0x0;
	s8 =	sshrl.u32 s8, $0x3  }
0x13d: {  	[sflag:s7] =	ssyncadd.s32 $0xFFFFC000;
	s28 =	sadd.s32 s4, s8  }
0x13e: {  	[tilespmem:s3], [sflag:$0x1] =	stream.linear.gather [hbm4b:s28+s3], $0x80, $0x38;
	[tilespmem:$0x1E880] =	vst v63  }
0x13f: {  	s8 =	sadd.s32 s5, s8  }
0x140: {  	[tilespmem:s12], [sflag:$0x1] =	stream.linear.gather [hbm4b:s8+s3], $0x80, $0x38;
	[tilespmem:$0x1E880] =	vst v63  }
0x141: {  	_ =	swait.ge [sflag:s22], $0x4000  }
0x142: {  	[sflag:s22] =	ssyncset.done $0x0  }
0x143: {  	[sflag:s22] =	ssyncadd.s32 $0xFFFFC000  }
0x144: {  	_ =	swait.ge [sflag:s23], $0x80  }
0x145: {  	[sflag:s23] =	ssyncset.done $0x0  }
0x146: {  	[sflag:s23] =	ssyncadd.s32 $0xFFFFFF80  }
0x147: {  	_ =	swait.ge [sflag:s23], $0x80  }
0x148: {  	[sflag:s23] =	ssyncset.done $0x0  }
0x149: {  	[sflag:s23] =	ssyncadd.s32 $0xFFFFFF80  }
0x14a: {  	v2 =	vld [tilespmem:$0x70]  }
0x14b: {  	v3 =	vld [tilespmem:$0x10]  }
0x14c: {  	v61 =	vld [tilespmem:$0x50]  }
0x14d: {  	v58 =	vld [tilespmem:$0x20]  }
0x14e: {  	v59 =	vld [tilespmem:$0x30]  }
0x14f: {  	v60 =	vld [tilespmem:$0x60];
	v2 =	vadd.s32 v0, v2  }
0x150: {  	v62 =	vld [tilespmem:$0x0];
	v3 =	vadd.s32 v0, v3;
	[tilespmem:$0x170] =	vst v2  }
0x151: {  	v63 =	vadd.s32 v0, v61;
	[tilespmem:$0x110] =	vst v3;
	v3 =	vld [tilespmem:$0x40]  }
0x152: {  	v2 =	vadd.s32 v0, v58;
	[tilespmem:$0x150] =	vst v63  }
0x153: {  	[tilespmem:$0x120] =	vst v2;
	v2 =	vadd.s32 v0, v59  }
0x154: {  	[tilespmem:$0x130] =	vst v2;
	v2 =	vadd.s32 v0, v60  }
0x155: {  	[tilespmem:$0x160] =	vst v2;
	v2 =	vadd.s32 v0, v62  }
0x156: {  	[tilespmem:$0x100] =	vst v2;
	v2 =	vadd.s32 v0, v3  }
0x157: {  	s26 =	smin.u32 s25, $0x98;
	[tilespmem:$0x140] =	vst v2  }
0x158: {  	[tilespmem:s17], [sflag:$0x3] =	stream.indirect.gather [hbm4b:s6+s15], $0x80, s16, s15, $0xb8;
	[tilespmem:$0x1E880] =	vst v63  }
0x159: {  	s8 =	sshll.u32 s26, $0x7  }
0x15a: {  	[spmem:s1] =	stream.indirect.scatter.add.f32 [tilespmem:s21], [sflag:$0x5], $0x80, s18, s15, $0xb8;
	[tilespmem:$0x1E880] =	vst v63  }
0x15b: {  	s8 =	sadd.s32 s8, s13;
	_ =	swait.ge [sflag:s7], $0x4000  }
0x15c: {  	s8 =	sshrl.u32 s8, $0x3;
	[sflag:s7] =	ssyncset.done $0x0  }
0x15d: {  	s28 =	sadd.s32 s4, s8;
	[sflag:s7] =	ssyncadd.s32 $0xFFFFC000  }
0x15e: {  	[tilespmem:s15], [sflag:$0x2] =	stream.linear.gather [hbm4b:s28+s3], $0x80, $0x38;
	[tilespmem:$0x1E880] =	vst v63  }
0x15f: {  	s8 =	sadd.s32 s5, s8  }
0x160: {  	[tilespmem:s18], [sflag:$0x2] =	stream.linear.gather [hbm4b:s8+s3], $0x80, $0x38;
	[tilespmem:$0x1E880] =	vst v63  }
0x161: {  	_ =	swait.ge [sflag:s19], $0x80  }
0x162: {  	[sflag:s19] =	ssyncset.done $0x0  }
0x163: {  	[sflag:s19] =	ssyncadd.s32 $0xFFFFFF80  }
0x164: {  	_ =	swait.ge [sflag:s19], $0x80  }
0x165: {  	[sflag:s19] =	ssyncset.done $0x0  }
0x166: {  	[sflag:s19] =	ssyncadd.s32 $0xFFFFFF80  }
0x167: {  	_ =	swait.ge [sflag:s11], $0x4000  }
0x168: {  	[sflag:s11] =	ssyncset.done $0x0  }
0x169: {  	s9 =	stileid.u32;
	[sflag:s11] =	ssyncadd.s32 $0xFFFFC000  }
0x16a: {  	s8 =	sshll.u32 s9, $0x6;
	[bflag:$0x0] =	sbarrier.arrive $0xFFFF  }
0x16b: {  	s25 =	sshrl.u32 s14, $0x3;
	s8 =	sor.u32 $0x1C05, s8;
	s26 =	rddreg [dreg:$0xa]  }
0x16c: {  	[hbm:s26], [sflag:s8] =	dma.local [spmem:s25], $0x2800  }
0x16d: {  	_ =	swait.ge [sflag:s7], $0x2800  }
0x16e: {  	s24 =	sadd.s32 $0x1, s24;
	s28 =	rddreg [dreg:$0xb]  }
0x16f: {  	p0 =	sne.s32 s24, s28  }
.Ltmp2:
0x170: {  	_ = 	snop;
	(pc) =	sbr.rel @p0 .LBB2_1-.Ltmp2, $3  }
0x171: {  	_ =	sdelay $0x1  }
0x172: {  	[sflag:s7] =	ssyncset.done $0x0  }
0x173: {  	[sflag:s7] =	ssyncadd.s32 $0xFFFFD800  }
0x174: {  	_ =	sfence.sel $0x180000  }
0x175: {  	[bflag:$0x0] =	sbarrier.arrive $0xFFFF  }
0x176: {  	_ =	strace $0x9000004A  }
0x177: {  	s0 =	stileid.u32;
	[bflag:$0x2] =	sbarrier.arrive $0xFFFF  }
0x178: {  	p0 =	sne.s32 s0, $0x0;
	s0 =	rddreg [dreg:$0x2]  }
0x179: {  	s0 =	sadd.s32 @!p0 $0x100000, s0  }
0x17a: {  	[sflag:s0] =	ssyncadd.tile.s32 @!p0 $0x1;
	_ =	shalt  }
.Lfunc_end2:
_tile_overlayer_lowered:
.L_overlay_start_2:
0x17b: {  	(tag) =	ssettag $0x2  }
0x17c: {  	s0 =	rddreg [dreg:$0x0];
	s2 =	stileid.u32  }
0x17d: {  	s1 =	rddreg [dreg:$0x1];
	p0 =	sne.s32 s2, $0x0  }
0x17e: {  	s3 =	rddreg [dreg:$0x2];
	[bflag:$0x3] =	sbarrier.arrive $0xFFFF;
	s2 =	simm.s32 @!p0 $0x1C05  }
0x17f: {  	[timem:s3], [sflag:s2] =	dma.local @!p0 [hbm:s0], s1  }
0x180: {  	s0 =	simm.s32 @!p0 $0x5  }
0x181: {  	_ =	swait.ge @!p0 [sflag:s0], s1  }
0x182: {  	s1 =	ssub.s32 @!p0 $0x0, s1;
	[sflag:s0] =	ssyncset.done @!p0 $0x0  }
0x183: {  	[sflag:s0] =	ssyncadd.s32 @!p0 s1  }
0x184: {  	[bflag:$0x3] =	sbarrier.arrive $0xFFFF  }
0x185: {  	_ =	shalt  }

// kernel: kernel.15.cloned.1.call-start
scs
__scs_entry_jumppad:
0x0: {  	(pc) =	sbr.rel $0x88, $3  }
0x1: {  	(tag) =	ssettag $0x0;
	lr =	simm.s32 $0x1  }
0x2: {  	[smem:$0x3F9B] =	sst lr;
	_ =	strace $0xD0000000  }
0x3: {  	_ = 	snop  }
0x4: {  	_ = 	snop  }
0x5: {  	_ = 	snop  }
0x6: {  	_ = 	snop  }
0x7: {  	_ = 	snop  }
__scs_overlays_trampoline_lowered:
0x8: {  	[smem:$0x3FAA] =	sst s0  }
0x9: {  	[smem:$0x3FAB] =	sst s1  }
0xa: {  	[smem:$0x3FAC] =	sst s2  }
0xb: {  	[smem:$0x3FAD] =	sst s3  }
0xc: {  	[smem:$0x3FAE] =	sst s4  }
0xd: {  	[smem:$0x3FAF] =	sst s5  }
0xe: {  	[smem:$0x3FB0] =	sst s6  }
0xf: {  	[smem:$0x3FB1] =	sst s7  }
0x10: {  	[smem:$0x3FB2] =	sst s8  }
0x11: {  	[smem:$0x3FB3] =	sst s9;
	s0 =	simm.s32 @!p0 $0x0  }
0x12: {  	s1 =	sld [smem:$0x3F99];
	s0 =	simm.s32 @p0 $0x1  }
0x13: {  	[smem:$0x3FB4] =	sst s0;
	s0 =	simm.s32 @!p1 $0x0  }
0x14: {  	s2 =	sld [smem:$0x3F98];
	s0 =	simm.s32 @p1 $0x1  }
0x15: {  	[smem:$0x3FB5] =	sst s0;
	s0 =	simm.s32 @!p2 $0x0  }
0x16: {  	s3 =	sld [smem:$0x3FDB];
	s0 =	simm.s32 @p2 $0x1  }
0x17: {  	s4 =	simm.s32 $0x1BF5;
	[smem:$0x3FB7] =	sst s0  }
0x18: {  	s0 =	sld [smem:$0x3F9A];
	_ =	swait.ge [sflag:s4], $0x0  }
0x19: {  	s7 =	sld [smem:$0x3F9B]  }
0x1a: {  	s8 =	sadd.s32 $0xFFFFE003, lr  }
0x1b: {  	s9 =	sadd.s32 $0xFFFFFEF7, lr;
	s5 =	simm.s32 $0xFFFFFFFF;
	p2 =	slt.u32 s8, $0xFFFFF086  }
0x1c: {  	p1 =	slt.u32 s9, $0xF7A;
	s5 =	simm.s32 @!p2 $0x0  }
0x1d: {  	s5 =	simm.s32 @p1 $0x1;
	p0 =	seq.s32 s7, s2  }
0x1e: {  	s7 =	smul.u32 @!p0 $0xF7A, s2;
	p2 =	seq.s32 @!p0 s5, $0x0  }
0x1f: {  	s9 =	smul.u32 $0xF7A, s1;
	s8 =	simm.s32 @!p0 $0x1BF5;
	p2 =	por !p2, p0  }
0x20: {  	[sflag:s8] =	ssyncset.s32 @!p0 $0xFFFFF086;
	s6 =	sadd.s32 @!p0 s3, s7;
	s7 =	simm.s32 @!p0 $0x108  }
0x21: {  	s3 =	sadd.s32 s3, s9;
	s6 =	sadd.s32 @!p0 $0x88, s6;
	s7 =	simm.s32 @p2 $0x1082  }
0x22: {  	[simem:s7], [sflag:s8] =	dma.local @!p0 [hbm:s6], $0xF7A  }
0x23: {  	s9 =	sor.u32 $0xD0000000, s2;
	s6 =	simm.s32 $0x108;
	_ =	swait.ge @!p0 [sflag:s8], $0x0  }
0x24: {  	s3 =	sadd.s32 $0x88, s3;
	s6 =	simm.s32 @!p1 $0x1082;
	[sflag:s4] =	ssyncset.s32 $0xFFFFF086  }
0x25: {  	[simem:s6], [sflag:s4] =	dma.local [hbm:s3], $0xF7A  }
0x26: {  	[smem:$0x3F9B] =	sst s1;
	(tag) =	ssettag s2;
	_ =	strace s9  }
0x27: {  	s1 =	sld [smem:$0x3FAB]  }
0x28: {  	s2 =	sld [smem:$0x3FAC]  }
0x29: {  	s4 =	sld [smem:$0x3FAE]  }
0x2a: {  	p0 =	seq.s32 s5, $0x0;
	s5 =	sld [smem:$0x3FAF]  }
0x2b: {  	s6 =	sld [smem:$0x3FB0]  }
0x2c: {  	s7 =	sld [smem:$0x3FB1]  }
0x2d: {  	s3 =	simm.s32 $0x108;
	s8 =	sld [smem:$0x3FB2]  }
0x2e: {  	s3 =	simm.s32 @!p0 $0x1082;
	s9 =	sld [smem:$0x3FB3]  }
0x2f: {  	lr =	sadd.s32 s0, s3;
	s0 =	sld [smem:$0x3FAA]  }
0x30: {  	s3 =	sld [smem:$0x3FAD]  }
0x31: {  	[smem:$0x3FB6] =	sst s10  }
0x32: {  	s10 =	sld [smem:$0x3FB4];
	_ =	sdelay $0x3  }
0x33: {  	p0 =	seq.s32 s10, $0x1;
	s10 =	sld [smem:$0x3FB6];
	_ =	sdelay $0x3  }
0x34: {  	[smem:$0x3FB6] =	sst s10  }
0x35: {  	s10 =	sld [smem:$0x3FB5];
	_ =	sdelay $0x3  }
0x36: {  	p1 =	seq.s32 s10, $0x1;
	s10 =	sld [smem:$0x3FB6];
	_ =	sdelay $0x3  }
0x37: {  	[smem:$0x3FB6] =	sst s10  }
0x38: {  	s10 =	sld [smem:$0x3FB7]  }
0x39: {  	_ = 	snop;
	(pc) =	sbr.ind lr, $3  }
0x3a: {  	_ = 	snop  }
0x3b: {  	_ = 	snop  }
0x3c: {  	p2 =	seq.s32 s10, $0x1;
	s10 =	sld [smem:$0x3FB6]  }
0x3d: {  	_ =	shalt  }
0x3e: {  	_ =	shalt  }
0x3f: {  	_ =	shalt  }
0x40: {  	_ =	shalt  }
0x41: {  	_ =	shalt  }
0x42: {  	_ =	shalt  }
0x43: {  	_ =	shalt  }
0x44: {  	_ =	shalt  }
0x45: {  	_ =	shalt  }
0x46: {  	_ =	shalt  }
0x47: {  	_ =	shalt  }
0x48: {  	_ =	shalt  }
0x49: {  	_ =	shalt  }
0x4a: {  	_ =	shalt  }
0x4b: {  	_ =	shalt  }
0x4c: {  	_ =	shalt  }
0x4d: {  	_ =	shalt  }
0x4e: {  	_ =	shalt  }
0x4f: {  	_ =	shalt  }
0x50: {  	_ =	shalt  }
0x51: {  	_ =	shalt  }
0x52: {  	_ =	shalt  }
0x53: {  	_ =	shalt  }
0x54: {  	_ =	shalt  }
0x55: {  	_ =	shalt  }
0x56: {  	_ =	shalt  }
0x57: {  	_ =	shalt  }
0x58: {  	_ =	shalt  }
0x59: {  	_ =	shalt  }
0x5a: {  	_ =	shalt  }
0x5b: {  	_ =	shalt  }
0x5c: {  	_ =	shalt  }
0x5d: {  	_ =	shalt  }
0x5e: {  	_ =	shalt  }
0x5f: {  	_ =	shalt  }
0x60: {  	_ =	shalt  }
0x61: {  	_ =	shalt  }
0x62: {  	_ =	shalt  }
0x63: {  	_ =	shalt  }
0x64: {  	_ =	shalt  }
0x65: {  	_ =	shalt  }
0x66: {  	_ =	shalt  }
0x67: {  	_ =	shalt  }
0x68: {  	_ =	shalt  }
0x69: {  	_ =	shalt  }
0x6a: {  	_ =	shalt  }
0x6b: {  	_ =	shalt  }
0x6c: {  	_ =	shalt  }
0x6d: {  	_ =	shalt  }
0x6e: {  	_ =	shalt  }
0x6f: {  	_ =	shalt  }
0x70: {  	_ =	shalt  }
0x71: {  	_ =	shalt  }
0x72: {  	_ =	shalt  }
0x73: {  	_ =	shalt  }
0x74: {  	_ =	shalt  }
0x75: {  	_ =	shalt  }
0x76: {  	_ =	shalt  }
0x77: {  	_ =	shalt  }
0x78: {  	_ =	shalt  }
0x79: {  	_ =	shalt  }
0x7a: {  	_ =	shalt  }
0x7b: {  	_ =	shalt  }
0x7c: {  	_ =	shalt  }
0x7d: {  	_ =	shalt  }
0x7e: {  	_ =	shalt  }
0x7f: {  	_ =	shalt  }
0x80: {  	_ =	shalt  }
0x81: {  	_ =	shalt  }
0x82: {  	_ =	shalt  }
0x83: {  	_ =	shalt  }
0x84: {  	_ =	shalt  }
0x85: {  	_ =	shalt  }
0x86: {  	_ =	shalt  }
0x87: {  	_ =	shalt  }
.Lfunc_end0:
.L_simem_size_0:
called_computation.2_lowered:
.L_overlay_start_0:
0x88: {  	s2 =	sld [smem:$0x3FD9]  }
0x89: {  	s3 =	sld [smem:$0x3FFE];
	_ =	sdelay $0x1  }
0x8a: {  	s1 =	srdreg.scid  }
0x8b: {  	s0 =	sand.u32 $0x1, s1  }
0x8c: {  	s17 =	sshll.u32 s0, $0xA;
	s2 =	sadd.s32 s3, s2  }
0x8d: {  	s2 =	sadd.s32 s2, s17  }
0x8e: {  	[smem:$0x3FC2] =	sst s2  }
0x8f: {  	_ = 	snop  }
0x90: {  	s2 =	sld [smem:$0x3FD0];
	(tm) =	ssettm $0x1  }
0x91: {  	s18 =	sld [smem:$0x3FFB];
	_ =	sdelay $0x3  }
0x92: {  	_ =	strace s18  }
0x93: {  	s3 =	sld [smem:$0x3FFC];
	_ =	sdelay $0x3  }
0x94: {  	_ =	strace s3  }
0x95: {  	s3 =	sld [smem:$0x3FFD];
	_ =	sdelay $0x3  }
0x96: {  	_ =	strace s3  }
0x97: {  	_ =	strace $0x8FFFFFFF  }
0x98: {  	s19 =	sld [smem:$0x3FDB];
	_ =	sdelay $0x1  }
0x99: {  	s4 =	simm.s32 $_scs_section_size  }
0x9a: {  	s5 =	simm.s32 $_size__tile_overlayer_lowered;
	s6 =	simm.s32 $_tile_overlayer_lowered  }
0x9b: {  	s22 =	simm.s32 $0x1BFF;
	s21 =	sshll.u32 s6, $0x1;
	s3 =	sadd.s32 s4, s19  }
0x9c: {  	s7 =	simm.s32 $0x0;
	s20 =	sshll.u32 s5, $0x1;
	s5 =	sadd.s32 s21, s3  }
0x9d: {  	[timem:s7], [sflag:s22] =	dma.local [hbm:s5], s20  }
0x9e: {  	_ =	swait.ge [sflag:s22], s20  }
0x9f: {  	s4 =	ssub.s32 $0x0, s20;
	[sflag:s22] =	ssyncset.done $0x0  }
0xa0: {  	[sflag:s22] =	ssyncadd.s32 s4;
	_ =	sdelay $0x1  }
0xa1: {  	s23 =	simm.s32 $0x1B8B  }
0xa2: {  	_ =	swait.ge [sflag:s23], $0x1  }
0xa3: {  	[sflag:s23] =	ssyncset.done $0x0  }
0xa4: {  	s25 =	simm.s32 $0x1B8E;
	s24 =	sld [smem:$0x3FFE];
	[sflag:s23] =	ssyncadd.s32 $0xFFFFFFFF  }
0xa5: {  	s26 =	simm.s32 $execute0_lowered;
	[smem:$0x3FD2] =	sst s25  }
0xa6: {  	s5 =	sshll.u32 s26, $0x1;
	_ =	strace $0x8000004C;
	[dreg:$0x1] =	wrdreg $0xFFFFFFFF  }
0xa7: {  	s28 =	simm.s32 $_size_execute0_lowered;
	s3 =	sadd.s32 s3, s5;
	[dreg:$0x0] =	wrdreg $0x0  }
0xa8: {  	s5 =	sshll.u32 s28, $0x1;
	[dreg:$0x2] =	wrdreg s3  }
0xa9: {  	[dreg:$0x3] =	wrdreg s5  }
0xaa: {  	[dreg:$0x4] =	wrdreg $0xC0  }
0xab: {  	_ =	task [dreg:s7], $0x5FFFF  }
0xac: {  	[dreg:$0x1] =	wrdreg $0xFFFFFFFF  }
0xad: {  	[dreg:$0x0] =	wrdreg $0x60  }
0xae: {  	[dreg:$0x2] =	wrdreg s24  }
0xaf: {  	[dreg:$0x3] =	wrdreg s2  }
0xb0: {  	[dreg:$0x4] =	wrdreg $0x9F000  }
0xb1: {  	[dreg:$0x5] =	wrdreg $0x9  }
0xb2: {  	_ =	task.clear_ibuf [dreg:s7], $0x6FFFF;
	_ =	strace $0x9000004C  }
0xb3: {  	s29 =	simm.s32 $0x9;
	_ =	strace $0x8000004E  }
0xb4: {  	_ =	swait.ge [sflag:s29], $0x1  }
0xb5: {  	[sflag:s29] =	ssyncadd.s32 $0xFFFFFFFF  }
0xb6: {  	_ =	strace $0x9000004E  }
0xb7: {  	_ =	sfence  }
0xb8: {  	s30 =	sld [smem:$0x0];
	_ =	sdelay $0x2  }
0xb9: {  	s31 =	sshll.u32 s1, $0xD;
	s1 =	sshrl.u32 s1, $0x2  }
0xba: {  	s3 =	sand.u32 $0x4000, s31;
	s1 =	sadd.s32 s1, s30  }
0xbb: {  	s0 =	sor.u32 s3, s0;
	s1 =	sshll.u32 s1, $0x11  }
0xbc: {  	s0 =	sor.u32 s1, s0  }
0xbd: {  	s0 =	sadd.s32 $0x8F2B, s0  }
0xbe: {  	[sflag:s0] =	ssyncadd.remote.s32 $0x1  }
0xbf: {  	_ =	sfence.sel $0xFFFF  }
0xc0: {  	[dreg:$0x0] =	wrdreg $0xFFFFFFFF;
	(pc) =	sbr.abs _section_cstart, $3  }
0xc1: {  	[dreg:$0x1] =	wrdreg $0xFFFFFFFF  }
0xc2: {  	_ =	task.clear_ibuf [dreg:s7], $0x2FFFF;
	_ =	strace $0x9FFFFFFF  }
0xc3: {  	(tm) =	ssettm $0x7FFFFFFF  }
tec
execute0_lowered:
.L_overlay_start_1:
0x0: {  	(tag) =	ssettag $0x1  }
0x1: {  	s0 =	rddreg [dreg:$0x0]  }
0x2: {  	s3 =	srdreg.scid;
	s11 =	stileid.u32  }
0x3: {  	s1 =	rddreg [dreg:$0x1];
	s3 =	sand.u32 $0x1, s3;
	s9 =	smul.u32 $0x2710, s11  }
0x4: {  	s2 =	rddreg [dreg:$0x2];
	s4 =	simm.s32 $0x0;
	s8 =	smul.u32 $0x27100, s3  }
0x5: {  	[smem:$0x7FF] =	sst s4;
	s5 =	sadd.s32 $0xB800, s0;
	s10 =	smul.u32 $0x2800, s11  }
0x6: {  	s6 =	sadd.s32 $0x1A00, s0;
	s7 =	smul.u32 $0x28000, s3;
	s8 =	sadd.s32 s9, s8  }
0x7: {  	_ =	strace $0x8000004D;
	s3 =	ssub.s32 $0x2, s3;
	s12 =	sshrl.u32 s8, $0x3  }
0x8: {  	s7 =	sadd.s32 s10, s7;
	s10 =	sshrl.u32 s3, $0x1;
	s17 =	sadd.s32 s5, s12  }
0x9: {  	s0 =	sadd.s32 s7, s0;
	s18 =	sadd.s32 s6, s12;
	[dreg:$0x6] =	wrdreg s17  }
0xa: {  	s3 =	ssub.s32 s3, s10;
	s0 =	sadd.s32 $0x15600, s0;
	[dreg:$0x7] =	wrdreg s18  }
0xb: {  	s14 =	sadd.s32 $0x4E0, s12;
	s21 =	smax.u32 s3, $0x1;
	[dreg:$0xa] =	wrdreg s0  }
0xc: {  	s28 =	simm.s32 $0xB00;
	s15 =	sadd.s32 s5, s14;
	[dreg:$0xb] =	wrdreg s21  }
0xd: {  	s19 =	sadd.s32 $0x10, s12;
	s7 =	sadd.s32 s6, s14;
	[dreg:$0x4] =	wrdreg s15  }
0xe: {  	s16 =	smul.u32 $0x50000, s11;
	s20 =	sadd.s32 s5, s19;
	[dreg:$0x5] =	wrdreg s7  }
0xf: {  	s26 =	sadd.s32 $0x4C0, s12;
	s9 =	sadd.s32 s6, s19;
	[dreg:$0x8] =	wrdreg s20  }
0x10: {  	s3 =	sadd.s32 s6, s26;
	[dreg:$0x9] =	wrdreg s9;
	s7 =	sshrl.u32 s16, $0x2  }
0x11: {  	[dreg:$0x10] =	wrdreg s3;
	s13 =	sadd.s32 s7, s2;
	s7 =	sadd.s32 s5, s26  }
0x12: {  	s29 =	simm.s32 $0x180;
	s22 =	sadd.s32 $0x1400, s13;
	[dreg:$0xf] =	wrdreg s7  }
0x13: {  	s30 =	simm.s32 $0x2;
	s23 =	sadd.s32 $0x2800, s13;
	[dreg:$0xc] =	wrdreg s22  }
0x14: {  	s31 =	simm.s32 $0x4B00;
	s25 =	sadd.s32 $0x3C00, s13;
	[dreg:$0xd] =	wrdreg s23  }
0x15: {  	s24 =	sadd.s32 $0x4D0, s12;
	s10 =	sadd.s32 $0x5000, s13;
	[dreg:$0xe] =	wrdreg s25  }
0x16: {  	s19 =	sadd.s32 s5, s24;
	s11 =	sadd.s32 $0x6400, s13;
	[dreg:$0x11] =	wrdreg s10  }
0x17: {  	s20 =	sadd.s32 s6, s24;
	s12 =	sadd.s32 $0x7800, s13;
	[dreg:$0x12] =	wrdreg s11  }
0x18: {  	s9 =	sadd.s32 $0x180, s8;
	s14 =	sadd.s32 $0x8C00, s13;
	[dreg:$0x13] =	wrdreg s12  }
0x19: {  	s3 =	simm.s32 $0x1;
	s15 =	sadd.s32 $0xA000, s13;
	[dreg:$0x14] =	wrdreg s14  }
0x1a: {  	s0 =	sshrl.u32 s9, $0x3;
	s16 =	sadd.s32 $0xB400, s13;
	[dreg:$0x15] =	wrdreg s15  }
0x1b: {  	s24 =	sadd.s32 s0, s6;
	s17 =	sadd.s32 $0xC800, s13;
	[dreg:$0x16] =	wrdreg s16  }
0x1c: {  	s18 =	sadd.s32 $0xDC00, s13;
	s21 =	sadd.s32 $0xF000, s13;
	[dreg:$0x17] =	wrdreg s17  }
0x1d: {  	s26 =	sadd.s32 $0x11800, s13;
	s7 =	simm.s32 $0x0;
	[dreg:$0x18] =	wrdreg s18  }
0x1e: {  	s23 =	sadd.s32 $0x100, s8;
	s25 =	sadd.s32 s0, s5;
	[dreg:$0x19] =	wrdreg s21  }
0x1f: {  	s22 =	sadd.s32 $0x10400, s13;
	[dreg:$0x1b] =	wrdreg s26;
	s11 =	sadd.s32 $0x12C00, s13  }
0x20: {  	s12 =	simm.s32 $0x8B00;
	s14 =	simm.s32 $0x5;
	s17 =	simm.s32 $0x10  }
0x21: {  	s18 =	simm.s32 $0x300;
	s21 =	simm.s32 $0x3;
	s26 =	simm.s32 $0x80  }
0x22: {  	v0 =	vimm.f32 $0.0e+00;
	s0 =	simm.s32 $0x4;
	[dreg:$0x1a] =	wrdreg s22;
	s22 =	simm.s32 $0x100  }
.LBB2_1:
0x23: {  	s8 =	sand.u32 $0x7E00, s4  }
0x24: {  	s9 =	sand.u32 $0x70, s4;
	s15 =	sshrl.u32 s8, $0x2  }
0x25: {  	s8 =	simm.s32 $0x40;
	s15 =	sor.u32 s9, s15;
	s9 =	simm.s32 $0x0  }
.LBB2_2:
0x26: {  	p0 =	sne.s32 s8, $0x4FC0  }
0x27: {  	[tilespmem:s15+$0x8B00] =	vst v0;
	s9 =	sadd.s32 $0x10, s9;
	s15 =	smov.u32 s8;
	s8 =	sadd.s32 $0x40, s8  }
.Ltmp0:
0x28: {  	(pc) =	sbr.rel @p0 .LBB2_2-.Ltmp0, $4  }
0x29: {  	_ = 	snop  }
0x2a: {  	s15 =	sand.u32 $0x7E00, s15  }
0x2b: {  	s16 =	sand.u32 $0x70, s9;
	s15 =	sshrl.u32 s15, $0x2  }
0x2c: {  	s15 =	sor.u32 s16, s15  }
0x2d: {  	[tilespmem:s15+$0x8B00] =	vst v0  }
0x2e: {  	[spmem:s13] =	stream.linear.scatter [tilespmem:s12], [sflag:$0x5], $0x1400, $0x38;
	[tilespmem:$0x1DF00] =	vst v63  }
0x2f: {  	_ =	swait.ge [sflag:s14], $0x1400  }
0x30: {  	[sflag:s14] =	ssyncset.done $0x0  }
0x31: {  	s8 =	rddreg [dreg:$0xc];
	[sflag:s14] =	ssyncadd.s32 $0xFFFFEC00  }
0x32: {  	[spmem:s8] =	stream.linear.scatter [tilespmem:s12], [sflag:$0x5], $0x1400, $0x38;
	[tilespmem:$0x1DF00] =	vst v63  }
0x33: {  	_ =	swait.ge [sflag:s14], $0x1400  }
0x34: {  	[sflag:s14] =	ssyncset.done $0x0  }
0x35: {  	s10 =	rddreg [dreg:$0xd];
	[sflag:s14] =	ssyncadd.s32 $0xFFFFEC00  }
0x36: {  	[spmem:s10] =	stream.linear.scatter [tilespmem:s12], [sflag:$0x5], $0x1400, $0x38;
	[tilespmem:$0x1DF00] =	vst v63  }
0x37: {  	_ =	swait.ge [sflag:s14], $0x1400  }
0x38: {  	[sflag:s14] =	ssyncset.done $0x0  }
0x39: {  	s15 =	rddreg [dreg:$0xe];
	[sflag:s14] =	ssyncadd.s32 $0xFFFFEC00  }
0x3a: {  	[spmem:s15] =	stream.linear.scatter [tilespmem:s12], [sflag:$0x5], $0x1400, $0x38;
	[tilespmem:$0x1DF00] =	vst v63  }
0x3b: {  	_ =	swait.ge [sflag:s14], $0x1400  }
0x3c: {  	[sflag:s14] =	ssyncset.done $0x0  }
0x3d: {  	s16 =	rddreg [dreg:$0x11];
	[sflag:s14] =	ssyncadd.s32 $0xFFFFEC00  }
0x3e: {  	[spmem:s16] =	stream.linear.scatter [tilespmem:s12], [sflag:$0x5], $0x1400, $0x38;
	[tilespmem:$0x1DF00] =	vst v63  }
0x3f: {  	_ =	swait.ge [sflag:s14], $0x1400  }
0x40: {  	[sflag:s14] =	ssyncset.done $0x0  }
0x41: {  	s9 =	rddreg [dreg:$0x12];
	[sflag:s14] =	ssyncadd.s32 $0xFFFFEC00  }
0x42: {  	[spmem:s9] =	stream.linear.scatter [tilespmem:s12], [sflag:$0x5], $0x1400, $0x38;
	[tilespmem:$0x1DF00] =	vst v63  }
0x43: {  	_ =	swait.ge [sflag:s14], $0x1400  }
0x44: {  	[sflag:s14] =	ssyncset.done $0x0  }
0x45: {  	s10 =	rddreg [dreg:$0x13];
	[sflag:s14] =	ssyncadd.s32 $0xFFFFEC00  }
0x46: {  	[spmem:s10] =	stream.linear.scatter [tilespmem:s12], [sflag:$0x5], $0x1400, $0x38;
	[tilespmem:$0x1DF00] =	vst v63  }
0x47: {  	_ =	swait.ge [sflag:s14], $0x1400  }
0x48: {  	[sflag:s14] =	ssyncset.done $0x0  }
0x49: {  	s15 =	rddreg [dreg:$0x14];
	[sflag:s14] =	ssyncadd.s32 $0xFFFFEC00  }
0x4a: {  	[spmem:s15] =	stream.linear.scatter [tilespmem:s12], [sflag:$0x5], $0x1400, $0x38;
	[tilespmem:$0x1DF00] =	vst v63  }
0x4b: {  	_ =	swait.ge [sflag:s14], $0x1400  }
0x4c: {  	[sflag:s14] =	ssyncset.done $0x0  }
0x4d: {  	s16 =	rddreg [dreg:$0x15];
	[sflag:s14] =	ssyncadd.s32 $0xFFFFEC00  }
0x4e: {  	[spmem:s16] =	stream.linear.scatter [tilespmem:s12], [sflag:$0x5], $0x1400, $0x38;
	[tilespmem:$0x1DF00] =	vst v63  }
0x4f: {  	_ =	swait.ge [sflag:s14], $0x1400  }
0x50: {  	[sflag:s14] =	ssyncset.done $0x0  }
0x51: {  	s9 =	rddreg [dreg:$0x16];
	[sflag:s14] =	ssyncadd.s32 $0xFFFFEC00  }
0x52: {  	[spmem:s9] =	stream.linear.scatter [tilespmem:s12], [sflag:$0x5], $0x1400, $0x38;
	[tilespmem:$0x1DF00] =	vst v63  }
0x53: {  	_ =	swait.ge [sflag:s14], $0x1400  }
0x54: {  	[sflag:s14] =	ssyncset.done $0x0  }
0x55: {  	s10 =	rddreg [dreg:$0x17];
	[sflag:s14] =	ssyncadd.s32 $0xFFFFEC00  }
0x56: {  	[spmem:s10] =	stream.linear.scatter [tilespmem:s12], [sflag:$0x5], $0x1400, $0x38;
	[tilespmem:$0x1DF00] =	vst v63  }
0x57: {  	_ =	swait.ge [sflag:s14], $0x1400  }
0x58: {  	[sflag:s14] =	ssyncset.done $0x0  }
0x59: {  	s15 =	rddreg [dreg:$0x18];
	[sflag:s14] =	ssyncadd.s32 $0xFFFFEC00  }
0x5a: {  	[spmem:s15] =	stream.linear.scatter [tilespmem:s12], [sflag:$0x5], $0x1400, $0x38;
	[tilespmem:$0x1DF00] =	vst v63  }
0x5b: {  	_ =	swait.ge [sflag:s14], $0x1400  }
0x5c: {  	[sflag:s14] =	ssyncset.done $0x0  }
0x5d: {  	s16 =	rddreg [dreg:$0x19];
	[sflag:s14] =	ssyncadd.s32 $0xFFFFEC00  }
0x5e: {  	[spmem:s16] =	stream.linear.scatter [tilespmem:s12], [sflag:$0x5], $0x1400, $0x38;
	[tilespmem:$0x1DF00] =	vst v63  }
0x5f: {  	_ =	swait.ge [sflag:s14], $0x1400  }
0x60: {  	[sflag:s14] =	ssyncset.done $0x0  }
0x61: {  	s9 =	rddreg [dreg:$0x1a];
	[sflag:s14] =	ssyncadd.s32 $0xFFFFEC00  }
0x62: {  	[spmem:s9] =	stream.linear.scatter [tilespmem:s12], [sflag:$0x5], $0x1400, $0x38;
	[tilespmem:$0x1DF00] =	vst v63  }
0x63: {  	_ =	swait.ge [sflag:s14], $0x1400  }
0x64: {  	[sflag:s14] =	ssyncset.done $0x0  }
0x65: {  	s10 =	rddreg [dreg:$0x1b];
	[sflag:s14] =	ssyncadd.s32 $0xFFFFEC00  }
0x66: {  	[spmem:s10] =	stream.linear.scatter [tilespmem:s12], [sflag:$0x5], $0x1400, $0x38;
	[tilespmem:$0x1DF00] =	vst v63  }
0x67: {  	_ =	swait.ge [sflag:s14], $0x1400  }
0x68: {  	[sflag:s14] =	ssyncset.done $0x0  }
0x69: {  	[sflag:s14] =	ssyncadd.s32 $0xFFFFEC00  }
0x6a: {  	[spmem:s11] =	stream.linear.scatter [tilespmem:s12], [sflag:$0x5], $0x1400, $0x38;
	[tilespmem:$0x1DF00] =	vst v63  }
0x6b: {  	_ =	swait.ge [sflag:s14], $0x1400  }
0x6c: {  	[sflag:s14] =	ssyncset.done $0x0  }
0x6d: {  	[sflag:s14] =	ssyncadd.s32 $0xFFFFEC00  }
0x6e: {  	[bflag:$0x0] =	sbarrier.arrive $0xFFFF  }
0x6f: {  	s8 =	simm.s32 $0x0;
	s10 =	simm.s32 $0x200;
	s9 =	rddreg [dreg:$0x4]  }
0x70: {  	[tilespmem:s10], [sflag:$0x5] =	stream.linear.gather [hbm4b:s9+s8], $0x10, $0x38;
	[tilespmem:$0x1DF00] =	vst v63  }
0x71: {  	_ =	swait.ge [sflag:s14], $0x10  }
0x72: {  	[sflag:s14] =	ssyncset.done $0x0  }
0x73: {  	s16 =	simm.s32 $0x280;
	s15 =	rddreg [dreg:$0x5];
	[sflag:s14] =	ssyncadd.s32 $0xFFFFFFF0  }
0x74: {  	[tilespmem:s16], [sflag:$0x5] =	stream.linear.gather [hbm4b:s15+s8], $0x10, $0x38;
	[tilespmem:$0x1DF00] =	vst v63  }
0x75: {  	_ =	swait.ge [sflag:s14], $0x10  }
0x76: {  	[sflag:s14] =	ssyncset.done $0x0  }
0x77: {  	[sflag:s14] =	ssyncadd.s32 $0xFFFFFFF0  }
0x78: {  	[tilespmem:s18], [sflag:$0x3] =	stream.indirect.gather [hbm4b:s1+s17], $0x80, s10, s17, $0xb8;
	[tilespmem:$0x1DF00] =	vst v63  }
0x79: {  	_ =	swait.ge [sflag:s21], $0x800  }
0x7a: {  	[sflag:s21] =	ssyncset.done $0x0  }
0x7b: {  	[sflag:s21] =	ssyncadd.s32 $0xFFFFF800  }
0x7c: {  	[spmem:s2] =	stream.indirect.scatter.add.f32 [tilespmem:s18], [sflag:$0x5], $0x80, s16, s17, $0xb8;
	[tilespmem:$0x1DF00] =	vst v63  }
0x7d: {  	_ =	swait.ge [sflag:s14], $0x800  }
0x7e: {  	[sflag:s14] =	ssyncset.done $0x0  }
0x7f: {  	s16 =	rddreg [dreg:$0x6];
	[sflag:s14] =	ssyncadd.s32 $0xFFFFF800  }
0x80: {  	[tilespmem:s8], [sflag:$0x5] =	stream.linear.gather [hbm4b:s16+s8], $0x80, $0x38;
	[tilespmem:$0x1DF00] =	vst v63  }
0x81: {  	_ =	swait.ge [sflag:s14], $0x80  }
0x82: {  	[sflag:s14] =	ssyncset.done $0x0  }
0x83: {  	s10 =	rddreg [dreg:$0x7];
	[sflag:s14] =	ssyncadd.s32 $0xFFFFFF80  }
0x84: {  	[tilespmem:s22], [sflag:$0x5] =	stream.linear.gather [hbm4b:s10+s8], $0x80, $0x38;
	[tilespmem:$0x1DF00] =	vst v63  }
0x85: {  	_ =	swait.ge [sflag:s14], $0x80  }
0x86: {  	[sflag:s14] =	ssyncset.done $0x0  }
0x87: {  	[sflag:s14] =	ssyncadd.s32 $0xFFFFFF80  }
0x88: {  	[tilespmem:s28], [sflag:$0x3] =	stream.indirect.gather [hbm4b:s1+s26], $0x80, s8, s26, $0xb8;
	[tilespmem:$0x1DF00] =	vst v63  }
0x89: {  	s15 =	rddreg [dreg:$0x8]  }
0x8a: {  	[tilespmem:s26], [sflag:$0x2] =	stream.linear.gather [hbm4b:s15+s8], $0x80, $0x38;
	[tilespmem:$0x1DF00] =	vst v63  }
0x8b: {  	s16 =	rddreg [dreg:$0x9]  }
0x8c: {  	[tilespmem:s29], [sflag:$0x2] =	stream.linear.gather [hbm4b:s16+s8], $0x80, $0x38;
	[tilespmem:$0x1DF00] =	vst v63  }
0x8d: {  	_ =	swait.ge [sflag:s21], $0x4000  }
0x8e: {  	[sflag:s21] =	ssyncset.done $0x0  }
0x8f: {  	[sflag:s21] =	ssyncadd.s32 $0xFFFFC000  }
0x90: {  	_ =	swait.ge [sflag:s30], $0x80  }
0x91: {  	[sflag:s30] =	ssyncset.done $0x0  }
0x92: {  	[sflag:s30] =	ssyncadd.s32 $0xFFFFFF80  }
0x93: {  	_ =	swait.ge [sflag:s30], $0x80  }
0x94: {  	[sflag:s30] =	ssyncset.done $0x0  }
0x95: {  	[sflag:s30] =	ssyncadd.s32 $0xFFFFFF80  }
0x96: {  	[tilespmem:s31], [sflag:$0x4] =	stream.indirect.gather [hbm4b:s1+s26], $0x80, s26, s26, $0xb8;
	[tilespmem:$0x1DF00] =	vst v63  }
0x97: {  	_ = 	snop  }
0x98: {  	[spmem:s2] =	stream.indirect.scatter.add.f32 [tilespmem:s28], [sflag:$0x5], $0x80, s22, s26, $0xb8;
	[tilespmem:$0x1DF00] =	vst v63  }
0x99: {  	_ =	swait.ge [sflag:s14], $0x4000  }
0x9a: {  	s10 =	sshrl.u32 s23, $0x3;
	[sflag:s14] =	ssyncset.done $0x0  }
0x9b: {  	s15 =	sadd.s32 s5, s10;
	[sflag:s14] =	ssyncadd.s32 $0xFFFFC000  }
0x9c: {  	[tilespmem:s4], [sflag:$0x1] =	stream.linear.gather [hbm4b:s15+s4], $0x80, $0x38;
	[tilespmem:$0x1DF00] =	vst v63  }
0x9d: {  	s8 =	sadd.s32 s6, s10  }
0x9e: {  	[tilespmem:s22], [sflag:$0x1] =	stream.linear.gather [hbm4b:s8+s4], $0x80, $0x38;
	[tilespmem:$0x1DF00] =	vst v63  }
0x9f: {  	_ =	swait.ge [sflag:s0], $0x4000  }
0xa0: {  	[sflag:s0] =	ssyncset.done $0x0  }
0xa1: {  	[sflag:s0] =	ssyncadd.s32 $0xFFFFC000  }
0xa2: {  	_ =	swait.ge [sflag:s3], $0x80  }
0xa3: {  	[sflag:s3] =	ssyncset.done $0x0  }
0xa4: {  	[sflag:s3] =	ssyncadd.s32 $0xFFFFFF80  }
0xa5: {  	_ =	swait.ge [sflag:s3], $0x80  }
0xa6: {  	[sflag:s3] =	ssyncset.done $0x0  }
0xa7: {  	[sflag:s3] =	ssyncadd.s32 $0xFFFFFF80  }
0xa8: {  	[tilespmem:s28], [sflag:$0x3] =	stream.indirect.gather [hbm4b:s1+s26], $0x80, s4, s26, $0xb8;
	[tilespmem:$0x1DF00] =	vst v63  }
0xa9: {  	_ = 	snop  }
0xaa: {  	[spmem:s2] =	stream.indirect.scatter.add.f32 [tilespmem:s31], [sflag:$0x5], $0x80, s29, s26, $0xb8;
	[tilespmem:$0x1DF00] =	vst v63  }
0xab: {  	_ =	swait.ge [sflag:s14], $0x4000  }
0xac: {  	s9 =	sadd.s32 $0x0, s24;
	s16 =	sadd.s32 $0x0, s25;
	[sflag:s14] =	ssyncset.done $0x0  }
0xad: {  	s15 =	sadd.s32 $0x100, s23;
	s8 =	simm.s32 $0x20;
	[sflag:s14] =	ssyncadd.s32 $0xFFFFC000  }
0xae: {  	[tilespmem:s26], [sflag:$0x2] =	stream.linear.gather [hbm4b:s16+s4], $0x80, $0x38;
	[tilespmem:$0x1DF00] =	vst v63  }
.LBB2_4:
0xaf: {  	[tilespmem:s29], [sflag:$0x2] =	stream.linear.gather [hbm4b:s9+s4], $0x80, $0x38;
	[tilespmem:$0x1DF00] =	vst v63  }
0xb0: {  	s9 =	smov.u32 s8  }
0xb1: {  	p0 =	sne.s32 s8, $0x480;
	s8 =	sadd.s32 $0x20, s8;
	_ =	swait.ge [sflag:s21], $0x4000  }
0xb2: {  	[sflag:s21] =	ssyncset.done $0x0  }
0xb3: {  	[sflag:s21] =	ssyncadd.s32 $0xFFFFC000  }
0xb4: {  	_ =	swait.ge [sflag:s30], $0x80  }
0xb5: {  	[sflag:s30] =	ssyncset.done $0x0  }
0xb6: {  	[sflag:s30] =	ssyncadd.s32 $0xFFFFFF80  }
0xb7: {  	_ =	swait.ge [sflag:s30], $0x80  }
0xb8: {  	[sflag:s30] =	ssyncset.done $0x0  }
0xb9: {  	[sflag:s30] =	ssyncadd.s32 $0xFFFFFF80  }
0xba: {  	[tilespmem:s31], [sflag:$0x4] =	stream.indirect.gather [hbm4b:s1+s26], $0x80, s26, s26, $0xb8;
	[tilespmem:$0x1DF00] =	vst v63  }
0xbb: {  	_ = 	snop  }
0xbc: {  	[spmem:s2] =	stream.indirect.scatter.add.f32 [tilespmem:s28], [sflag:$0x5], $0x80, s22, s26, $0xb8;
	[tilespmem:$0x1DF00] =	vst v63  }
0xbd: {  	_ =	swait.ge [sflag:s14], $0x4000  }
0xbe: {  	s16 =	sshrl.u32 s15, $0x3;
	[sflag:s14] =	ssyncset.done $0x0  }
0xbf: {  	s10 =	sadd.s32 s5, s16;
	[sflag:s14] =	ssyncadd.s32 $0xFFFFC000  }
0xc0: {  	[tilespmem:s4], [sflag:$0x1] =	stream.linear.gather [hbm4b:s10+s4], $0x80, $0x38;
	[tilespmem:$0x1DF00] =	vst v63  }
0xc1: {  	s10 =	sadd.s32 s6, s16  }
0xc2: {  	[tilespmem:s22], [sflag:$0x1] =	stream.linear.gather [hbm4b:s10+s4], $0x80, $0x38;
	[tilespmem:$0x1DF00] =	vst v63  }
0xc3: {  	_ =	swait.ge [sflag:s0], $0x4000  }
0xc4: {  	[sflag:s0] =	ssyncset.done $0x0  }
0xc5: {  	[sflag:s0] =	ssyncadd.s32 $0xFFFFC000  }
0xc6: {  	_ =	swait.ge [sflag:s3], $0x80  }
0xc7: {  	[sflag:s3] =	ssyncset.done $0x0  }
0xc8: {  	[sflag:s3] =	ssyncadd.s32 $0xFFFFFF80  }
0xc9: {  	_ =	swait.ge [sflag:s3], $0x80  }
0xca: {  	[sflag:s3] =	ssyncset.done $0x0  }
0xcb: {  	[sflag:s3] =	ssyncadd.s32 $0xFFFFFF80  }
0xcc: {  	[tilespmem:s28], [sflag:$0x3] =	stream.indirect.gather [hbm4b:s1+s26], $0x80, s4, s26, $0xb8;
	[tilespmem:$0x1DF00] =	vst v63  }
0xcd: {  	_ = 	snop  }
0xce: {  	[spmem:s2] =	stream.indirect.scatter.add.f32 [tilespmem:s31], [sflag:$0x5], $0x80, s29, s26, $0xb8;
	[tilespmem:$0x1DF00] =	vst v63  }
.Ltmp1:
0xcf: {  	_ =	swait.ge [sflag:s14], $0x4000;
	(pc) =	sbr.rel @p0 .LBB2_4-.Ltmp1, $4  }
0xd0: {  	[sflag:s14] =	ssyncset.done $0x0  }
0xd1: {  	s10 =	sadd.s32 s9, s25;
	[sflag:s14] =	ssyncadd.s32 $0xFFFFC000  }
0xd2: {  	[tilespmem:s26], [sflag:$0x2] =	stream.linear.gather [hbm4b:s10+s4], $0x80, $0x38;
	[tilespmem:$0x1DF00] =	vst v63  }
0xd3: {  	s15 =	sadd.s32 $0x100, s15;
	s9 =	sadd.s32 s9, s24  }
0xd4: {  	[tilespmem:s29], [sflag:$0x2] =	stream.linear.gather [hbm4b:s9+s4], $0x80, $0x38;
	[tilespmem:$0x1DF00] =	vst v63  }
0xd5: {  	_ =	swait.ge [sflag:s21], $0x4000  }
0xd6: {  	[sflag:s21] =	ssyncset.done $0x0  }
0xd7: {  	[sflag:s21] =	ssyncadd.s32 $0xFFFFC000  }
0xd8: {  	_ =	swait.ge [sflag:s30], $0x80  }
0xd9: {  	[sflag:s30] =	ssyncset.done $0x0  }
0xda: {  	[sflag:s30] =	ssyncadd.s32 $0xFFFFFF80  }
0xdb: {  	_ =	swait.ge [sflag:s30], $0x80  }
0xdc: {  	[sflag:s30] =	ssyncset.done $0x0  }
0xdd: {  	[sflag:s30] =	ssyncadd.s32 $0xFFFFFF80  }
0xde: {  	[tilespmem:s31], [sflag:$0x4] =	stream.indirect.gather [hbm4b:s1+s26], $0x80, s26, s26, $0xb8;
	[tilespmem:$0x1DF00] =	vst v63  }
0xdf: {  	_ = 	snop  }
0xe0: {  	[spmem:s2] =	stream.indirect.scatter.add.f32 [tilespmem:s28], [sflag:$0x5], $0x80, s22, s26, $0xb8;
	[tilespmem:$0x1DF00] =	vst v63  }
0xe1: {  	_ =	swait.ge [sflag:s14], $0x4000  }
0xe2: {  	[sflag:s14] =	ssyncset.done $0x0  }
0xe3: {  	s8 =	rddreg [dreg:$0xf];
	[sflag:s14] =	ssyncadd.s32 $0xFFFFC000  }
0xe4: {  	[tilespmem:s4], [sflag:$0x1] =	stream.linear.gather [hbm4b:s8+s4], $0x80, $0x38;
	[tilespmem:$0x1DF00] =	vst v63  }
0xe5: {  	s9 =	rddreg [dreg:$0x10]  }
0xe6: {  	[tilespmem:s22], [sflag:$0x1] =	stream.linear.gather [hbm4b:s9+s4], $0x80, $0x38;
	[tilespmem:$0x1DF00] =	vst v63  }
0xe7: {  	_ =	swait.ge [sflag:s0], $0x4000  }
0xe8: {  	[sflag:s0] =	ssyncset.done $0x0  }
0xe9: {  	[sflag:s0] =	ssyncadd.s32 $0xFFFFC000  }
0xea: {  	_ =	swait.ge [sflag:s3], $0x80  }
0xeb: {  	[sflag:s3] =	ssyncset.done $0x0  }
0xec: {  	[sflag:s3] =	ssyncadd.s32 $0xFFFFFF80  }
0xed: {  	_ =	swait.ge [sflag:s3], $0x80  }
0xee: {  	[sflag:s3] =	ssyncset.done $0x0  }
0xef: {  	[sflag:s3] =	ssyncadd.s32 $0xFFFFFF80  }
0xf0: {  	[tilespmem:s28], [sflag:$0x3] =	stream.indirect.gather [hbm4b:s1+s26], $0x80, s4, s26, $0xb8;
	[tilespmem:$0x1DF00] =	vst v63  }
0xf1: {  	_ = 	snop  }
0xf2: {  	[spmem:s2] =	stream.indirect.scatter.add.f32 [tilespmem:s31], [sflag:$0x5], $0x80, s29, s26, $0xb8;
	[tilespmem:$0x1DF00] =	vst v63  }
0xf3: {  	_ =	swait.ge [sflag:s14], $0x4000  }
0xf4: {  	[sflag:s14] =	ssyncset.done $0x0  }
0xf5: {  	[sflag:s14] =	ssyncadd.s32 $0xFFFFC000  }
0xf6: {  	[tilespmem:s26], [sflag:$0x2] =	stream.linear.gather [hbm4b:s19+s4], $0x80, $0x38;
	[tilespmem:$0x1DF00] =	vst v63  }
0xf7: {  	_ = 	snop  }
0xf8: {  	[tilespmem:s29], [sflag:$0x2] =	stream.linear.gather [hbm4b:s20+s4], $0x80, $0x38;
	[tilespmem:$0x1DF00] =	vst v63  }
0xf9: {  	_ =	swait.ge [sflag:s21], $0x4000  }
0xfa: {  	[sflag:s21] =	ssyncset.done $0x0  }
0xfb: {  	[sflag:s21] =	ssyncadd.s32 $0xFFFFC000  }
0xfc: {  	_ =	swait.ge [sflag:s30], $0x80  }
0xfd: {  	[sflag:s30] =	ssyncset.done $0x0  }
0xfe: {  	[sflag:s30] =	ssyncadd.s32 $0xFFFFFF80  }
0xff: {  	_ =	swait.ge [sflag:s30], $0x80  }
0x100: {  	[sflag:s30] =	ssyncset.done $0x0  }
0x101: {  	[sflag:s30] =	ssyncadd.s32 $0xFFFFFF80  }
0x102: {  	[tilespmem:s31], [sflag:$0x4] =	stream.indirect.gather [hbm4b:s1+s26], $0x80, s26, s26, $0xb8;
	[tilespmem:$0x1DF00] =	vst v63  }
0x103: {  	_ = 	snop  }
0x104: {  	[spmem:s2] =	stream.indirect.scatter.add.f32 [tilespmem:s28], [sflag:$0x5], $0x80, s22, s26, $0xb8;
	[tilespmem:$0x1DF00] =	vst v63  }
0x105: {  	_ =	swait.ge [sflag:s14], $0x4000  }
0x106: {  	[sflag:s14] =	ssyncset.done $0x0  }
0x107: {  	[sflag:s14] =	ssyncadd.s32 $0xFFFFC000  }
0x108: {  	[tilespmem:s4], [sflag:$0x1] =	stream.linear.gather [hbm4b:s19+s4], $0x80, $0x38;
	[tilespmem:$0x1DF00] =	vst v63  }
0x109: {  	_ = 	snop  }
0x10a: {  	[tilespmem:s22], [sflag:$0x1] =	stream.linear.gather [hbm4b:s20+s4], $0x80, $0x38;
	[tilespmem:$0x1DF00] =	vst v63  }
0x10b: {  	_ =	swait.ge [sflag:s0], $0x4000  }
0x10c: {  	[sflag:s0] =	ssyncset.done $0x0  }
0x10d: {  	[sflag:s0] =	ssyncadd.s32 $0xFFFFC000  }
0x10e: {  	_ =	swait.ge [sflag:s3], $0x80  }
0x10f: {  	[sflag:s3] =	ssyncset.done $0x0  }
0x110: {  	[sflag:s3] =	ssyncadd.s32 $0xFFFFFF80  }
0x111: {  	_ =	swait.ge [sflag:s3], $0x80  }
0x112: {  	[sflag:s3] =	ssyncset.done $0x0  }
0x113: {  	[sflag:s3] =	ssyncadd.s32 $0xFFFFFF80  }
0x114: {  	[tilespmem:s28], [sflag:$0x3] =	stream.indirect.gather [hbm4b:s1+s26], $0x80, s4, s26, $0xb8;
	[tilespmem:$0x1DF00] =	vst v63  }
0x115: {  	_ = 	snop  }
0x116: {  	[spmem:s2] =	stream.indirect.scatter.add.f32 [tilespmem:s31], [sflag:$0x5], $0x80, s29, s26, $0xb8;
	[tilespmem:$0x1DF00] =	vst v63  }
0x117: {  	_ =	swait.ge [sflag:s14], $0x4000  }
0x118: {  	[sflag:s14] =	ssyncset.done $0x0  }
0x119: {  	[sflag:s14] =	ssyncadd.s32 $0xFFFFC000  }
0x11a: {  	[tilespmem:s26], [sflag:$0x2] =	stream.linear.gather [hbm4b:s19+s4], $0x80, $0x38;
	[tilespmem:$0x1DF00] =	vst v63  }
0x11b: {  	_ = 	snop  }
0x11c: {  	[tilespmem:s29], [sflag:$0x2] =	stream.linear.gather [hbm4b:s20+s4], $0x80, $0x38;
	[tilespmem:$0x1DF00] =	vst v63  }
0x11d: {  	_ =	swait.ge [sflag:s30], $0x80  }
0x11e: {  	[sflag:s30] =	ssyncset.done $0x0  }
0x11f: {  	[sflag:s30] =	ssyncadd.s32 $0xFFFFFF80  }
0x120: {  	_ =	swait.ge [sflag:s30], $0x80  }
0x121: {  	[sflag:s30] =	ssyncset.done $0x0  }
0x122: {  	[sflag:s30] =	ssyncadd.s32 $0xFFFFFF80  }
0x123: {  	_ =	swait.ge [sflag:s21], $0x4000  }
0x124: {  	[sflag:s21] =	ssyncset.done $0x0  }
0x125: {  	s10 =	stileid.u32;
	[sflag:s21] =	ssyncadd.s32 $0xFFFFC000  }
0x126: {  	s8 =	sshll.u32 s10, $0x6;
	[bflag:$0x0] =	sbarrier.arrive $0xFFFF  }
0x127: {  	s15 =	sshrl.u32 s13, $0x3;
	s8 =	sor.u32 $0x1C05, s8;
	s10 =	rddreg [dreg:$0xa]  }
0x128: {  	[hbm:s10], [sflag:s8] =	dma.local [spmem:s15], $0x2800  }
0x129: {  	_ =	swait.ge [sflag:s14], $0x2800  }
0x12a: {  	s7 =	sadd.s32 $0x1, s7;
	s16 =	rddreg [dreg:$0xb]  }
0x12b: {  	p0 =	sne.s32 s7, s16  }
.Ltmp2:
0x12c: {  	_ = 	snop;
	(pc) =	sbr.rel @p0 .LBB2_1-.Ltmp2, $3  }
0x12d: {  	_ =	sdelay $0x1  }
0x12e: {  	[sflag:s14] =	ssyncset.done $0x0  }
0x12f: {  	[sflag:s14] =	ssyncadd.s32 $0xFFFFD800  }
0x130: {  	_ =	sfence.sel $0x180000  }
0x131: {  	[bflag:$0x0] =	sbarrier.arrive $0xFFFF  }
0x132: {  	_ =	strace $0x9000004D  }
0x133: {  	s0 =	stileid.u32;
	[bflag:$0x2] =	sbarrier.arrive $0xFFFF  }
0x134: {  	p0 =	sne.s32 s0, $0x0;
	s0 =	rddreg [dreg:$0x3]  }
0x135: {  	s0 =	sadd.s32 @!p0 $0x100000, s0  }
0x136: {  	[sflag:s0] =	ssyncadd.tile.s32 @!p0 $0x1;
	_ =	shalt  }
.Lfunc_end2:
_tile_overlayer_lowered:
.L_overlay_start_2:
0x137: {  	(tag) =	ssettag $0x2  }
0x138: {  	s0 =	rddreg [dreg:$0x0];
	s2 =	stileid.u32  }
0x139: {  	s1 =	rddreg [dreg:$0x1];
	p0 =	sne.s32 s2, $0x0  }
0x13a: {  	s3 =	rddreg [dreg:$0x2];
	[bflag:$0x3] =	sbarrier.arrive $0xFFFF;
	s2 =	simm.s32 @!p0 $0x1C05  }
0x13b: {  	[timem:s3], [sflag:s2] =	dma.local @!p0 [hbm:s0], s1  }
0x13c: {  	s0 =	simm.s32 @!p0 $0x5  }
0x13d: {  	_ =	swait.ge @!p0 [sflag:s0], s1  }
0x13e: {  	s1 =	ssub.s32 @!p0 $0x0, s1;
	[sflag:s0] =	ssyncset.done @!p0 $0x0  }
0x13f: {  	[sflag:s0] =	ssyncadd.s32 @!p0 s1  }
0x140: {  	[bflag:$0x3] =	sbarrier.arrive $0xFFFF  }
0x141: {  	_ =	shalt  }

// kernel: kernel.9.cloned.1.call-start
scs
__scs_entry_jumppad:
0x0: {  	(pc) =	sbr.rel $0x88, $3  }
0x1: {  	(tag) =	ssettag $0x0;
	lr =	simm.s32 $0x1  }
0x2: {  	[smem:$0x3F9B] =	sst lr;
	_ =	strace $0xD0000000  }
0x3: {  	_ = 	snop  }
0x4: {  	_ = 	snop  }
0x5: {  	_ = 	snop  }
0x6: {  	_ = 	snop  }
0x7: {  	_ = 	snop  }
__scs_overlays_trampoline_lowered:
0x8: {  	[smem:$0x3FAA] =	sst s0  }
0x9: {  	[smem:$0x3FAB] =	sst s1  }
0xa: {  	[smem:$0x3FAC] =	sst s2  }
0xb: {  	[smem:$0x3FAD] =	sst s3  }
0xc: {  	[smem:$0x3FAE] =	sst s4  }
0xd: {  	[smem:$0x3FAF] =	sst s5  }
0xe: {  	[smem:$0x3FB0] =	sst s6  }
0xf: {  	[smem:$0x3FB1] =	sst s7  }
0x10: {  	[smem:$0x3FB2] =	sst s8  }
0x11: {  	[smem:$0x3FB3] =	sst s9;
	s0 =	simm.s32 @!p0 $0x0  }
0x12: {  	s1 =	sld [smem:$0x3F99];
	s0 =	simm.s32 @p0 $0x1  }
0x13: {  	[smem:$0x3FB4] =	sst s0;
	s0 =	simm.s32 @!p1 $0x0  }
0x14: {  	s2 =	sld [smem:$0x3F98];
	s0 =	simm.s32 @p1 $0x1  }
0x15: {  	[smem:$0x3FB5] =	sst s0;
	s0 =	simm.s32 @!p2 $0x0  }
0x16: {  	s3 =	sld [smem:$0x3FDB];
	s0 =	simm.s32 @p2 $0x1  }
0x17: {  	s4 =	simm.s32 $0x1BF5;
	[smem:$0x3FB7] =	sst s0  }
0x18: {  	s0 =	sld [smem:$0x3F9A];
	_ =	swait.ge [sflag:s4], $0x0  }
0x19: {  	s7 =	sld [smem:$0x3F9B]  }
0x1a: {  	s8 =	sadd.s32 $0xFFFFE003, lr  }
0x1b: {  	s9 =	sadd.s32 $0xFFFFFEF7, lr;
	s5 =	simm.s32 $0xFFFFFFFF;
	p2 =	slt.u32 s8, $0xFFFFF086  }
0x1c: {  	p1 =	slt.u32 s9, $0xF7A;
	s5 =	simm.s32 @!p2 $0x0  }
0x1d: {  	s5 =	simm.s32 @p1 $0x1;
	p0 =	seq.s32 s7, s2  }
0x1e: {  	s7 =	smul.u32 @!p0 $0xF7A, s2;
	p2 =	seq.s32 @!p0 s5, $0x0  }
0x1f: {  	s9 =	smul.u32 $0xF7A, s1;
	s8 =	simm.s32 @!p0 $0x1BF5;
	p2 =	por !p2, p0  }
0x20: {  	[sflag:s8] =	ssyncset.s32 @!p0 $0xFFFFF086;
	s6 =	sadd.s32 @!p0 s3, s7;
	s7 =	simm.s32 @!p0 $0x108  }
0x21: {  	s3 =	sadd.s32 s3, s9;
	s6 =	sadd.s32 @!p0 $0x88, s6;
	s7 =	simm.s32 @p2 $0x1082  }
0x22: {  	[simem:s7], [sflag:s8] =	dma.local @!p0 [hbm:s6], $0xF7A  }
0x23: {  	s9 =	sor.u32 $0xD0000000, s2;
	s6 =	simm.s32 $0x108;
	_ =	swait.ge @!p0 [sflag:s8], $0x0  }
0x24: {  	s3 =	sadd.s32 $0x88, s3;
	s6 =	simm.s32 @!p1 $0x1082;
	[sflag:s4] =	ssyncset.s32 $0xFFFFF086  }
0x25: {  	[simem:s6], [sflag:s4] =	dma.local [hbm:s3], $0xF7A  }
0x26: {  	[smem:$0x3F9B] =	sst s1;
	(tag) =	ssettag s2;
	_ =	strace s9  }
0x27: {  	s1 =	sld [smem:$0x3FAB]  }
0x28: {  	s2 =	sld [smem:$0x3FAC]  }
0x29: {  	s4 =	sld [smem:$0x3FAE]  }
0x2a: {  	p0 =	seq.s32 s5, $0x0;
	s5 =	sld [smem:$0x3FAF]  }
0x2b: {  	s6 =	sld [smem:$0x3FB0]  }
0x2c: {  	s7 =	sld [smem:$0x3FB1]  }
0x2d: {  	s3 =	simm.s32 $0x108;
	s8 =	sld [smem:$0x3FB2]  }
0x2e: {  	s3 =	simm.s32 @!p0 $0x1082;
	s9 =	sld [smem:$0x3FB3]  }
0x2f: {  	lr =	sadd.s32 s0, s3;
	s0 =	sld [smem:$0x3FAA]  }
0x30: {  	s3 =	sld [smem:$0x3FAD]  }
0x31: {  	[smem:$0x3FB6] =	sst s10  }
0x32: {  	s10 =	sld [smem:$0x3FB4];
	_ =	sdelay $0x3  }
0x33: {  	p0 =	seq.s32 s10, $0x1;
	s10 =	sld [smem:$0x3FB6];
	_ =	sdelay $0x3  }
0x34: {  	[smem:$0x3FB6] =	sst s10  }
0x35: {  	s10 =	sld [smem:$0x3FB5];
	_ =	sdelay $0x3  }
0x36: {  	p1 =	seq.s32 s10, $0x1;
	s10 =	sld [smem:$0x3FB6];
	_ =	sdelay $0x3  }
0x37: {  	[smem:$0x3FB6] =	sst s10  }
0x38: {  	s10 =	sld [smem:$0x3FB7]  }
0x39: {  	_ = 	snop;
	(pc) =	sbr.ind lr, $3  }
0x3a: {  	_ = 	snop  }
0x3b: {  	_ = 	snop  }
0x3c: {  	p2 =	seq.s32 s10, $0x1;
	s10 =	sld [smem:$0x3FB6]  }
0x3d: {  	_ =	shalt  }
0x3e: {  	_ =	shalt  }
0x3f: {  	_ =	shalt  }
0x40: {  	_ =	shalt  }
0x41: {  	_ =	shalt  }
0x42: {  	_ =	shalt  }
0x43: {  	_ =	shalt  }
0x44: {  	_ =	shalt  }
0x45: {  	_ =	shalt  }
0x46: {  	_ =	shalt  }
0x47: {  	_ =	shalt  }
0x48: {  	_ =	shalt  }
0x49: {  	_ =	shalt  }
0x4a: {  	_ =	shalt  }
0x4b: {  	_ =	shalt  }
0x4c: {  	_ =	shalt  }
0x4d: {  	_ =	shalt  }
0x4e: {  	_ =	shalt  }
0x4f: {  	_ =	shalt  }
0x50: {  	_ =	shalt  }
0x51: {  	_ =	shalt  }
0x52: {  	_ =	shalt  }
0x53: {  	_ =	shalt  }
0x54: {  	_ =	shalt  }
0x55: {  	_ =	shalt  }
0x56: {  	_ =	shalt  }
0x57: {  	_ =	shalt  }
0x58: {  	_ =	shalt  }
0x59: {  	_ =	shalt  }
0x5a: {  	_ =	shalt  }
0x5b: {  	_ =	shalt  }
0x5c: {  	_ =	shalt  }
0x5d: {  	_ =	shalt  }
0x5e: {  	_ =	shalt  }
0x5f: {  	_ =	shalt  }
0x60: {  	_ =	shalt  }
0x61: {  	_ =	shalt  }
0x62: {  	_ =	shalt  }
0x63: {  	_ =	shalt  }
0x64: {  	_ =	shalt  }
0x65: {  	_ =	shalt  }
0x66: {  	_ =	shalt  }
0x67: {  	_ =	shalt  }
0x68: {  	_ =	shalt  }
0x69: {  	_ =	shalt  }
0x6a: {  	_ =	shalt  }
0x6b: {  	_ =	shalt  }
0x6c: {  	_ =	shalt  }
0x6d: {  	_ =	shalt  }
0x6e: {  	_ =	shalt  }
0x6f: {  	_ =	shalt  }
0x70: {  	_ =	shalt  }
0x71: {  	_ =	shalt  }
0x72: {  	_ =	shalt  }
0x73: {  	_ =	shalt  }
0x74: {  	_ =	shalt  }
0x75: {  	_ =	shalt  }
0x76: {  	_ =	shalt  }
0x77: {  	_ =	shalt  }
0x78: {  	_ =	shalt  }
0x79: {  	_ =	shalt  }
0x7a: {  	_ =	shalt  }
0x7b: {  	_ =	shalt  }
0x7c: {  	_ =	shalt  }
0x7d: {  	_ =	shalt  }
0x7e: {  	_ =	shalt  }
0x7f: {  	_ =	shalt  }
0x80: {  	_ =	shalt  }
0x81: {  	_ =	shalt  }
0x82: {  	_ =	shalt  }
0x83: {  	_ =	shalt  }
0x84: {  	_ =	shalt  }
0x85: {  	_ =	shalt  }
0x86: {  	_ =	shalt  }
0x87: {  	_ =	shalt  }
.Lfunc_end0:
.L_simem_size_0:
called_computation_lowered:
.L_overlay_start_0:
0x88: {  	s2 =	sld [smem:$0x3FD9]  }
0x89: {  	s3 =	sld [smem:$0x3FFE];
	_ =	sdelay $0x1  }
0x8a: {  	s1 =	srdreg.scid  }
0x8b: {  	s0 =	sand.u32 $0x1, s1  }
0x8c: {  	s17 =	sshll.u32 s0, $0xA;
	s2 =	sadd.s32 s3, s2  }
0x8d: {  	s2 =	sadd.s32 s2, s17  }
0x8e: {  	[smem:$0x3FC2] =	sst s2  }
0x8f: {  	_ = 	snop  }
0x90: {  	s2 =	sld [smem:$0x3FD0];
	(tm) =	ssettm $0x1  }
0x91: {  	s18 =	sld [smem:$0x3FFB];
	_ =	sdelay $0x3  }
0x92: {  	_ =	strace s18  }
0x93: {  	s3 =	sld [smem:$0x3FFC];
	_ =	sdelay $0x3  }
0x94: {  	_ =	strace s3  }
0x95: {  	s3 =	sld [smem:$0x3FFD];
	_ =	sdelay $0x3  }
0x96: {  	_ =	strace s3  }
0x97: {  	_ =	strace $0x8FFFFFFF  }
0x98: {  	s19 =	sld [smem:$0x3FDB];
	_ =	sdelay $0x1  }
0x99: {  	s4 =	simm.s32 $_scs_section_size  }
0x9a: {  	s5 =	simm.s32 $_size__tile_overlayer_lowered;
	s6 =	simm.s32 $_tile_overlayer_lowered  }
0x9b: {  	s22 =	simm.s32 $0x1BFF;
	s21 =	sshll.u32 s6, $0x1;
	s3 =	sadd.s32 s4, s19  }
0x9c: {  	s7 =	simm.s32 $0x0;
	s20 =	sshll.u32 s5, $0x1;
	s5 =	sadd.s32 s21, s3  }
0x9d: {  	[timem:s7], [sflag:s22] =	dma.local [hbm:s5], s20  }
0x9e: {  	_ =	swait.ge [sflag:s22], s20  }
0x9f: {  	s4 =	ssub.s32 $0x0, s20;
	[sflag:s22] =	ssyncset.done $0x0  }
0xa0: {  	[sflag:s22] =	ssyncadd.s32 s4;
	_ =	sdelay $0x1  }
0xa1: {  	s23 =	simm.s32 $0x1B8B  }
0xa2: {  	_ =	swait.ge [sflag:s23], $0x1  }
0xa3: {  	[sflag:s23] =	ssyncset.done $0x0  }
0xa4: {  	s25 =	simm.s32 $0x1B8E;
	s24 =	sld [smem:$0x3FFE];
	[sflag:s23] =	ssyncadd.s32 $0xFFFFFFFF  }
0xa5: {  	s26 =	simm.s32 $execute0_lowered;
	[smem:$0x3FD2] =	sst s25  }
0xa6: {  	s5 =	sshll.u32 s26, $0x1;
	_ =	strace $0x80000046;
	[dreg:$0x1] =	wrdreg $0xFFFFFFFF  }
0xa7: {  	s28 =	simm.s32 $_size_execute0_lowered;
	s3 =	sadd.s32 s3, s5;
	[dreg:$0x0] =	wrdreg $0x0  }
0xa8: {  	s5 =	sshll.u32 s28, $0x1;
	[dreg:$0x2] =	wrdreg s3  }
0xa9: {  	[dreg:$0x3] =	wrdreg s5  }
0xaa: {  	[dreg:$0x4] =	wrdreg $0xC0  }
0xab: {  	_ =	task [dreg:s7], $0x5FFFF  }
0xac: {  	[dreg:$0x1] =	wrdreg $0xFFFFFFFF  }
0xad: {  	[dreg:$0x0] =	wrdreg $0x60  }
0xae: {  	[dreg:$0x2] =	wrdreg s24  }
0xaf: {  	[dreg:$0x3] =	wrdreg s2  }
0xb0: {  	[dreg:$0x4] =	wrdreg $0x4000  }
0xb1: {  	[dreg:$0x5] =	wrdreg $0x9  }
0xb2: {  	_ =	task.clear_ibuf [dreg:s7], $0x6FFFF;
	_ =	strace $0x90000046  }
0xb3: {  	s29 =	simm.s32 $0x9;
	_ =	strace $0x80000048  }
0xb4: {  	_ =	swait.ge [sflag:s29], $0x1  }
0xb5: {  	[sflag:s29] =	ssyncadd.s32 $0xFFFFFFFF  }
0xb6: {  	_ =	strace $0x90000048  }
0xb7: {  	_ =	sfence  }
0xb8: {  	s30 =	sld [smem:$0x0];
	_ =	sdelay $0x2  }
0xb9: {  	s31 =	sshll.u32 s1, $0xD;
	s1 =	sshrl.u32 s1, $0x2  }
0xba: {  	s3 =	sand.u32 $0x4000, s31;
	s1 =	sadd.s32 s1, s30  }
0xbb: {  	s0 =	sor.u32 s3, s0;
	s1 =	sshll.u32 s1, $0x11  }
0xbc: {  	s0 =	sor.u32 s1, s0  }
0xbd: {  	s0 =	sadd.s32 $0x8F2B, s0  }
0xbe: {  	[sflag:s0] =	ssyncadd.remote.s32 $0x1  }
0xbf: {  	_ =	sfence.sel $0xFFFF  }
0xc0: {  	[dreg:$0x0] =	wrdreg $0xFFFFFFFF;
	(pc) =	sbr.abs _section_cstart, $3  }
0xc1: {  	[dreg:$0x1] =	wrdreg $0xFFFFFFFF  }
0xc2: {  	_ =	task.clear_ibuf [dreg:s7], $0x2FFFF;
	_ =	strace $0x9FFFFFFF  }
0xc3: {  	(tm) =	ssettm $0x7FFFFFFF  }
tec
execute0_lowered:
.L_overlay_start_1:
0x0: {  	(tag) =	ssettag $0x1  }
0x1: {  	s4 =	rddreg [dreg:$0x0]  }
0x2: {  	s8 =	rddreg [dreg:$0x1]  }
0x3: {  	s1 =	rddreg [dreg:$0x2]  }
0x4: {  	s2 =	srdreg.scid;
	s0 =	rddreg [dreg:$0x3]  }
0x5: {  	s3 =	simm.s32 $0x0;
	s16 =	simm.s32 $0x50;
	s17 =	simm.s32 $0x100  }
0x6: {  	s18 =	simm.s32 $0x80;
	s19 =	simm.s32 $0x1;
	s5 =	sand.u32 $0x1, s2  }
0x7: {  	s20 =	simm.s32 $0x2;
	s2 =	stileid.u32;
	s6 =	smul.u32 $0x27100, s5  }
0x8: {  	s23 =	simm.s32 $0x0;
	[smem:$0x7FF] =	sst s3;
	s7 =	smul.u32 $0x2710, s2  }
0x9: {  	s13 =	sadd.s32 $0x1A00, s4;
	_ =	strace $0x80000047;
	s10 =	smul.u32 $0x280, s2  }
0xa: {  	s9 =	ssub.s32 $0x2, s5;
	s28 =	smul.u32 $0x2800, s5;
	s21 =	sshll.u32 s2, $0x6  }
0xb: {  	s11 =	sshrl.u32 s9, $0x1;
	s21 =	sor.u32 $0x1C03, s21;
	s12 =	sadd.s32 s7, s6  }
0xc: {  	s9 =	ssub.s32 s9, s11;
	s4 =	sadd.s32 s10, s1;
	s10 =	sadd.s32 s10, s28  }
0xd: {  	s29 =	sshrl.u32 s12, $0x3;
	s10 =	sshrl.u32 s10, $0x3;
	s9 =	smax.u32 s9, $0x1  }
0xe: {  	s30 =	sadd.s32 $0x140, s12;
	s15 =	sadd.s32 $0xF0, s12;
	s22 =	sshrl.u32 s4, $0x3  }
0xf: {  	s5 =	sadd.s32 s13, s29;
	s8 =	sadd.s32 s8, s10;
	s14 =	sshrl.u32 s30, $0x3  }
0x10: {  	s31 =	sshrl.u32 s15, $0x3;
	s15 =	simm.s32 $0x3;
	s6 =	sadd.s32 $0xA, s5  }
0x11: {  	s7 =	sadd.s32 $0x14, s5;
	s10 =	sadd.s32 $0x4D8, s5;
	s11 =	sadd.s32 $0x4CE, s5  }
0x12: {  	v0 =	vimm.f32 $1.000000000e+00;
	v1 =	vimm.f32 $0.0e+00;
	s12 =	sadd.s32 s14, s13;
	s13 =	sadd.s32 s31, s13;
	s14 =	simm.s32 $0x180  }
.LBB2_1:
0x13: {  	[tilespmem:$0x100] =	vst v0  }
0x14: {  	[tilespmem:$0x110] =	vst v0  }
0x15: {  	[tilespmem:$0x120] =	vst v0  }
0x16: {  	[tilespmem:$0x130] =	vst v0  }
0x17: {  	[tilespmem:$0x140] =	vst v0  }
0x18: {  	[tilespmem:$0x180] =	vst v1  }
0x19: {  	[tilespmem:$0x190] =	vst v1  }
0x1a: {  	[tilespmem:$0x1A0] =	vst v1  }
0x1b: {  	[tilespmem:$0x1B0] =	vst v1  }
0x1c: {  	[tilespmem:$0x1C0] =	vst v1  }
0x1d: {  	[tilespmem:$0x1D0] =	vst v1  }
0x1e: {  	[tilespmem:$0x1E0] =	vst v1  }
0x1f: {  	[tilespmem:$0x1F0] =	vst v1  }
0x20: {  	[tilespmem:$0x200] =	vst v1  }
0x21: {  	[tilespmem:$0x210] =	vst v1  }
0x22: {  	[tilespmem:$0x220] =	vst v1  }
0x23: {  	[tilespmem:$0x230] =	vst v1  }
0x24: {  	[tilespmem:$0x240] =	vst v1  }
0x25: {  	[tilespmem:$0x250] =	vst v1  }
0x26: {  	[tilespmem:$0x260] =	vst v1  }
0x27: {  	[tilespmem:$0x270] =	vst v1  }
0x28: {  	[tilespmem:$0x280] =	vst v1  }
0x29: {  	[tilespmem:$0x290] =	vst v1  }
0x2a: {  	[tilespmem:$0x2A0] =	vst v1  }
0x2b: {  	[tilespmem:$0x2B0] =	vst v1  }
0x2c: {  	[tilespmem:$0x2C0] =	vst v1  }
0x2d: {  	[tilespmem:$0x2D0] =	vst v1  }
0x2e: {  	[tilespmem:$0x2E0] =	vst v1  }
0x2f: {  	[tilespmem:$0x2F0] =	vst v1  }
0x30: {  	[tilespmem:$0x300] =	vst v1  }
0x31: {  	[tilespmem:$0x310] =	vst v1  }
0x32: {  	[tilespmem:$0x320] =	vst v1  }
0x33: {  	[tilespmem:$0x330] =	vst v1  }
0x34: {  	[tilespmem:$0x340] =	vst v1  }
0x35: {  	[tilespmem:$0x350] =	vst v1  }
0x36: {  	[tilespmem:$0x360] =	vst v1  }
0x37: {  	[tilespmem:$0x370] =	vst v1  }
0x38: {  	[tilespmem:$0x380] =	vst v1  }
0x39: {  	[tilespmem:$0x390] =	vst v1  }
0x3a: {  	[tilespmem:$0x3A0] =	vst v1  }
0x3b: {  	[tilespmem:$0x3B0] =	vst v1  }
0x3c: {  	[tilespmem:$0x3C0] =	vst v1  }
0x3d: {  	[tilespmem:$0x3D0] =	vst v1  }
0x3e: {  	[tilespmem:$0x3E0] =	vst v1  }
0x3f: {  	[tilespmem:$0x3F0] =	vst v1  }
0x40: {  	[spmem:s4] =	stream.linear.scatter [tilespmem:s14], [sflag:$0x3], $0x280, $0x38;
	[tilespmem:$0x680] =	vst v63  }
0x41: {  	_ =	swait.ge [sflag:s15], $0x280  }
0x42: {  	[sflag:s15] =	ssyncset.done $0x0  }
0x43: {  	[sflag:s15] =	ssyncadd.s32 $0xFFFFFD80  }
0x44: {  	[bflag:$0x0] =	sbarrier.arrive $0xFFFF  }
0x45: {  	[tilespmem:s3], [sflag:$0x3] =	stream.linear.gather [hbm4b:s5+s3], $0x50, $0x38;
	[tilespmem:$0x680] =	vst v63  }
0x46: {  	_ =	swait.ge [sflag:s15], $0x50  }
0x47: {  	[sflag:s15] =	ssyncset.done $0x0  }
0x48: {  	[sflag:s15] =	ssyncadd.s32 $0xFFFFFFB0  }
0x49: {  	[spmem:s1] =	stream.indirect.scatter.add.f32 [tilespmem:s17], [sflag:$0x3], $0x1, s3, s16, $0xb8;
	[tilespmem:$0x680] =	vst v63  }
0x4a: {  	_ =	swait.ge [sflag:s15], $0x50  }
0x4b: {  	[sflag:s15] =	ssyncset.done $0x0  }
0x4c: {  	[sflag:s15] =	ssyncadd.s32 $0xFFFFFFB0  }
0x4d: {  	[tilespmem:s3], [sflag:$0x1] =	stream.linear.gather [hbm4b:s6+s3], $0x50, $0x38;
	[tilespmem:$0x680] =	vst v63  }
0x4e: {  	_ = 	snop  }
0x4f: {  	[tilespmem:s18], [sflag:$0x2] =	stream.linear.gather [hbm4b:s7+s3], $0x50, $0x38;
	[tilespmem:$0x680] =	vst v63  }
0x50: {  	_ =	swait.ge [sflag:s19], $0x50  }
0x51: {  	[sflag:s19] =	ssyncset.done $0x0  }
0x52: {  	[sflag:s19] =	ssyncadd.s32 $0xFFFFFFB0  }
0x53: {  	[spmem:s1] =	stream.indirect.scatter.add.f32 [tilespmem:s17], [sflag:$0x3], $0x1, s3, s16, $0xb8;
	[tilespmem:$0x680] =	vst v63  }
0x54: {  	_ =	swait.ge [sflag:s15], $0x50  }
0x55: {  	[sflag:s15] =	ssyncset.done $0x0  }
0x56: {  	s24 =	sadd.s32 $0x0, s13;
	[sflag:s15] =	ssyncadd.s32 $0xFFFFFFB0  }
0x57: {  	[tilespmem:s3], [sflag:$0x1] =	stream.linear.gather [hbm4b:s24+s3], $0x50, $0x38;
	[tilespmem:$0x680] =	vst v63  }
0x58: {  	_ =	swait.ge [sflag:s20], $0x50  }
0x59: {  	[sflag:s20] =	ssyncset.done $0x0  }
0x5a: {  	[sflag:s20] =	ssyncadd.s32 $0xFFFFFFB0  }
0x5b: {  	[spmem:s1] =	stream.indirect.scatter.add.f32 [tilespmem:s17], [sflag:$0x3], $0x1, s18, s16, $0xb8;
	[tilespmem:$0x680] =	vst v63  }
0x5c: {  	_ =	swait.ge [sflag:s15], $0x50  }
0x5d: {  	[sflag:s15] =	ssyncset.done $0x0  }
0x5e: {  	s25 =	sadd.s32 $0x0, s12;
	s24 =	simm.s32 $0x14;
	[sflag:s15] =	ssyncadd.s32 $0xFFFFFFB0  }
.LBB2_2:
0x5f: {  	[tilespmem:s18], [sflag:$0x2] =	stream.linear.gather [hbm4b:s25+s3], $0x50, $0x38;
	[tilespmem:$0x680] =	vst v63  }
0x60: {  	s25 =	smov.u32 s24  }
0x61: {  	p0 =	sne.s32 s24, $0x49C;
	s24 =	sadd.s32 $0x14, s24;
	_ =	swait.ge [sflag:s19], $0x50  }
0x62: {  	[sflag:s19] =	ssyncset.done $0x0  }
0x63: {  	[sflag:s19] =	ssyncadd.s32 $0xFFFFFFB0  }
0x64: {  	[spmem:s1] =	stream.indirect.scatter.add.f32 [tilespmem:s17], [sflag:$0x3], $0x1, s3, s16, $0xb8;
	[tilespmem:$0x680] =	vst v63  }
0x65: {  	_ =	swait.ge [sflag:s15], $0x50  }
0x66: {  	[sflag:s15] =	ssyncset.done $0x0  }
0x67: {  	s26 =	sadd.s32 s25, s13;
	[sflag:s15] =	ssyncadd.s32 $0xFFFFFFB0  }
0x68: {  	[tilespmem:s3], [sflag:$0x1] =	stream.linear.gather [hbm4b:s26+s3], $0x50, $0x38;
	[tilespmem:$0x680] =	vst v63  }
0x69: {  	_ =	swait.ge [sflag:s20], $0x50  }
0x6a: {  	[sflag:s20] =	ssyncset.done $0x0  }
.Ltmp0:
0x6b: {  	[sflag:s20] =	ssyncadd.s32 $0xFFFFFFB0;
	(pc) =	sbr.rel @p0 .LBB2_2-.Ltmp0, $4  }
0x6c: {  	[spmem:s1] =	stream.indirect.scatter.add.f32 [tilespmem:s17], [sflag:$0x3], $0x1, s18, s16, $0xb8;
	[tilespmem:$0x680] =	vst v63  }
0x6d: {  	_ =	swait.ge [sflag:s15], $0x50  }
0x6e: {  	[sflag:s15] =	ssyncset.done $0x0  }
0x6f: {  	s25 =	sadd.s32 s25, s12;
	[sflag:s15] =	ssyncadd.s32 $0xFFFFFFB0  }
0x70: {  	[tilespmem:s18], [sflag:$0x2] =	stream.linear.gather [hbm4b:s25+s3], $0x50, $0x38;
	[tilespmem:$0x680] =	vst v63  }
0x71: {  	_ =	swait.ge [sflag:s19], $0x50  }
0x72: {  	[sflag:s19] =	ssyncset.done $0x0  }
0x73: {  	[sflag:s19] =	ssyncadd.s32 $0xFFFFFFB0  }
0x74: {  	[spmem:s1] =	stream.indirect.scatter.add.f32 [tilespmem:s17], [sflag:$0x3], $0x1, s3, s16, $0xb8;
	[tilespmem:$0x680] =	vst v63  }
0x75: {  	_ =	swait.ge [sflag:s15], $0x50  }
0x76: {  	[sflag:s15] =	ssyncset.done $0x0  }
0x77: {  	[sflag:s15] =	ssyncadd.s32 $0xFFFFFFB0  }
0x78: {  	[tilespmem:s3], [sflag:$0x1] =	stream.linear.gather [hbm4b:s11+s3], $0x50, $0x38;
	[tilespmem:$0x680] =	vst v63  }
0x79: {  	_ =	swait.ge [sflag:s20], $0x50  }
0x7a: {  	[sflag:s20] =	ssyncset.done $0x0  }
0x7b: {  	[sflag:s20] =	ssyncadd.s32 $0xFFFFFFB0  }
0x7c: {  	[spmem:s1] =	stream.indirect.scatter.add.f32 [tilespmem:s17], [sflag:$0x3], $0x1, s18, s16, $0xb8;
	[tilespmem:$0x680] =	vst v63  }
0x7d: {  	_ =	swait.ge [sflag:s15], $0x50  }
0x7e: {  	[sflag:s15] =	ssyncset.done $0x0  }
0x7f: {  	[sflag:s15] =	ssyncadd.s32 $0xFFFFFFB0  }
0x80: {  	[tilespmem:s18], [sflag:$0x2] =	stream.linear.gather [hbm4b:s10+s3], $0x50, $0x38;
	[tilespmem:$0x680] =	vst v63  }
0x81: {  	_ =	swait.ge [sflag:s19], $0x50  }
0x82: {  	[sflag:s19] =	ssyncset.done $0x0  }
0x83: {  	[sflag:s19] =	ssyncadd.s32 $0xFFFFFFB0  }
0x84: {  	[spmem:s1] =	stream.indirect.scatter.add.f32 [tilespmem:s17], [sflag:$0x3], $0x1, s3, s16, $0xb8;
	[tilespmem:$0x680] =	vst v63  }
0x85: {  	_ =	swait.ge [sflag:s15], $0x50  }
0x86: {  	[sflag:s15] =	ssyncset.done $0x0  }
0x87: {  	[sflag:s15] =	ssyncadd.s32 $0xFFFFFFB0  }
0x88: {  	[tilespmem:s3], [sflag:$0x1] =	stream.linear.gather [hbm4b:s10+s3], $0x50, $0x38;
	[tilespmem:$0x680] =	vst v63  }
0x89: {  	_ =	swait.ge [sflag:s20], $0x50  }
0x8a: {  	[sflag:s20] =	ssyncset.done $0x0  }
0x8b: {  	[sflag:s20] =	ssyncadd.s32 $0xFFFFFFB0  }
0x8c: {  	[spmem:s1] =	stream.indirect.scatter.add.f32 [tilespmem:s17], [sflag:$0x3], $0x1, s18, s16, $0xb8;
	[tilespmem:$0x680] =	vst v63  }
0x8d: {  	_ =	swait.ge [sflag:s15], $0x50  }
0x8e: {  	[sflag:s15] =	ssyncset.done $0x0  }
0x8f: {  	[sflag:s15] =	ssyncadd.s32 $0xFFFFFFB0  }
0x90: {  	[tilespmem:s18], [sflag:$0x2] =	stream.linear.gather [hbm4b:s10+s3], $0x50, $0x38;
	[tilespmem:$0x680] =	vst v63  }
0x91: {  	_ =	swait.ge [sflag:s19], $0x50  }
0x92: {  	[sflag:s19] =	ssyncset.done $0x0  }
0x93: {  	[sflag:s19] =	ssyncadd.s32 $0xFFFFFFB0  }
0x94: {  	_ =	swait.ge [sflag:s20], $0x50  }
0x95: {  	s23 =	sadd.s32 $0x1, s23;
	[sflag:s20] =	ssyncset.done $0x0  }
0x96: {  	p0 =	sne.s32 s23, s9;
	[sflag:s20] =	ssyncadd.s32 $0xFFFFFFB0  }
.Ltmp1:
0x97: {  	[bflag:$0x0] =	sbarrier.arrive $0xFFFF;
	(pc) =	sbr.rel @p0 .LBB2_1-.Ltmp1, $4  }
0x98: {  	[hbm:s8], [sflag:s21] =	dma.local [spmem:s22], $0x50  }
0x99: {  	_ =	swait.ge [sflag:s15], $0x50  }
0x9a: {  	[sflag:s15] =	ssyncset.done $0x0  }
0x9b: {  	[sflag:s15] =	ssyncadd.s32 $0xFFFFFFB0  }
0x9c: {  	_ =	sfence.sel $0x180000  }
0x9d: {  	[bflag:$0x0] =	sbarrier.arrive $0xFFFF  }
0x9e: {  	p0 =	sne.s32 s2, $0x0;
	_ =	strace $0x90000047  }
0x9f: {  	s0 =	sadd.s32 @!p0 $0x100000, s0;
	[bflag:$0x2] =	sbarrier.arrive $0xFFFF  }
0xa0: {  	[sflag:s0] =	ssyncadd.tile.s32 @!p0 $0x1;
	_ =	shalt  }
.Lfunc_end2:
_tile_overlayer_lowered:
.L_overlay_start_2:
0xa1: {  	(tag) =	ssettag $0x2  }
0xa2: {  	s0 =	rddreg [dreg:$0x0];
	s2 =	stileid.u32  }
0xa3: {  	s1 =	rddreg [dreg:$0x1];
	p0 =	sne.s32 s2, $0x0  }
0xa4: {  	s3 =	rddreg [dreg:$0x2];
	[bflag:$0x3] =	sbarrier.arrive $0xFFFF;
	s2 =	simm.s32 @!p0 $0x1C03  }
0xa5: {  	[timem:s3], [sflag:s2] =	dma.local @!p0 [hbm:s0], s1  }
0xa6: {  	s0 =	simm.s32 @!p0 $0x3  }
0xa7: {  	_ =	swait.ge @!p0 [sflag:s0], s1  }
0xa8: {  	s1 =	ssub.s32 @!p0 $0x0, s1;
	[sflag:s0] =	ssyncset.done @!p0 $0x0  }
0xa9: {  	[sflag:s0] =	ssyncadd.s32 @!p0 s1  }
0xaa: {  	[bflag:$0x3] =	sbarrier.arrive $0xFFFF  }
0xab: {  	_ =	shalt  }

</sc_bundles>
